<compile_context>
chip_gen: v7x
topology: tpu7x:2x2x1
jax: 0.10.2.dev20260603
libtpu: 0.0.44.dev20260713+nightly
codegen_flags: <defaults>
</compile_context>

<pallas_src>
import functools

import jax
import jax.numpy as jnp
from jax import lax
from jax.experimental import pallas as pl
from jax.experimental.pallas import tpu as pltpu
from jax.experimental.pallas import tpu_sc as plsc

V = 100000
D = 128
BOS = 1
B = 4096
L = 200
N = B * L
NC, NS = 2, 16
NW = NC * NS
PER_W = N // NW
C = 128
CHUNKS_W = PER_W // C
NBUF = 5
NLANE = 16
NV = D // NLANE


def _sc_body(table_hbm, idx_hbm, out_hbm, idx_v, bos_v, *rest):
    bufs = rest[:NBUF]
    gsems = rest[NBUF:2 * NBUF]
    ssems = rest[2 * NBUF:3 * NBUF]
    wid = lax.axis_index("s") * NC + lax.axis_index("c")
    row0 = wid * PER_W

    pltpu.sync_copy(idx_hbm.at[pl.ds(row0, PER_W)], idx_v)
    pltpu.sync_copy(table_hbm.at[pl.ds(BOS, 1)], bos_v)

    lane = lax.iota(jnp.int32, NLANE)
    for m in range(PER_W // L):
        off = m * L
        sl = pl.ds((off // NLANE) * NLANE, NLANE)
        idx_v[sl] = jnp.where(lane == off % NLANE, BOS, idx_v[sl])

    bosv = [bos_v[0, pl.ds(v * NLANE, NLANE)] for v in range(NV)]

    NR = CHUNKS_W // NBUF

    def round_body(g, carry):
        j0 = g * NBUF
        gh = []
        for b in range(NBUF):
            @pl.when(g > 0)
            def _drain_prev_store(b=b):
                pltpu.make_async_copy(
                    bufs[b], out_hbm.at[pl.ds(row0, C)], ssems[b]).wait()

            gh.append(pltpu.async_copy(
                table_hbm.at[idx_v.at[pl.ds((j0 + b) * C, C)]],
                bufs[b], gsems[b]))
        for b in range(NBUF):
            gh[b].wait()
            buf = bufs[b]

            @plsc.parallel_loop(0, C, 1, unroll=2)
            def row_body(r):
                for v in range(NV):
                    sl = pl.ds(v * NLANE, NLANE)
                    buf[r, sl] = buf[r, sl] + bosv[v]

            pltpu.async_copy(
                buf, out_hbm.at[pl.ds(row0 + (j0 + b) * C, C)], ssems[b])
        return carry

    lax.fori_loop(0, NR, round_body, 0)
    for b in range(NBUF):
        pltpu.make_async_copy(
            bufs[b], out_hbm.at[pl.ds(row0, C)], ssems[b]).wait()


@functools.lru_cache(maxsize=1)
def _sc_kernel():
    mesh = plsc.VectorSubcoreMesh(
        core_axis_name="c", subcore_axis_name="s",
        num_cores=NC, num_subcores=NS)
    return pl.kernel(
        _sc_body,
        out_type=jax.ShapeDtypeStruct((N, D), jnp.float32),
        mesh=mesh,
        scratch_types=[
            pltpu.VMEM((PER_W,), jnp.int32),
            pltpu.VMEM((1, D), jnp.float32),
            *[pltpu.VMEM((C, D), jnp.float32) for _ in range(NBUF)],
            *[pltpu.SemaphoreType.DMA for _ in range(2 * NBUF)],
        ],
    )


def kernel(tokens, table):
    idx = tokens.astype(jnp.int32).reshape(N)
    out = _sc_kernel()(table, idx)
    return out.reshape(B, L, D)

# --- scband reference (transcript-rebuilt; emitter-appended) ---
"""Pipeline reference for scband-embeddings-with-token-sum-83399674954418 (READ-ONLY COPY).

The authoritative reference and input builder live on the scoring server;
editing this copy changes nothing except your own understanding.
"""

import jax, jax.numpy as jnp
import numpy as np

NUM_EMBEDDINGS = 100000
EMBEDDING_DIM = 128
BOS_IDX = 1
BATCH = 4096
SEQ = 200


def setup_inputs(seed: int = 0) -> dict:
    key = jax.random.key(seed)
    k_tok, k_tab = jax.random.split(key)
    tokens = jax.random.randint(k_tok, (BATCH, SEQ), 0, NUM_EMBEDDINGS, dtype=jnp.int64 if jax.config.jax_enable_x64 else jnp.int32)
    table = jax.random.normal(k_tab, (NUM_EMBEDDINGS, EMBEDDING_DIM), dtype=jnp.float32) * 0.02
    return {"tokens": tokens, "table": table}


def reference(tokens, table):
    # embeddings = base_embeddings(tokens)
    emb = jnp.take(table, tokens, axis=0)  # [B, L, D]
    # NOTE (torch aliasing semantics): in the original module,
    #   lang_embed = embeddings[0][0]  is a VIEW into embeddings.
    # The subsequent in-place write embeddings[:, 0] = emb(bos_idx) also
    # overwrites embeddings[0, 0], so at the time of the final addition
    # lang_embed equals the BOS embedding vector. We replicate that here.
    bos_vec = table[BOS_IDX]  # [D]
    emb = emb.at[:, 0].set(bos_vec)
    lang_embed = emb[0, 0]  # == bos_vec due to aliasing in the torch original
    return emb + lang_embed

if __name__ == "__main__":
    import jax
    _d = setup_inputs()
    print(jax.jit(kernel)(*tuple(_d.values())))

</pallas_src>

<mosaic_0001>
#map = affine_map<(d0, d1) -> (0, 0)>
#map1 = affine_map<(d0, d1) -> (0)>
module attributes {stable_mosaic.version = 14 : i64} {
  func.func @_sc_body(%arg0: i32, %arg1: i32, %arg2: memref<100000x128xf32, #tpu.memory_space<hbm>>, %arg3: memref<819200xi32, #tpu.memory_space<hbm>>, %arg4: memref<819200x128xf32, #tpu.memory_space<hbm>>, %arg5: memref<25600xi32, #tpu.memory_space<vmem>>, %arg6: memref<1x128xf32, #tpu.memory_space<vmem>>, %arg7: memref<128x128xf32, #tpu.memory_space<vmem>>, %arg8: memref<128x128xf32, #tpu.memory_space<vmem>>, %arg9: memref<128x128xf32, #tpu.memory_space<vmem>>, %arg10: memref<128x128xf32, #tpu.memory_space<vmem>>, %arg11: memref<128x128xf32, #tpu.memory_space<vmem>>, %arg12: memref<!tpu.dma_semaphore, #tpu.memory_space<semaphore_mem>>, %arg13: memref<!tpu.dma_semaphore, #tpu.memory_space<semaphore_mem>>, %arg14: memref<!tpu.dma_semaphore, #tpu.memory_space<semaphore_mem>>, %arg15: memref<!tpu.dma_semaphore, #tpu.memory_space<semaphore_mem>>, %arg16: memref<!tpu.dma_semaphore, #tpu.memory_space<semaphore_mem>>, %arg17: memref<!tpu.dma_semaphore, #tpu.memory_space<semaphore_mem>>, %arg18: memref<!tpu.dma_semaphore, #tpu.memory_space<semaphore_mem>>, %arg19: memref<!tpu.dma_semaphore, #tpu.memory_space<semaphore_mem>>, %arg20: memref<!tpu.dma_semaphore, #tpu.memory_space<semaphore_mem>>, %arg21: memref<!tpu.dma_semaphore, #tpu.memory_space<semaphore_mem>>) attributes {dimension_semantics = [#tpu.dimension_semantics<core_parallel>, #tpu.dimension_semantics<subcore_parallel>], iteration_bounds = array<i64: 2, 16>, scalar_prefetch = 0 : i64, scratch_operands = 17 : i64, tpu.core_type = #tpu.core_type<sc_vector_subcore>, window_params = [{transform_indices = #map}, {transform_indices = #map1}, {transform_indices = #map}]} {
    %mul3A = arith.constant 2 : i32
    %mul3A_0 = arith.muli %arg1, %mul3A : i32
    %add3A = arith.addi %mul3A_0, %arg0 : i32
    %mul3A_1 = arith.constant 25600 : i32
    %mul3A_2 = arith.muli %add3A, %mul3A_1 : i32
    "tpu.region"() ({
      %run_scoped3A = tpu.sem_alloc : memref<!tpu.dma_semaphore, #tpu.memory_space<semaphore_mem>>
      %dma_start3A = tpu.memref_slice %arg3[%mul3A_2] : memref<819200xi32, #tpu.memory_space<hbm>> -> memref<25600xi32, #tpu.memory_space<hbm>>
      %dma_start3A_1725 = tpu.memref_slice %arg3[%mul3A_2] : memref<819200xi32, #tpu.memory_space<hbm>> -> memref<25600xi32, #tpu.memory_space<hbm>>
      tpu.enqueue_dma source(%dma_start3A_1725 : memref<25600xi32, #tpu.memory_space<hbm>>) target(%arg5 : memref<25600xi32, #tpu.memory_space<vmem>>) target_semaphore(%run_scoped3A : memref<!tpu.dma_semaphore, #tpu.memory_space<semaphore_mem>>)
      %dma_wait3A_1726 = tpu.memref_slice %arg3[%mul3A_2] : memref<819200xi32, #tpu.memory_space<hbm>> -> memref<25600xi32, #tpu.memory_space<hbm>>
      %dma_wait3A_1727 = tpu.memref_slice %arg3[%mul3A_2] : memref<819200xi32, #tpu.memory_space<hbm>> -> memref<25600xi32, #tpu.memory_space<hbm>>
      tpu.wait_dma2 semaphore(%run_scoped3A : memref<!tpu.dma_semaphore, #tpu.memory_space<semaphore_mem>>) src(%dma_wait3A_1727 : memref<25600xi32, #tpu.memory_space<hbm>>) dst(%arg5 : memref<25600xi32, #tpu.memory_space<vmem>>)
      tpu.yield
    }) : () -> ()
    "tpu.region"() ({
      %run_scoped3A = tpu.sem_alloc : memref<!tpu.dma_semaphore, #tpu.memory_space<semaphore_mem>>
      %dma_start3A = arith.constant 1 : i32
      %dma_start3A_1725 = arith.constant 0 : i32
      %dma_start3A_1726 = tpu.memref_slice %arg2[%dma_start3A, %dma_start3A_1725] : memref<100000x128xf32, #tpu.memory_space<hbm>> -> memref<1x128xf32, #tpu.memory_space<hbm>>
      %dma_start3A_1727 = arith.constant 1 : i32
      %dma_start3A_1728 = arith.constant 0 : i32
      %dma_start3A_1729 = tpu.memref_slice %arg2[%dma_start3A_1727, %dma_start3A_1728] : memref<100000x128xf32, #tpu.memory_space<hbm>> -> memref<1x128xf32, #tpu.memory_space<hbm>>
      tpu.enqueue_dma source(%dma_start3A_1729 : memref<1x128xf32, #tpu.memory_space<hbm>>) target(%arg6 : memref<1x128xf32, #tpu.memory_space<vmem>>) target_semaphore(%run_scoped3A : memref<!tpu.dma_semaphore, #tpu.memory_space<semaphore_mem>>)
      %dma_wait3A_1730 = arith.constant 1 : i32
      %dma_wait3A_1731 = arith.constant 0 : i32
      %dma_wait3A_1732 = tpu.memref_slice %arg2[%dma_wait3A_1730, %dma_wait3A_1731] : memref<100000x128xf32, #tpu.memory_space<hbm>> -> memref<1x128xf32, #tpu.memory_space<hbm>>
      %dma_wait3A_1733 = arith.constant 1 : i32
      %dma_wait3A_1734 = arith.constant 0 : i32
      %dma_wait3A_1735 = tpu.memref_slice %arg2[%dma_wait3A_1733, %dma_wait3A_1734] : memref<100000x128xf32, #tpu.memory_space<hbm>> -> memref<1x128xf32, #tpu.memory_space<hbm>>
      tpu.wait_dma2 semaphore(%run_scoped3A : memref<!tpu.dma_semaphore, #tpu.memory_space<semaphore_mem>>) src(%dma_wait3A_1735 : memref<1x128xf32, #tpu.memory_space<hbm>>) dst(%arg6 : memref<1x128xf32, #tpu.memory_space<vmem>>)
      tpu.yield
    }) : () -> ()
    %iota3A = tpu.iota {dimensions = array<i32: 0>} : vector<16xi32>
    %eq3A = arith.constant 0 : i32
    %eq3A_3 = vector.broadcast %eq3A : i32 to vector<16xi32>
    %eq3A_4 = arith.cmpi eq, %iota3A, %eq3A_3 : vector<16xi32>
    %get3A = arith.constant 0 : index
    %get3A_5 = tpu.vector_load %arg5[%get3A] {strides = array<i32>} : memref<25600xi32, #tpu.memory_space<vmem>>, vector<16xi32>,
    %get3A_6 = vector.shape_cast %get3A_5 : vector<16xi32> to vector<16xi32>
    %jit3A = arith.constant 1 : i32
    %broadcast_in_dim3A = vector.broadcast %jit3A : i32 to vector<16xi32>
    %select_n3A = arith.select %eq3A_4, %broadcast_in_dim3A, %get3A_6 : vector<16xi1>, vector<16xi32>
    %swap3A = arith.constant 0 : index
    %swap3A_7 = tpu.vector_load %arg5[%swap3A] {strides = array<i32>} : memref<25600xi32, #tpu.memory_space<vmem>>, vector<16xi32>,
    %swap3A_8 = vector.shape_cast %swap3A_7 : vector<16xi32> to vector<16xi32>
    %swap3A_9 = vector.shape_cast %select_n3A : vector<16xi32> to vector<16xi32>
    tpu.vector_store %arg5[%swap3A], %swap3A_9 {strides = array<i32>} : memref<25600xi32, #tpu.memory_space<vmem>>, vector<16xi32>,
    %eq3A_10 = arith.constant 8 : i32
    %eq3A_11 = vector.broadcast %eq3A_10 : i32 to vector<16xi32>
    %eq3A_12 = arith.cmpi eq, %iota3A, %eq3A_11 : vector<16xi32>
    %get3A_13 = arith.constant 192 : index
    %get3A_14 = tpu.vector_load %arg5[%get3A_13] {strides = array<i32>} : memref<25600xi32, #tpu.memory_space<vmem>>, vector<16xi32>,
    %get3A_15 = vector.shape_cast %get3A_14 : vector<16xi32> to vector<16xi32>
    %jit3A_16 = arith.constant 1 : i32
    %broadcast_in_dim3A_17 = vector.broadcast %jit3A_16 : i32 to vector<16xi32>
    %select_n3A_18 = arith.select %eq3A_12, %broadcast_in_dim3A_17, %get3A_15 : vector<16xi1>, vector<16xi32>
    %swap3A_19 = arith.constant 192 : index
    %swap3A_20 = tpu.vector_load %arg5[%swap3A_19] {strides = array<i32>} : memref<25600xi32, #tpu.memory_space<vmem>>, vector<16xi32>,
    %swap3A_21 = vector.shape_cast %swap3A_20 : vector<16xi32> to vector<16xi32>
    %swap3A_22 = vector.shape_cast %select_n3A_18 : vector<16xi32> to vector<16xi32>
    tpu.vector_store %arg5[%swap3A_19], %swap3A_22 {strides = array<i32>} : memref<25600xi32, #tpu.memory_space<vmem>>, vector<16xi32>,
    %eq3A_23 = arith.constant 0 : i32
    %eq3A_24 = vector.broadcast %eq3A_23 : i32 to vector<16xi32>
    %eq3A_25 = arith.cmpi eq, %iota3A, %eq3A_24 : vector<16xi32>
    %get3A_26 = arith.constant 400 : index
    %get3A_27 = tpu.vector_load %arg5[%get3A_26] {strides = array<i32>} : memref<25600xi32, #tpu.memory_space<vmem>>, vector<16xi32>,
    %get3A_28 = vector.shape_cast %get3A_27 : vector<16xi32> to vector<16xi32>
    %jit3A_29 = arith.constant 1 : i32
    %broadcast_in_dim3A_30 = vector.broadcast %jit3A_29 : i32 to vector<16xi32>
    %select_n3A_31 = arith.select %eq3A_25, %broadcast_in_dim3A_30, %get3A_28 : vector<16xi1>, vector<16xi32>
    %swap3A_32 = arith.constant 400 : index
    %swap3A_33 = tpu.vector_load %arg5[%swap3A_32] {strides = array<i32>} : memref<25600xi32, #tpu.memory_space<vmem>>, vector<16xi32>,
    %swap3A_34 = vector.shape_cast %swap3A_33 : vector<16xi32> to vector<16xi32>
    %swap3A_35 = vector.shape_cast %select_n3A_31 : vector<16xi32> to vector<16xi32>
    tpu.vector_store %arg5[%swap3A_32], %swap3A_35 {strides = array<i32>} : memref<25600xi32, #tpu.memory_space<vmem>>, vector<16xi32>,
    %eq3A_36 = arith.constant 8 : i32
    %eq3A_37 = vector.broadcast %eq3A_36 : i32 to vector<16xi32>
    %eq3A_38 = arith.cmpi eq, %iota3A, %eq3A_37 : vector<16xi32>
    %get3A_39 = arith.constant 592 : index
    %get3A_40 = tpu.vector_load %arg5[%get3A_39] {strides = array<i32>} : memref<25600xi32, #tpu.memory_space<vmem>>, vector<16xi32>,
    %get3A_41 = vector.shape_cast %get3A_40 : vector<16xi32> to vector<16xi32>
    %jit3A_42 = arith.constant 1 : i32
    %broadcast_in_dim3A_43 = vector.broadcast %jit3A_42 : i32 to vector<16xi32>
    %select_n3A_44 = arith.select %eq3A_38, %broadcast_in_dim3A_43, %get3A_41 : vector<16xi1>, vector<16xi32>
    %swap3A_45 = arith.constant 592 : index
    %swap3A_46 = tpu.vector_load %arg5[%swap3A_45] {strides = array<i32>} : memref<25600xi32, #tpu.memory_space<vmem>>, vector<16xi32>,
    %swap3A_47 = vector.shape_cast %swap3A_46 : vector<16xi32> to vector<16xi32>
    %swap3A_48 = vector.shape_cast %select_n3A_44 : vector<16xi32> to vector<16xi32>
    tpu.vector_store %arg5[%swap3A_45], %swap3A_48 {strides = array<i32>} : memref<25600xi32, #tpu.memory_space<vmem>>, vector<16xi32>,
    %eq3A_49 = arith.constant 0 : i32
    %eq3A_50 = vector.broadcast %eq3A_49 : i32 to vector<16xi32>
    %eq3A_51 = arith.cmpi eq, %iota3A, %eq3A_50 : vector<16xi32>
    %get3A_52 = arith.constant 800 : index
    %get3A_53 = tpu.vector_load %arg5[%get3A_52] {strides = array<i32>} : memref<25600xi32, #tpu.memory_space<vmem>>, vector<16xi32>,
    %get3A_54 = vector.shape_cast %get3A_53 : vector<16xi32> to vector<16xi32>
    %jit3A_55 = arith.constant 1 : i32
    %broadcast_in_dim3A_56 = vector.broadcast %jit3A_55 : i32 to vector<16xi32>
    %select_n3A_57 = arith.select %eq3A_51, %broadcast_in_dim3A_56, %get3A_54 : vector<16xi1>, vector<16xi32>
    %swap3A_58 = arith.constant 800 : index
    %swap3A_59 = tpu.vector_load %arg5[%swap3A_58] {strides = array<i32>} : memref<25600xi32, #tpu.memory_space<vmem>>, vector<16xi32>,
    %swap3A_60 = vector.shape_cast %swap3A_59 : vector<16xi32> to vector<16xi32>
    %swap3A_61 = vector.shape_cast %select_n3A_57 : vector<16xi32> to vector<16xi32>
    tpu.vector_store %arg5[%swap3A_58], %swap3A_61 {strides = array<i32>} : memref<25600xi32, #tpu.memory_space<vmem>>, vector<16xi32>,
    %eq3A_62 = arith.constant 8 : i32
    %eq3A_63 = vector.broadcast %eq3A_62 : i32 to vector<16xi32>
    %eq3A_64 = arith.cmpi eq, %iota3A, %eq3A_63 : vector<16xi32>
    %get3A_65 = arith.constant 992 : index
    %get3A_66 = tpu.vector_load %arg5[%get3A_65] {strides = array<i32>} : memref<25600xi32, #tpu.memory_space<vmem>>, vector<16xi32>,
    %get3A_67 = vector.shape_cast %get3A_66 : vector<16xi32> to vector<16xi32>
    %jit3A_68 = arith.constant 1 : i32
    %broadcast_in_dim3A_69 = vector.broadcast %jit3A_68 : i32 to vector<16xi32>
    %select_n3A_70 = arith.select %eq3A_64, %broadcast_in_dim3A_69, %get3A_67 : vector<16xi1>, vector<16xi32>
    %swap3A_71 = arith.constant 992 : index
    %swap3A_72 = tpu.vector_load %arg5[%swap3A_71] {strides = array<i32>} : memref<25600xi32, #tpu.memory_space<vmem>>, vector<16xi32>,
    %swap3A_73 = vector.shape_cast %swap3A_72 : vector<16xi32> to vector<16xi32>
    %swap3A_74 = vector.shape_cast %select_n3A_70 : vector<16xi32> to vector<16xi32>
    tpu.vector_store %arg5[%swap3A_71], %swap3A_74 {strides = array<i32>} : memref<25600xi32, #tpu.memory_space<vmem>>, vector<16xi32>,
    %eq3A_75 = arith.constant 0 : i32
    %eq3A_76 = vector.broadcast %eq3A_75 : i32 to vector<16xi32>
    %eq3A_77 = arith.cmpi eq, %iota3A, %eq3A_76 : vector<16xi32>
    %get3A_78 = arith.constant 1200 : index
    %get3A_79 = tpu.vector_load %arg5[%get3A_78] {strides = array<i32>} : memref<25600xi32, #tpu.memory_space<vmem>>, vector<16xi32>,
    %get3A_80 = vector.shape_cast %get3A_79 : vector<16xi32> to vector<16xi32>
    %jit3A_81 = arith.constant 1 : i32
    %broadcast_in_dim3A_82 = vector.broadcast %jit3A_81 : i32 to vector<16xi32>
    %select_n3A_83 = arith.select %eq3A_77, %broadcast_in_dim3A_82, %get3A_80 : vector<16xi1>, vector<16xi32>
    %swap3A_84 = arith.constant 1200 : index
    %swap3A_85 = tpu.vector_load %arg5[%swap3A_84] {strides = array<i32>} : memref<25600xi32, #tpu.memory_space<vmem>>, vector<16xi32>,
    %swap3A_86 = vector.shape_cast %swap3A_85 : vector<16xi32> to vector<16xi32>
    %swap3A_87 = vector.shape_cast %select_n3A_83 : vector<16xi32> to vector<16xi32>
    tpu.vector_store %arg5[%swap3A_84], %swap3A_87 {strides = array<i32>} : memref<25600xi32, #tpu.memory_space<vmem>>, vector<16xi32>,
    %eq3A_88 = arith.constant 8 : i32
    %eq3A_89 = vector.broadcast %eq3A_88 : i32 to vector<16xi32>
    %eq3A_90 = arith.cmpi eq, %iota3A, %eq3A_89 : vector<16xi32>
    %get3A_91 = arith.constant 1392 : index
    %get3A_92 = tpu.vector_load %arg5[%get3A_91] {strides = array<i32>} : memref<25600xi32, #tpu.memory_space<vmem>>, vector<16xi32>,
    %get3A_93 = vector.shape_cast %get3A_92 : vector<16xi32> to vector<16xi32>
    %jit3A_94 = arith.constant 1 : i32
    %broadcast_in_dim3A_95 = vector.broadcast %jit3A_94 : i32 to vector<16xi32>
    %select_n3A_96 = arith.select %eq3A_90, %broadcast_in_dim3A_95, %get3A_93 : vector<16xi1>, vector<16xi32>
    %swap3A_97 = arith.constant 1392 : index
    %swap3A_98 = tpu.vector_load %arg5[%swap3A_97] {strides = array<i32>} : memref<25600xi32, #tpu.memory_space<vmem>>, vector<16xi32>,
    %swap3A_99 = vector.shape_cast %swap3A_98 : vector<16xi32> to vector<16xi32>
    %swap3A_100 = vector.shape_cast %select_n3A_96 : vector<16xi32> to vector<16xi32>
    tpu.vector_store %arg5[%swap3A_97], %swap3A_100 {strides = array<i32>} : memref<25600xi32, #tpu.memory_space<vmem>>, vector<16xi32>,
    %eq3A_101 = arith.constant 0 : i32
    %eq3A_102 = vector.broadcast %eq3A_101 : i32 to vector<16xi32>
    %eq3A_103 = arith.cmpi eq, %iota3A, %eq3A_102 : vector<16xi32>
    %get3A_104 = arith.constant 1600 : index
    %get3A_105 = tpu.vector_load %arg5[%get3A_104] {strides = array<i32>} : memref<25600xi32, #tpu.memory_space<vmem>>, vector<16xi32>,
    %get3A_106 = vector.shape_cast %get3A_105 : vector<16xi32> to vector<16xi32>
    %jit3A_107 = arith.constant 1 : i32
    %broadcast_in_dim3A_108 = vector.broadcast %jit3A_107 : i32 to vector<16xi32>
    %select_n3A_109 = arith.select %eq3A_103, %broadcast_in_dim3A_108, %get3A_106 : vector<16xi1>, vector<16xi32>
    %swap3A_110 = arith.constant 1600 : index
    %swap3A_111 = tpu.vector_load %arg5[%swap3A_110] {strides = array<i32>} : memref<25600xi32, #tpu.memory_space<vmem>>, vector<16xi32>,
    %swap3A_112 = vector.shape_cast %swap3A_111 : vector<16xi32> to vector<16xi32>
    %swap3A_113 = vector.shape_cast %select_n3A_109 : vector<16xi32> to vector<16xi32>
    tpu.vector_store %arg5[%swap3A_110], %swap3A_113 {strides = array<i32>} : memref<25600xi32, #tpu.memory_space<vmem>>, vector<16xi32>,
    %eq3A_114 = arith.constant 8 : i32
    %eq3A_115 = vector.broadcast %eq3A_114 : i32 to vector<16xi32>
    %eq3A_116 = arith.cmpi eq, %iota3A, %eq3A_115 : vector<16xi32>
    %get3A_117 = arith.constant 1792 : index
    %get3A_118 = tpu.vector_load %arg5[%get3A_117] {strides = array<i32>} : memref<25600xi32, #tpu.memory_space<vmem>>, vector<16xi32>,
    %get3A_119 = vector.shape_cast %get3A_118 : vector<16xi32> to vector<16xi32>
    %jit3A_120 = arith.constant 1 : i32
    %broadcast_in_dim3A_121 = vector.broadcast %jit3A_120 : i32 to vector<16xi32>
    %select_n3A_122 = arith.select %eq3A_116, %broadcast_in_dim3A_121, %get3A_119 : vector<16xi1>, vector<16xi32>
    %swap3A_123 = arith.constant 1792 : index
    %swap3A_124 = tpu.vector_load %arg5[%swap3A_123] {strides = array<i32>} : memref<25600xi32, #tpu.memory_space<vmem>>, vector<16xi32>,
    %swap3A_125 = vector.shape_cast %swap3A_124 : vector<16xi32> to vector<16xi32>
    %swap3A_126 = vector.shape_cast %select_n3A_122 : vector<16xi32> to vector<16xi32>
    tpu.vector_store %arg5[%swap3A_123], %swap3A_126 {strides = array<i32>} : memref<25600xi32, #tpu.memory_space<vmem>>, vector<16xi32>,
    %eq3A_127 = arith.constant 0 : i32
    %eq3A_128 = vector.broadcast %eq3A_127 : i32 to vector<16xi32>
    %eq3A_129 = arith.cmpi eq, %iota3A, %eq3A_128 : vector<16xi32>
    %get3A_130 = arith.constant 2000 : index
    %get3A_131 = tpu.vector_load %arg5[%get3A_130] {strides = array<i32>} : memref<25600xi32, #tpu.memory_space<vmem>>, vector<16xi32>,
    %get3A_132 = vector.shape_cast %get3A_131 : vector<16xi32> to vector<16xi32>
    %jit3A_133 = arith.constant 1 : i32
    %broadcast_in_dim3A_134 = vector.broadcast %jit3A_133 : i32 to vector<16xi32>
    %select_n3A_135 = arith.select %eq3A_129, %broadcast_in_dim3A_134, %get3A_132 : vector<16xi1>, vector<16xi32>
    %swap3A_136 = arith.constant 2000 : index
    %swap3A_137 = tpu.vector_load %arg5[%swap3A_136] {strides = array<i32>} : memref<25600xi32, #tpu.memory_space<vmem>>, vector<16xi32>,
    %swap3A_138 = vector.shape_cast %swap3A_137 : vector<16xi32> to vector<16xi32>
    %swap3A_139 = vector.shape_cast %select_n3A_135 : vector<16xi32> to vector<16xi32>
    tpu.vector_store %arg5[%swap3A_136], %swap3A_139 {strides = array<i32>} : memref<25600xi32, #tpu.memory_space<vmem>>, vector<16xi32>,
    %eq3A_140 = arith.constant 8 : i32
    %eq3A_141 = vector.broadcast %eq3A_140 : i32 to vector<16xi32>
    %eq3A_142 = arith.cmpi eq, %iota3A, %eq3A_141 : vector<16xi32>
    %get3A_143 = arith.constant 2192 : index
    %get3A_144 = tpu.vector_load %arg5[%get3A_143] {strides = array<i32>} : memref<25600xi32, #tpu.memory_space<vmem>>, vector<16xi32>,
    %get3A_145 = vector.shape_cast %get3A_144 : vector<16xi32> to vector<16xi32>
    %jit3A_146 = arith.constant 1 : i32
    %broadcast_in_dim3A_147 = vector.broadcast %jit3A_146 : i32 to vector<16xi32>
    %select_n3A_148 = arith.select %eq3A_142, %broadcast_in_dim3A_147, %get3A_145 : vector<16xi1>, vector<16xi32>
    %swap3A_149 = arith.constant 2192 : index
    %swap3A_150 = tpu.vector_load %arg5[%swap3A_149] {strides = array<i32>} : memref<25600xi32, #tpu.memory_space<vmem>>, vector<16xi32>,
    %swap3A_151 = vector.shape_cast %swap3A_150 : vector<16xi32> to vector<16xi32>
    %swap3A_152 = vector.shape_cast %select_n3A_148 : vector<16xi32> to vector<16xi32>
    tpu.vector_store %arg5[%swap3A_149], %swap3A_152 {strides = array<i32>} : memref<25600xi32, #tpu.memory_space<vmem>>, vector<16xi32>,
    %eq3A_153 = arith.constant 0 : i32
    %eq3A_154 = vector.broadcast %eq3A_153 : i32 to vector<16xi32>
    %eq3A_155 = arith.cmpi eq, %iota3A, %eq3A_154 : vector<16xi32>
    %get3A_156 = arith.constant 2400 : index
    %get3A_157 = tpu.vector_load %arg5[%get3A_156] {strides = array<i32>} : memref<25600xi32, #tpu.memory_space<vmem>>, vector<16xi32>,
    %get3A_158 = vector.shape_cast %get3A_157 : vector<16xi32> to vector<16xi32>
    %jit3A_159 = arith.constant 1 : i32
    %broadcast_in_dim3A_160 = vector.broadcast %jit3A_159 : i32 to vector<16xi32>
    %select_n3A_161 = arith.select %eq3A_155, %broadcast_in_dim3A_160, %get3A_158 : vector<16xi1>, vector<16xi32>
    %swap3A_162 = arith.constant 2400 : index
    %swap3A_163 = tpu.vector_load %arg5[%swap3A_162] {strides = array<i32>} : memref<25600xi32, #tpu.memory_space<vmem>>, vector<16xi32>,
    %swap3A_164 = vector.shape_cast %swap3A_163 : vector<16xi32> to vector<16xi32>
    %swap3A_165 = vector.shape_cast %select_n3A_161 : vector<16xi32> to vector<16xi32>
    tpu.vector_store %arg5[%swap3A_162], %swap3A_165 {strides = array<i32>} : memref<25600xi32, #tpu.memory_space<vmem>>, vector<16xi32>,
    %eq3A_166 = arith.constant 8 : i32
    %eq3A_167 = vector.broadcast %eq3A_166 : i32 to vector<16xi32>
    %eq3A_168 = arith.cmpi eq, %iota3A, %eq3A_167 : vector<16xi32>
    %get3A_169 = arith.constant 2592 : index
    %get3A_170 = tpu.vector_load %arg5[%get3A_169] {strides = array<i32>} : memref<25600xi32, #tpu.memory_space<vmem>>, vector<16xi32>,
    %get3A_171 = vector.shape_cast %get3A_170 : vector<16xi32> to vector<16xi32>
    %jit3A_172 = arith.constant 1 : i32
    %broadcast_in_dim3A_173 = vector.broadcast %jit3A_172 : i32 to vector<16xi32>
    %select_n3A_174 = arith.select %eq3A_168, %broadcast_in_dim3A_173, %get3A_171 : vector<16xi1>, vector<16xi32>
    %swap3A_175 = arith.constant 2592 : index
    %swap3A_176 = tpu.vector_load %arg5[%swap3A_175] {strides = array<i32>} : memref<25600xi32, #tpu.memory_space<vmem>>, vector<16xi32>,
    %swap3A_177 = vector.shape_cast %swap3A_176 : vector<16xi32> to vector<16xi32>
    %swap3A_178 = vector.shape_cast %select_n3A_174 : vector<16xi32> to vector<16xi32>
    tpu.vector_store %arg5[%swap3A_175], %swap3A_178 {strides = array<i32>} : memref<25600xi32, #tpu.memory_space<vmem>>, vector<16xi32>,
    %eq3A_179 = arith.constant 0 : i32
    %eq3A_180 = vector.broadcast %eq3A_179 : i32 to vector<16xi32>
    %eq3A_181 = arith.cmpi eq, %iota3A, %eq3A_180 : vector<16xi32>
    %get3A_182 = arith.constant 2800 : index
    %get3A_183 = tpu.vector_load %arg5[%get3A_182] {strides = array<i32>} : memref<25600xi32, #tpu.memory_space<vmem>>, vector<16xi32>,
    %get3A_184 = vector.shape_cast %get3A_183 : vector<16xi32> to vector<16xi32>
    %jit3A_185 = arith.constant 1 : i32
    %broadcast_in_dim3A_186 = vector.broadcast %jit3A_185 : i32 to vector<16xi32>
    %select_n3A_187 = arith.select %eq3A_181, %broadcast_in_dim3A_186, %get3A_184 : vector<16xi1>, vector<16xi32>
    %swap3A_188 = arith.constant 2800 : index
    %swap3A_189 = tpu.vector_load %arg5[%swap3A_188] {strides = array<i32>} : memref<25600xi32, #tpu.memory_space<vmem>>, vector<16xi32>,
    %swap3A_190 = vector.shape_cast %swap3A_189 : vector<16xi32> to vector<16xi32>
    %swap3A_191 = vector.shape_cast %select_n3A_187 : vector<16xi32> to vector<16xi32>
    tpu.vector_store %arg5[%swap3A_188], %swap3A_191 {strides = array<i32>} : memref<25600xi32, #tpu.memory_space<vmem>>, vector<16xi32>,
    %eq3A_192 = arith.constant 8 : i32
    %eq3A_193 = vector.broadcast %eq3A_192 : i32 to vector<16xi32>
    %eq3A_194 = arith.cmpi eq, %iota3A, %eq3A_193 : vector<16xi32>
    %get3A_195 = arith.constant 2992 : index
    %get3A_196 = tpu.vector_load %arg5[%get3A_195] {strides = array<i32>} : memref<25600xi32, #tpu.memory_space<vmem>>, vector<16xi32>,
    %get3A_197 = vector.shape_cast %get3A_196 : vector<16xi32> to vector<16xi32>
    %jit3A_198 = arith.constant 1 : i32
    %broadcast_in_dim3A_199 = vector.broadcast %jit3A_198 : i32 to vector<16xi32>
    %select_n3A_200 = arith.select %eq3A_194, %broadcast_in_dim3A_199, %get3A_197 : vector<16xi1>, vector<16xi32>
    %swap3A_201 = arith.constant 2992 : index
    %swap3A_202 = tpu.vector_load %arg5[%swap3A_201] {strides = array<i32>} : memref<25600xi32, #tpu.memory_space<vmem>>, vector<16xi32>,
    %swap3A_203 = vector.shape_cast %swap3A_202 : vector<16xi32> to vector<16xi32>
    %swap3A_204 = vector.shape_cast %select_n3A_200 : vector<16xi32> to vector<16xi32>
    tpu.vector_store %arg5[%swap3A_201], %swap3A_204 {strides = array<i32>} : memref<25600xi32, #tpu.memory_space<vmem>>, vector<16xi32>,
    %eq3A_205 = arith.constant 0 : i32
    %eq3A_206 = vector.broadcast %eq3A_205 : i32 to vector<16xi32>
    %eq3A_207 = arith.cmpi eq, %iota3A, %eq3A_206 : vector<16xi32>
    %get3A_208 = arith.constant 3200 : index
    %get3A_209 = tpu.vector_load %arg5[%get3A_208] {strides = array<i32>} : memref<25600xi32, #tpu.memory_space<vmem>>, vector<16xi32>,
    %get3A_210 = vector.shape_cast %get3A_209 : vector<16xi32> to vector<16xi32>
    %jit3A_211 = arith.constant 1 : i32
    %broadcast_in_dim3A_212 = vector.broadcast %jit3A_211 : i32 to vector<16xi32>
    %select_n3A_213 = arith.select %eq3A_207, %broadcast_in_dim3A_212, %get3A_210 : vector<16xi1>, vector<16xi32>
    %swap3A_214 = arith.constant 3200 : index
    %swap3A_215 = tpu.vector_load %arg5[%swap3A_214] {strides = array<i32>} : memref<25600xi32, #tpu.memory_space<vmem>>, vector<16xi32>,
    %swap3A_216 = vector.shape_cast %swap3A_215 : vector<16xi32> to vector<16xi32>
    %swap3A_217 = vector.shape_cast %select_n3A_213 : vector<16xi32> to vector<16xi32>
    tpu.vector_store %arg5[%swap3A_214], %swap3A_217 {strides = array<i32>} : memref<25600xi32, #tpu.memory_space<vmem>>, vector<16xi32>,
    %eq3A_218 = arith.constant 8 : i32
    %eq3A_219 = vector.broadcast %eq3A_218 : i32 to vector<16xi32>
    %eq3A_220 = arith.cmpi eq, %iota3A, %eq3A_219 : vector<16xi32>
    %get3A_221 = arith.constant 3392 : index
    %get3A_222 = tpu.vector_load %arg5[%get3A_221] {strides = array<i32>} : memref<25600xi32, #tpu.memory_space<vmem>>, vector<16xi32>,
    %get3A_223 = vector.shape_cast %get3A_222 : vector<16xi32> to vector<16xi32>
    %jit3A_224 = arith.constant 1 : i32
    %broadcast_in_dim3A_225 = vector.broadcast %jit3A_224 : i32 to vector<16xi32>
    %select_n3A_226 = arith.select %eq3A_220, %broadcast_in_dim3A_225, %get3A_223 : vector<16xi1>, vector<16xi32>
    %swap3A_227 = arith.constant 3392 : index
    %swap3A_228 = tpu.vector_load %arg5[%swap3A_227] {strides = array<i32>} : memref<25600xi32, #tpu.memory_space<vmem>>, vector<16xi32>,
    %swap3A_229 = vector.shape_cast %swap3A_228 : vector<16xi32> to vector<16xi32>
    %swap3A_230 = vector.shape_cast %select_n3A_226 : vector<16xi32> to vector<16xi32>
    tpu.vector_store %arg5[%swap3A_227], %swap3A_230 {strides = array<i32>} : memref<25600xi32, #tpu.memory_space<vmem>>, vector<16xi32>,
    %eq3A_231 = arith.constant 0 : i32
    %eq3A_232 = vector.broadcast %eq3A_231 : i32 to vector<16xi32>
    %eq3A_233 = arith.cmpi eq, %iota3A, %eq3A_232 : vector<16xi32>
    %get3A_234 = arith.constant 3600 : index
    %get3A_235 = tpu.vector_load %arg5[%get3A_234] {strides = array<i32>} : memref<25600xi32, #tpu.memory_space<vmem>>, vector<16xi32>,
    %get3A_236 = vector.shape_cast %get3A_235 : vector<16xi32> to vector<16xi32>
    %jit3A_237 = arith.constant 1 : i32
    %broadcast_in_dim3A_238 = vector.broadcast %jit3A_237 : i32 to vector<16xi32>
    %select_n3A_239 = arith.select %eq3A_233, %broadcast_in_dim3A_238, %get3A_236 : vector<16xi1>, vector<16xi32>
    %swap3A_240 = arith.constant 3600 : index
    %swap3A_241 = tpu.vector_load %arg5[%swap3A_240] {strides = array<i32>} : memref<25600xi32, #tpu.memory_space<vmem>>, vector<16xi32>,
    %swap3A_242 = vector.shape_cast %swap3A_241 : vector<16xi32> to vector<16xi32>
    %swap3A_243 = vector.shape_cast %select_n3A_239 : vector<16xi32> to vector<16xi32>
    tpu.vector_store %arg5[%swap3A_240], %swap3A_243 {strides = array<i32>} : memref<25600xi32, #tpu.memory_space<vmem>>, vector<16xi32>,
    %eq3A_244 = arith.constant 8 : i32
    %eq3A_245 = vector.broadcast %eq3A_244 : i32 to vector<16xi32>
    %eq3A_246 = arith.cmpi eq, %iota3A, %eq3A_245 : vector<16xi32>
    %get3A_247 = arith.constant 3792 : index
    %get3A_248 = tpu.vector_load %arg5[%get3A_247] {strides = array<i32>} : memref<25600xi32, #tpu.memory_space<vmem>>, vector<16xi32>,
    %get3A_249 = vector.shape_cast %get3A_248 : vector<16xi32> to vector<16xi32>
    %jit3A_250 = arith.constant 1 : i32
    %broadcast_in_dim3A_251 = vector.broadcast %jit3A_250 : i32 to vector<16xi32>
    %select_n3A_252 = arith.select %eq3A_246, %broadcast_in_dim3A_251, %get3A_249 : vector<16xi1>, vector<16xi32>
    %swap3A_253 = arith.constant 3792 : index
    %swap3A_254 = tpu.vector_load %arg5[%swap3A_253] {strides = array<i32>} : memref<25600xi32, #tpu.memory_space<vmem>>, vector<16xi32>,
    %swap3A_255 = vector.shape_cast %swap3A_254 : vector<16xi32> to vector<16xi32>
    %swap3A_256 = vector.shape_cast %select_n3A_252 : vector<16xi32> to vector<16xi32>
    tpu.vector_store %arg5[%swap3A_253], %swap3A_256 {strides = array<i32>} : memref<25600xi32, #tpu.memory_space<vmem>>, vector<16xi32>,
    %eq3A_257 = arith.constant 0 : i32
    %eq3A_258 = vector.broadcast %eq3A_257 : i32 to vector<16xi32>
    %eq3A_259 = arith.cmpi eq, %iota3A, %eq3A_258 : vector<16xi32>
    %get3A_260 = arith.constant 4000 : index
    %get3A_261 = tpu.vector_load %arg5[%get3A_260] {strides = array<i32>} : memref<25600xi32, #tpu.memory_space<vmem>>, vector<16xi32>,
    %get3A_262 = vector.shape_cast %get3A_261 : vector<16xi32> to vector<16xi32>
    %jit3A_263 = arith.constant 1 : i32
    %broadcast_in_dim3A_264 = vector.broadcast %jit3A_263 : i32 to vector<16xi32>
    %select_n3A_265 = arith.select %eq3A_259, %broadcast_in_dim3A_264, %get3A_262 : vector<16xi1>, vector<16xi32>
    %swap3A_266 = arith.constant 4000 : index
    %swap3A_267 = tpu.vector_load %arg5[%swap3A_266] {strides = array<i32>} : memref<25600xi32, #tpu.memory_space<vmem>>, vector<16xi32>,
    %swap3A_268 = vector.shape_cast %swap3A_267 : vector<16xi32> to vector<16xi32>
    %swap3A_269 = vector.shape_cast %select_n3A_265 : vector<16xi32> to vector<16xi32>
    tpu.vector_store %arg5[%swap3A_266], %swap3A_269 {strides = array<i32>} : memref<25600xi32, #tpu.memory_space<vmem>>, vector<16xi32>,
    %eq3A_270 = arith.constant 8 : i32
    %eq3A_271 = vector.broadcast %eq3A_270 : i32 to vector<16xi32>
    %eq3A_272 = arith.cmpi eq, %iota3A, %eq3A_271 : vector<16xi32>
    %get3A_273 = arith.constant 4192 : index
    %get3A_274 = tpu.vector_load %arg5[%get3A_273] {strides = array<i32>} : memref<25600xi32, #tpu.memory_space<vmem>>, vector<16xi32>,
    %get3A_275 = vector.shape_cast %get3A_274 : vector<16xi32> to vector<16xi32>
    %jit3A_276 = arith.constant 1 : i32
    %broadcast_in_dim3A_277 = vector.broadcast %jit3A_276 : i32 to vector<16xi32>
    %select_n3A_278 = arith.select %eq3A_272, %broadcast_in_dim3A_277, %get3A_275 : vector<16xi1>, vector<16xi32>
    %swap3A_279 = arith.constant 4192 : index
    %swap3A_280 = tpu.vector_load %arg5[%swap3A_279] {strides = array<i32>} : memref<25600xi32, #tpu.memory_space<vmem>>, vector<16xi32>,
    %swap3A_281 = vector.shape_cast %swap3A_280 : vector<16xi32> to vector<16xi32>
    %swap3A_282 = vector.shape_cast %select_n3A_278 : vector<16xi32> to vector<16xi32>
    tpu.vector_store %arg5[%swap3A_279], %swap3A_282 {strides = array<i32>} : memref<25600xi32, #tpu.memory_space<vmem>>, vector<16xi32>,
    %eq3A_283 = arith.constant 0 : i32
    %eq3A_284 = vector.broadcast %eq3A_283 : i32 to vector<16xi32>
    %eq3A_285 = arith.cmpi eq, %iota3A, %eq3A_284 : vector<16xi32>
    %get3A_286 = arith.constant 4400 : index
    %get3A_287 = tpu.vector_load %arg5[%get3A_286] {strides = array<i32>} : memref<25600xi32, #tpu.memory_space<vmem>>, vector<16xi32>,
    %get3A_288 = vector.shape_cast %get3A_287 : vector<16xi32> to vector<16xi32>
    %jit3A_289 = arith.constant 1 : i32
    %broadcast_in_dim3A_290 = vector.broadcast %jit3A_289 : i32 to vector<16xi32>
    %select_n3A_291 = arith.select %eq3A_285, %broadcast_in_dim3A_290, %get3A_288 : vector<16xi1>, vector<16xi32>
    %swap3A_292 = arith.constant 4400 : index
    %swap3A_293 = tpu.vector_load %arg5[%swap3A_292] {strides = array<i32>} : memref<25600xi32, #tpu.memory_space<vmem>>, vector<16xi32>,
    %swap3A_294 = vector.shape_cast %swap3A_293 : vector<16xi32> to vector<16xi32>
    %swap3A_295 = vector.shape_cast %select_n3A_291 : vector<16xi32> to vector<16xi32>
    tpu.vector_store %arg5[%swap3A_292], %swap3A_295 {strides = array<i32>} : memref<25600xi32, #tpu.memory_space<vmem>>, vector<16xi32>,
    %eq3A_296 = arith.constant 8 : i32
    %eq3A_297 = vector.broadcast %eq3A_296 : i32 to vector<16xi32>
    %eq3A_298 = arith.cmpi eq, %iota3A, %eq3A_297 : vector<16xi32>
    %get3A_299 = arith.constant 4592 : index
    %get3A_300 = tpu.vector_load %arg5[%get3A_299] {strides = array<i32>} : memref<25600xi32, #tpu.memory_space<vmem>>, vector<16xi32>,
    %get3A_301 = vector.shape_cast %get3A_300 : vector<16xi32> to vector<16xi32>
    %jit3A_302 = arith.constant 1 : i32
    %broadcast_in_dim3A_303 = vector.broadcast %jit3A_302 : i32 to vector<16xi32>
    %select_n3A_304 = arith.select %eq3A_298, %broadcast_in_dim3A_303, %get3A_301 : vector<16xi1>, vector<16xi32>
    %swap3A_305 = arith.constant 4592 : index
    %swap3A_306 = tpu.vector_load %arg5[%swap3A_305] {strides = array<i32>} : memref<25600xi32, #tpu.memory_space<vmem>>, vector<16xi32>,
    %swap3A_307 = vector.shape_cast %swap3A_306 : vector<16xi32> to vector<16xi32>
    %swap3A_308 = vector.shape_cast %select_n3A_304 : vector<16xi32> to vector<16xi32>
    tpu.vector_store %arg5[%swap3A_305], %swap3A_308 {strides = array<i32>} : memref<25600xi32, #tpu.memory_space<vmem>>, vector<16xi32>,
    %eq3A_309 = arith.constant 0 : i32
    %eq3A_310 = vector.broadcast %eq3A_309 : i32 to vector<16xi32>
    %eq3A_311 = arith.cmpi eq, %iota3A, %eq3A_310 : vector<16xi32>
    %get3A_312 = arith.constant 4800 : index
    %get3A_313 = tpu.vector_load %arg5[%get3A_312] {strides = array<i32>} : memref<25600xi32, #tpu.memory_space<vmem>>, vector<16xi32>,
    %get3A_314 = vector.shape_cast %get3A_313 : vector<16xi32> to vector<16xi32>
    %jit3A_315 = arith.constant 1 : i32
    %broadcast_in_dim3A_316 = vector.broadcast %jit3A_315 : i32 to vector<16xi32>
    %select_n3A_317 = arith.select %eq3A_311, %broadcast_in_dim3A_316, %get3A_314 : vector<16xi1>, vector<16xi32>
    %swap3A_318 = arith.constant 4800 : index
    %swap3A_319 = tpu.vector_load %arg5[%swap3A_318] {strides = array<i32>} : memref<25600xi32, #tpu.memory_space<vmem>>, vector<16xi32>,
    %swap3A_320 = vector.shape_cast %swap3A_319 : vector<16xi32> to vector<16xi32>
    %swap3A_321 = vector.shape_cast %select_n3A_317 : vector<16xi32> to vector<16xi32>
    tpu.vector_store %arg5[%swap3A_318], %swap3A_321 {strides = array<i32>} : memref<25600xi32, #tpu.memory_space<vmem>>, vector<16xi32>,
    %eq3A_322 = arith.constant 8 : i32
    %eq3A_323 = vector.broadcast %eq3A_322 : i32 to vector<16xi32>
    %eq3A_324 = arith.cmpi eq, %iota3A, %eq3A_323 : vector<16xi32>
    %get3A_325 = arith.constant 4992 : index
    %get3A_326 = tpu.vector_load %arg5[%get3A_325] {strides = array<i32>} : memref<25600xi32, #tpu.memory_space<vmem>>, vector<16xi32>,
    %get3A_327 = vector.shape_cast %get3A_326 : vector<16xi32> to vector<16xi32>
    %jit3A_328 = arith.constant 1 : i32
    %broadcast_in_dim3A_329 = vector.broadcast %jit3A_328 : i32 to vector<16xi32>
    %select_n3A_330 = arith.select %eq3A_324, %broadcast_in_dim3A_329, %get3A_327 : vector<16xi1>, vector<16xi32>
    %swap3A_331 = arith.constant 4992 : index
    %swap3A_332 = tpu.vector_load %arg5[%swap3A_331] {strides = array<i32>} : memref<25600xi32, #tpu.memory_space<vmem>>, vector<16xi32>,
    %swap3A_333 = vector.shape_cast %swap3A_332 : vector<16xi32> to vector<16xi32>
    %swap3A_334 = vector.shape_cast %select_n3A_330 : vector<16xi32> to vector<16xi32>
    tpu.vector_store %arg5[%swap3A_331], %swap3A_334 {strides = array<i32>} : memref<25600xi32, #tpu.memory_space<vmem>>, vector<16xi32>,
    %eq3A_335 = arith.constant 0 : i32
    %eq3A_336 = vector.broadcast %eq3A_335 : i32 to vector<16xi32>
    %eq3A_337 = arith.cmpi eq, %iota3A, %eq3A_336 : vector<16xi32>
    %get3A_338 = arith.constant 5200 : index
    %get3A_339 = tpu.vector_load %arg5[%get3A_338] {strides = array<i32>} : memref<25600xi32, #tpu.memory_space<vmem>>, vector<16xi32>,
    %get3A_340 = vector.shape_cast %get3A_339 : vector<16xi32> to vector<16xi32>
    %jit3A_341 = arith.constant 1 : i32
    %broadcast_in_dim3A_342 = vector.broadcast %jit3A_341 : i32 to vector<16xi32>
    %select_n3A_343 = arith.select %eq3A_337, %broadcast_in_dim3A_342, %get3A_340 : vector<16xi1>, vector<16xi32>
    %swap3A_344 = arith.constant 5200 : index
    %swap3A_345 = tpu.vector_load %arg5[%swap3A_344] {strides = array<i32>} : memref<25600xi32, #tpu.memory_space<vmem>>, vector<16xi32>,
    %swap3A_346 = vector.shape_cast %swap3A_345 : vector<16xi32> to vector<16xi32>
    %swap3A_347 = vector.shape_cast %select_n3A_343 : vector<16xi32> to vector<16xi32>
    tpu.vector_store %arg5[%swap3A_344], %swap3A_347 {strides = array<i32>} : memref<25600xi32, #tpu.memory_space<vmem>>, vector<16xi32>,
    %eq3A_348 = arith.constant 8 : i32
    %eq3A_349 = vector.broadcast %eq3A_348 : i32 to vector<16xi32>
    %eq3A_350 = arith.cmpi eq, %iota3A, %eq3A_349 : vector<16xi32>
    %get3A_351 = arith.constant 5392 : index
    %get3A_352 = tpu.vector_load %arg5[%get3A_351] {strides = array<i32>} : memref<25600xi32, #tpu.memory_space<vmem>>, vector<16xi32>,
    %get3A_353 = vector.shape_cast %get3A_352 : vector<16xi32> to vector<16xi32>
    %jit3A_354 = arith.constant 1 : i32
    %broadcast_in_dim3A_355 = vector.broadcast %jit3A_354 : i32 to vector<16xi32>
    %select_n3A_356 = arith.select %eq3A_350, %broadcast_in_dim3A_355, %get3A_353 : vector<16xi1>, vector<16xi32>
    %swap3A_357 = arith.constant 5392 : index
    %swap3A_358 = tpu.vector_load %arg5[%swap3A_357] {strides = array<i32>} : memref<25600xi32, #tpu.memory_space<vmem>>, vector<16xi32>,
    %swap3A_359 = vector.shape_cast %swap3A_358 : vector<16xi32> to vector<16xi32>
    %swap3A_360 = vector.shape_cast %select_n3A_356 : vector<16xi32> to vector<16xi32>
    tpu.vector_store %arg5[%swap3A_357], %swap3A_360 {strides = array<i32>} : memref<25600xi32, #tpu.memory_space<vmem>>, vector<16xi32>,
    %eq3A_361 = arith.constant 0 : i32
    %eq3A_362 = vector.broadcast %eq3A_361 : i32 to vector<16xi32>
    %eq3A_363 = arith.cmpi eq, %iota3A, %eq3A_362 : vector<16xi32>
    %get3A_364 = arith.constant 5600 : index
    %get3A_365 = tpu.vector_load %arg5[%get3A_364] {strides = array<i32>} : memref<25600xi32, #tpu.memory_space<vmem>>, vector<16xi32>,
    %get3A_366 = vector.shape_cast %get3A_365 : vector<16xi32> to vector<16xi32>
    %jit3A_367 = arith.constant 1 : i32
    %broadcast_in_dim3A_368 = vector.broadcast %jit3A_367 : i32 to vector<16xi32>
    %select_n3A_369 = arith.select %eq3A_363, %broadcast_in_dim3A_368, %get3A_366 : vector<16xi1>, vector<16xi32>
    %swap3A_370 = arith.constant 5600 : index
    %swap3A_371 = tpu.vector_load %arg5[%swap3A_370] {strides = array<i32>} : memref<25600xi32, #tpu.memory_space<vmem>>, vector<16xi32>,
    %swap3A_372 = vector.shape_cast %swap3A_371 : vector<16xi32> to vector<16xi32>
    %swap3A_373 = vector.shape_cast %select_n3A_369 : vector<16xi32> to vector<16xi32>
    tpu.vector_store %arg5[%swap3A_370], %swap3A_373 {strides = array<i32>} : memref<25600xi32, #tpu.memory_space<vmem>>, vector<16xi32>,
    %eq3A_374 = arith.constant 8 : i32
    %eq3A_375 = vector.broadcast %eq3A_374 : i32 to vector<16xi32>
    %eq3A_376 = arith.cmpi eq, %iota3A, %eq3A_375 : vector<16xi32>
    %get3A_377 = arith.constant 5792 : index
    %get3A_378 = tpu.vector_load %arg5[%get3A_377] {strides = array<i32>} : memref<25600xi32, #tpu.memory_space<vmem>>, vector<16xi32>,
    %get3A_379 = vector.shape_cast %get3A_378 : vector<16xi32> to vector<16xi32>
    %jit3A_380 = arith.constant 1 : i32
    %broadcast_in_dim3A_381 = vector.broadcast %jit3A_380 : i32 to vector<16xi32>
    %select_n3A_382 = arith.select %eq3A_376, %broadcast_in_dim3A_381, %get3A_379 : vector<16xi1>, vector<16xi32>
    %swap3A_383 = arith.constant 5792 : index
    %swap3A_384 = tpu.vector_load %arg5[%swap3A_383] {strides = array<i32>} : memref<25600xi32, #tpu.memory_space<vmem>>, vector<16xi32>,
    %swap3A_385 = vector.shape_cast %swap3A_384 : vector<16xi32> to vector<16xi32>
    %swap3A_386 = vector.shape_cast %select_n3A_382 : vector<16xi32> to vector<16xi32>
    tpu.vector_store %arg5[%swap3A_383], %swap3A_386 {strides = array<i32>} : memref<25600xi32, #tpu.memory_space<vmem>>, vector<16xi32>,
    %eq3A_387 = arith.constant 0 : i32
    %eq3A_388 = vector.broadcast %eq3A_387 : i32 to vector<16xi32>
    %eq3A_389 = arith.cmpi eq, %iota3A, %eq3A_388 : vector<16xi32>
    %get3A_390 = arith.constant 6000 : index
    %get3A_391 = tpu.vector_load %arg5[%get3A_390] {strides = array<i32>} : memref<25600xi32, #tpu.memory_space<vmem>>, vector<16xi32>,
    %get3A_392 = vector.shape_cast %get3A_391 : vector<16xi32> to vector<16xi32>
    %jit3A_393 = arith.constant 1 : i32
    %broadcast_in_dim3A_394 = vector.broadcast %jit3A_393 : i32 to vector<16xi32>
    %select_n3A_395 = arith.select %eq3A_389, %broadcast_in_dim3A_394, %get3A_392 : vector<16xi1>, vector<16xi32>
    %swap3A_396 = arith.constant 6000 : index
    %swap3A_397 = tpu.vector_load %arg5[%swap3A_396] {strides = array<i32>} : memref<25600xi32, #tpu.memory_space<vmem>>, vector<16xi32>,
    %swap3A_398 = vector.shape_cast %swap3A_397 : vector<16xi32> to vector<16xi32>
    %swap3A_399 = vector.shape_cast %select_n3A_395 : vector<16xi32> to vector<16xi32>
    tpu.vector_store %arg5[%swap3A_396], %swap3A_399 {strides = array<i32>} : memref<25600xi32, #tpu.memory_space<vmem>>, vector<16xi32>,
    %eq3A_400 = arith.constant 8 : i32
    %eq3A_401 = vector.broadcast %eq3A_400 : i32 to vector<16xi32>
    %eq3A_402 = arith.cmpi eq, %iota3A, %eq3A_401 : vector<16xi32>
    %get3A_403 = arith.constant 6192 : index
    %get3A_404 = tpu.vector_load %arg5[%get3A_403] {strides = array<i32>} : memref<25600xi32, #tpu.memory_space<vmem>>, vector<16xi32>,
    %get3A_405 = vector.shape_cast %get3A_404 : vector<16xi32> to vector<16xi32>
    %jit3A_406 = arith.constant 1 : i32
    %broadcast_in_dim3A_407 = vector.broadcast %jit3A_406 : i32 to vector<16xi32>
    %select_n3A_408 = arith.select %eq3A_402, %broadcast_in_dim3A_407, %get3A_405 : vector<16xi1>, vector<16xi32>
    %swap3A_409 = arith.constant 6192 : index
    %swap3A_410 = tpu.vector_load %arg5[%swap3A_409] {strides = array<i32>} : memref<25600xi32, #tpu.memory_space<vmem>>, vector<16xi32>,
    %swap3A_411 = vector.shape_cast %swap3A_410 : vector<16xi32> to vector<16xi32>
    %swap3A_412 = vector.shape_cast %select_n3A_408 : vector<16xi32> to vector<16xi32>
    tpu.vector_store %arg5[%swap3A_409], %swap3A_412 {strides = array<i32>} : memref<25600xi32, #tpu.memory_space<vmem>>, vector<16xi32>,
    %eq3A_413 = arith.constant 0 : i32
    %eq3A_414 = vector.broadcast %eq3A_413 : i32 to vector<16xi32>
    %eq3A_415 = arith.cmpi eq, %iota3A, %eq3A_414 : vector<16xi32>
    %get3A_416 = arith.constant 6400 : index
    %get3A_417 = tpu.vector_load %arg5[%get3A_416] {strides = array<i32>} : memref<25600xi32, #tpu.memory_space<vmem>>, vector<16xi32>,
    %get3A_418 = vector.shape_cast %get3A_417 : vector<16xi32> to vector<16xi32>
    %jit3A_419 = arith.constant 1 : i32
    %broadcast_in_dim3A_420 = vector.broadcast %jit3A_419 : i32 to vector<16xi32>
    %select_n3A_421 = arith.select %eq3A_415, %broadcast_in_dim3A_420, %get3A_418 : vector<16xi1>, vector<16xi32>
    %swap3A_422 = arith.constant 6400 : index
    %swap3A_423 = tpu.vector_load %arg5[%swap3A_422] {strides = array<i32>} : memref<25600xi32, #tpu.memory_space<vmem>>, vector<16xi32>,
    %swap3A_424 = vector.shape_cast %swap3A_423 : vector<16xi32> to vector<16xi32>
    %swap3A_425 = vector.shape_cast %select_n3A_421 : vector<16xi32> to vector<16xi32>
    tpu.vector_store %arg5[%swap3A_422], %swap3A_425 {strides = array<i32>} : memref<25600xi32, #tpu.memory_space<vmem>>, vector<16xi32>,
    %eq3A_426 = arith.constant 8 : i32
    %eq3A_427 = vector.broadcast %eq3A_426 : i32 to vector<16xi32>
    %eq3A_428 = arith.cmpi eq, %iota3A, %eq3A_427 : vector<16xi32>
    %get3A_429 = arith.constant 6592 : index
    %get3A_430 = tpu.vector_load %arg5[%get3A_429] {strides = array<i32>} : memref<25600xi32, #tpu.memory_space<vmem>>, vector<16xi32>,
    %get3A_431 = vector.shape_cast %get3A_430 : vector<16xi32> to vector<16xi32>
    %jit3A_432 = arith.constant 1 : i32
    %broadcast_in_dim3A_433 = vector.broadcast %jit3A_432 : i32 to vector<16xi32>
    %select_n3A_434 = arith.select %eq3A_428, %broadcast_in_dim3A_433, %get3A_431 : vector<16xi1>, vector<16xi32>
    %swap3A_435 = arith.constant 6592 : index
    %swap3A_436 = tpu.vector_load %arg5[%swap3A_435] {strides = array<i32>} : memref<25600xi32, #tpu.memory_space<vmem>>, vector<16xi32>,
    %swap3A_437 = vector.shape_cast %swap3A_436 : vector<16xi32> to vector<16xi32>
    %swap3A_438 = vector.shape_cast %select_n3A_434 : vector<16xi32> to vector<16xi32>
    tpu.vector_store %arg5[%swap3A_435], %swap3A_438 {strides = array<i32>} : memref<25600xi32, #tpu.memory_space<vmem>>, vector<16xi32>,
    %eq3A_439 = arith.constant 0 : i32
    %eq3A_440 = vector.broadcast %eq3A_439 : i32 to vector<16xi32>
    %eq3A_441 = arith.cmpi eq, %iota3A, %eq3A_440 : vector<16xi32>
    %get3A_442 = arith.constant 6800 : index
    %get3A_443 = tpu.vector_load %arg5[%get3A_442] {strides = array<i32>} : memref<25600xi32, #tpu.memory_space<vmem>>, vector<16xi32>,
    %get3A_444 = vector.shape_cast %get3A_443 : vector<16xi32> to vector<16xi32>
    %jit3A_445 = arith.constant 1 : i32
    %broadcast_in_dim3A_446 = vector.broadcast %jit3A_445 : i32 to vector<16xi32>
    %select_n3A_447 = arith.select %eq3A_441, %broadcast_in_dim3A_446, %get3A_444 : vector<16xi1>, vector<16xi32>
    %swap3A_448 = arith.constant 6800 : index
    %swap3A_449 = tpu.vector_load %arg5[%swap3A_448] {strides = array<i32>} : memref<25600xi32, #tpu.memory_space<vmem>>, vector<16xi32>,
    %swap3A_450 = vector.shape_cast %swap3A_449 : vector<16xi32> to vector<16xi32>
    %swap3A_451 = vector.shape_cast %select_n3A_447 : vector<16xi32> to vector<16xi32>
    tpu.vector_store %arg5[%swap3A_448], %swap3A_451 {strides = array<i32>} : memref<25600xi32, #tpu.memory_space<vmem>>, vector<16xi32>,
    %eq3A_452 = arith.constant 8 : i32
    %eq3A_453 = vector.broadcast %eq3A_452 : i32 to vector<16xi32>
    %eq3A_454 = arith.cmpi eq, %iota3A, %eq3A_453 : vector<16xi32>
    %get3A_455 = arith.constant 6992 : index
    %get3A_456 = tpu.vector_load %arg5[%get3A_455] {strides = array<i32>} : memref<25600xi32, #tpu.memory_space<vmem>>, vector<16xi32>,
    %get3A_457 = vector.shape_cast %get3A_456 : vector<16xi32> to vector<16xi32>
    %jit3A_458 = arith.constant 1 : i32
    %broadcast_in_dim3A_459 = vector.broadcast %jit3A_458 : i32 to vector<16xi32>
    %select_n3A_460 = arith.select %eq3A_454, %broadcast_in_dim3A_459, %get3A_457 : vector<16xi1>, vector<16xi32>
    %swap3A_461 = arith.constant 6992 : index
    %swap3A_462 = tpu.vector_load %arg5[%swap3A_461] {strides = array<i32>} : memref<25600xi32, #tpu.memory_space<vmem>>, vector<16xi32>,
    %swap3A_463 = vector.shape_cast %swap3A_462 : vector<16xi32> to vector<16xi32>
    %swap3A_464 = vector.shape_cast %select_n3A_460 : vector<16xi32> to vector<16xi32>
    tpu.vector_store %arg5[%swap3A_461], %swap3A_464 {strides = array<i32>} : memref<25600xi32, #tpu.memory_space<vmem>>, vector<16xi32>,
    %eq3A_465 = arith.constant 0 : i32
    %eq3A_466 = vector.broadcast %eq3A_465 : i32 to vector<16xi32>
    %eq3A_467 = arith.cmpi eq, %iota3A, %eq3A_466 : vector<16xi32>
    %get3A_468 = arith.constant 7200 : index
    %get3A_469 = tpu.vector_load %arg5[%get3A_468] {strides = array<i32>} : memref<25600xi32, #tpu.memory_space<vmem>>, vector<16xi32>,
    %get3A_470 = vector.shape_cast %get3A_469 : vector<16xi32> to vector<16xi32>
    %jit3A_471 = arith.constant 1 : i32
    %broadcast_in_dim3A_472 = vector.broadcast %jit3A_471 : i32 to vector<16xi32>
    %select_n3A_473 = arith.select %eq3A_467, %broadcast_in_dim3A_472, %get3A_470 : vector<16xi1>, vector<16xi32>
    %swap3A_474 = arith.constant 7200 : index
    %swap3A_475 = tpu.vector_load %arg5[%swap3A_474] {strides = array<i32>} : memref<25600xi32, #tpu.memory_space<vmem>>, vector<16xi32>,
    %swap3A_476 = vector.shape_cast %swap3A_475 : vector<16xi32> to vector<16xi32>
    %swap3A_477 = vector.shape_cast %select_n3A_473 : vector<16xi32> to vector<16xi32>
    tpu.vector_store %arg5[%swap3A_474], %swap3A_477 {strides = array<i32>} : memref<25600xi32, #tpu.memory_space<vmem>>, vector<16xi32>,
    %eq3A_478 = arith.constant 8 : i32
    %eq3A_479 = vector.broadcast %eq3A_478 : i32 to vector<16xi32>
    %eq3A_480 = arith.cmpi eq, %iota3A, %eq3A_479 : vector<16xi32>
    %get3A_481 = arith.constant 7392 : index
    %get3A_482 = tpu.vector_load %arg5[%get3A_481] {strides = array<i32>} : memref<25600xi32, #tpu.memory_space<vmem>>, vector<16xi32>,
    %get3A_483 = vector.shape_cast %get3A_482 : vector<16xi32> to vector<16xi32>
    %jit3A_484 = arith.constant 1 : i32
    %broadcast_in_dim3A_485 = vector.broadcast %jit3A_484 : i32 to vector<16xi32>
    %select_n3A_486 = arith.select %eq3A_480, %broadcast_in_dim3A_485, %get3A_483 : vector<16xi1>, vector<16xi32>
    %swap3A_487 = arith.constant 7392 : index
    %swap3A_488 = tpu.vector_load %arg5[%swap3A_487] {strides = array<i32>} : memref<25600xi32, #tpu.memory_space<vmem>>, vector<16xi32>,
    %swap3A_489 = vector.shape_cast %swap3A_488 : vector<16xi32> to vector<16xi32>
    %swap3A_490 = vector.shape_cast %select_n3A_486 : vector<16xi32> to vector<16xi32>
    tpu.vector_store %arg5[%swap3A_487], %swap3A_490 {strides = array<i32>} : memref<25600xi32, #tpu.memory_space<vmem>>, vector<16xi32>,
    %eq3A_491 = arith.constant 0 : i32
    %eq3A_492 = vector.broadcast %eq3A_491 : i32 to vector<16xi32>
    %eq3A_493 = arith.cmpi eq, %iota3A, %eq3A_492 : vector<16xi32>
    %get3A_494 = arith.constant 7600 : index
    %get3A_495 = tpu.vector_load %arg5[%get3A_494] {strides = array<i32>} : memref<25600xi32, #tpu.memory_space<vmem>>, vector<16xi32>,
    %get3A_496 = vector.shape_cast %get3A_495 : vector<16xi32> to vector<16xi32>
    %jit3A_497 = arith.constant 1 : i32
    %broadcast_in_dim3A_498 = vector.broadcast %jit3A_497 : i32 to vector<16xi32>
    %select_n3A_499 = arith.select %eq3A_493, %broadcast_in_dim3A_498, %get3A_496 : vector<16xi1>, vector<16xi32>
    %swap3A_500 = arith.constant 7600 : index
    %swap3A_501 = tpu.vector_load %arg5[%swap3A_500] {strides = array<i32>} : memref<25600xi32, #tpu.memory_space<vmem>>, vector<16xi32>,
    %swap3A_502 = vector.shape_cast %swap3A_501 : vector<16xi32> to vector<16xi32>
    %swap3A_503 = vector.shape_cast %select_n3A_499 : vector<16xi32> to vector<16xi32>
    tpu.vector_store %arg5[%swap3A_500], %swap3A_503 {strides = array<i32>} : memref<25600xi32, #tpu.memory_space<vmem>>, vector<16xi32>,
    %eq3A_504 = arith.constant 8 : i32
    %eq3A_505 = vector.broadcast %eq3A_504 : i32 to vector<16xi32>
    %eq3A_506 = arith.cmpi eq, %iota3A, %eq3A_505 : vector<16xi32>
    %get3A_507 = arith.constant 7792 : index
    %get3A_508 = tpu.vector_load %arg5[%get3A_507] {strides = array<i32>} : memref<25600xi32, #tpu.memory_space<vmem>>, vector<16xi32>,
    %get3A_509 = vector.shape_cast %get3A_508 : vector<16xi32> to vector<16xi32>
    %jit3A_510 = arith.constant 1 : i32
    %broadcast_in_dim3A_511 = vector.broadcast %jit3A_510 : i32 to vector<16xi32>
    %select_n3A_512 = arith.select %eq3A_506, %broadcast_in_dim3A_511, %get3A_509 : vector<16xi1>, vector<16xi32>
    %swap3A_513 = arith.constant 7792 : index
    %swap3A_514 = tpu.vector_load %arg5[%swap3A_513] {strides = array<i32>} : memref<25600xi32, #tpu.memory_space<vmem>>, vector<16xi32>,
    %swap3A_515 = vector.shape_cast %swap3A_514 : vector<16xi32> to vector<16xi32>
    %swap3A_516 = vector.shape_cast %select_n3A_512 : vector<16xi32> to vector<16xi32>
    tpu.vector_store %arg5[%swap3A_513], %swap3A_516 {strides = array<i32>} : memref<25600xi32, #tpu.memory_space<vmem>>, vector<16xi32>,
    %eq3A_517 = arith.constant 0 : i32
    %eq3A_518 = vector.broadcast %eq3A_517 : i32 to vector<16xi32>
    %eq3A_519 = arith.cmpi eq, %iota3A, %eq3A_518 : vector<16xi32>
    %get3A_520 = arith.constant 8000 : index
    %get3A_521 = tpu.vector_load %arg5[%get3A_520] {strides = array<i32>} : memref<25600xi32, #tpu.memory_space<vmem>>, vector<16xi32>,
    %get3A_522 = vector.shape_cast %get3A_521 : vector<16xi32> to vector<16xi32>
    %jit3A_523 = arith.constant 1 : i32
    %broadcast_in_dim3A_524 = vector.broadcast %jit3A_523 : i32 to vector<16xi32>
    %select_n3A_525 = arith.select %eq3A_519, %broadcast_in_dim3A_524, %get3A_522 : vector<16xi1>, vector<16xi32>
    %swap3A_526 = arith.constant 8000 : index
    %swap3A_527 = tpu.vector_load %arg5[%swap3A_526] {strides = array<i32>} : memref<25600xi32, #tpu.memory_space<vmem>>, vector<16xi32>,
    %swap3A_528 = vector.shape_cast %swap3A_527 : vector<16xi32> to vector<16xi32>
    %swap3A_529 = vector.shape_cast %select_n3A_525 : vector<16xi32> to vector<16xi32>
    tpu.vector_store %arg5[%swap3A_526], %swap3A_529 {strides = array<i32>} : memref<25600xi32, #tpu.memory_space<vmem>>, vector<16xi32>,
    %eq3A_530 = arith.constant 8 : i32
    %eq3A_531 = vector.broadcast %eq3A_530 : i32 to vector<16xi32>
    %eq3A_532 = arith.cmpi eq, %iota3A, %eq3A_531 : vector<16xi32>
    %get3A_533 = arith.constant 8192 : index
    %get3A_534 = tpu.vector_load %arg5[%get3A_533] {strides = array<i32>} : memref<25600xi32, #tpu.memory_space<vmem>>, vector<16xi32>,
    %get3A_535 = vector.shape_cast %get3A_534 : vector<16xi32> to vector<16xi32>
    %jit3A_536 = arith.constant 1 : i32
    %broadcast_in_dim3A_537 = vector.broadcast %jit3A_536 : i32 to vector<16xi32>
    %select_n3A_538 = arith.select %eq3A_532, %broadcast_in_dim3A_537, %get3A_535 : vector<16xi1>, vector<16xi32>
    %swap3A_539 = arith.constant 8192 : index
    %swap3A_540 = tpu.vector_load %arg5[%swap3A_539] {strides = array<i32>} : memref<25600xi32, #tpu.memory_space<vmem>>, vector<16xi32>,
    %swap3A_541 = vector.shape_cast %swap3A_540 : vector<16xi32> to vector<16xi32>
    %swap3A_542 = vector.shape_cast %select_n3A_538 : vector<16xi32> to vector<16xi32>
    tpu.vector_store %arg5[%swap3A_539], %swap3A_542 {strides = array<i32>} : memref<25600xi32, #tpu.memory_space<vmem>>, vector<16xi32>,
    %eq3A_543 = arith.constant 0 : i32
    %eq3A_544 = vector.broadcast %eq3A_543 : i32 to vector<16xi32>
    %eq3A_545 = arith.cmpi eq, %iota3A, %eq3A_544 : vector<16xi32>
    %get3A_546 = arith.constant 8400 : index
    %get3A_547 = tpu.vector_load %arg5[%get3A_546] {strides = array<i32>} : memref<25600xi32, #tpu.memory_space<vmem>>, vector<16xi32>,
    %get3A_548 = vector.shape_cast %get3A_547 : vector<16xi32> to vector<16xi32>
    %jit3A_549 = arith.constant 1 : i32
    %broadcast_in_dim3A_550 = vector.broadcast %jit3A_549 : i32 to vector<16xi32>
    %select_n3A_551 = arith.select %eq3A_545, %broadcast_in_dim3A_550, %get3A_548 : vector<16xi1>, vector<16xi32>
    %swap3A_552 = arith.constant 8400 : index
    %swap3A_553 = tpu.vector_load %arg5[%swap3A_552] {strides = array<i32>} : memref<25600xi32, #tpu.memory_space<vmem>>, vector<16xi32>,
    %swap3A_554 = vector.shape_cast %swap3A_553 : vector<16xi32> to vector<16xi32>
    %swap3A_555 = vector.shape_cast %select_n3A_551 : vector<16xi32> to vector<16xi32>
    tpu.vector_store %arg5[%swap3A_552], %swap3A_555 {strides = array<i32>} : memref<25600xi32, #tpu.memory_space<vmem>>, vector<16xi32>,
    %eq3A_556 = arith.constant 8 : i32
    %eq3A_557 = vector.broadcast %eq3A_556 : i32 to vector<16xi32>
    %eq3A_558 = arith.cmpi eq, %iota3A, %eq3A_557 : vector<16xi32>
    %get3A_559 = arith.constant 8592 : index
    %get3A_560 = tpu.vector_load %arg5[%get3A_559] {strides = array<i32>} : memref<25600xi32, #tpu.memory_space<vmem>>, vector<16xi32>,
    %get3A_561 = vector.shape_cast %get3A_560 : vector<16xi32> to vector<16xi32>
    %jit3A_562 = arith.constant 1 : i32
    %broadcast_in_dim3A_563 = vector.broadcast %jit3A_562 : i32 to vector<16xi32>
    %select_n3A_564 = arith.select %eq3A_558, %broadcast_in_dim3A_563, %get3A_561 : vector<16xi1>, vector<16xi32>
    %swap3A_565 = arith.constant 8592 : index
    %swap3A_566 = tpu.vector_load %arg5[%swap3A_565] {strides = array<i32>} : memref<25600xi32, #tpu.memory_space<vmem>>, vector<16xi32>,
    %swap3A_567 = vector.shape_cast %swap3A_566 : vector<16xi32> to vector<16xi32>
    %swap3A_568 = vector.shape_cast %select_n3A_564 : vector<16xi32> to vector<16xi32>
    tpu.vector_store %arg5[%swap3A_565], %swap3A_568 {strides = array<i32>} : memref<25600xi32, #tpu.memory_space<vmem>>, vector<16xi32>,
    %eq3A_569 = arith.constant 0 : i32
    %eq3A_570 = vector.broadcast %eq3A_569 : i32 to vector<16xi32>
    %eq3A_571 = arith.cmpi eq, %iota3A, %eq3A_570 : vector<16xi32>
    %get3A_572 = arith.constant 8800 : index
    %get3A_573 = tpu.vector_load %arg5[%get3A_572] {strides = array<i32>} : memref<25600xi32, #tpu.memory_space<vmem>>, vector<16xi32>,
    %get3A_574 = vector.shape_cast %get3A_573 : vector<16xi32> to vector<16xi32>
    %jit3A_575 = arith.constant 1 : i32
    %broadcast_in_dim3A_576 = vector.broadcast %jit3A_575 : i32 to vector<16xi32>
    %select_n3A_577 = arith.select %eq3A_571, %broadcast_in_dim3A_576, %get3A_574 : vector<16xi1>, vector<16xi32>
    %swap3A_578 = arith.constant 8800 : index
    %swap3A_579 = tpu.vector_load %arg5[%swap3A_578] {strides = array<i32>} : memref<25600xi32, #tpu.memory_space<vmem>>, vector<16xi32>,
    %swap3A_580 = vector.shape_cast %swap3A_579 : vector<16xi32> to vector<16xi32>
    %swap3A_581 = vector.shape_cast %select_n3A_577 : vector<16xi32> to vector<16xi32>
    tpu.vector_store %arg5[%swap3A_578], %swap3A_581 {strides = array<i32>} : memref<25600xi32, #tpu.memory_space<vmem>>, vector<16xi32>,
    %eq3A_582 = arith.constant 8 : i32
    %eq3A_583 = vector.broadcast %eq3A_582 : i32 to vector<16xi32>
    %eq3A_584 = arith.cmpi eq, %iota3A, %eq3A_583 : vector<16xi32>
    %get3A_585 = arith.constant 8992 : index
    %get3A_586 = tpu.vector_load %arg5[%get3A_585] {strides = array<i32>} : memref<25600xi32, #tpu.memory_space<vmem>>, vector<16xi32>,
    %get3A_587 = vector.shape_cast %get3A_586 : vector<16xi32> to vector<16xi32>
    %jit3A_588 = arith.constant 1 : i32
    %broadcast_in_dim3A_589 = vector.broadcast %jit3A_588 : i32 to vector<16xi32>
    %select_n3A_590 = arith.select %eq3A_584, %broadcast_in_dim3A_589, %get3A_587 : vector<16xi1>, vector<16xi32>
    %swap3A_591 = arith.constant 8992 : index
    %swap3A_592 = tpu.vector_load %arg5[%swap3A_591] {strides = array<i32>} : memref<25600xi32, #tpu.memory_space<vmem>>, vector<16xi32>,
    %swap3A_593 = vector.shape_cast %swap3A_592 : vector<16xi32> to vector<16xi32>
    %swap3A_594 = vector.shape_cast %select_n3A_590 : vector<16xi32> to vector<16xi32>
    tpu.vector_store %arg5[%swap3A_591], %swap3A_594 {strides = array<i32>} : memref<25600xi32, #tpu.memory_space<vmem>>, vector<16xi32>,
    %eq3A_595 = arith.constant 0 : i32
    %eq3A_596 = vector.broadcast %eq3A_595 : i32 to vector<16xi32>
    %eq3A_597 = arith.cmpi eq, %iota3A, %eq3A_596 : vector<16xi32>
    %get3A_598 = arith.constant 9200 : index
    %get3A_599 = tpu.vector_load %arg5[%get3A_598] {strides = array<i32>} : memref<25600xi32, #tpu.memory_space<vmem>>, vector<16xi32>,
    %get3A_600 = vector.shape_cast %get3A_599 : vector<16xi32> to vector<16xi32>
    %jit3A_601 = arith.constant 1 : i32
    %broadcast_in_dim3A_602 = vector.broadcast %jit3A_601 : i32 to vector<16xi32>
    %select_n3A_603 = arith.select %eq3A_597, %broadcast_in_dim3A_602, %get3A_600 : vector<16xi1>, vector<16xi32>
    %swap3A_604 = arith.constant 9200 : index
    %swap3A_605 = tpu.vector_load %arg5[%swap3A_604] {strides = array<i32>} : memref<25600xi32, #tpu.memory_space<vmem>>, vector<16xi32>,
    %swap3A_606 = vector.shape_cast %swap3A_605 : vector<16xi32> to vector<16xi32>
    %swap3A_607 = vector.shape_cast %select_n3A_603 : vector<16xi32> to vector<16xi32>
    tpu.vector_store %arg5[%swap3A_604], %swap3A_607 {strides = array<i32>} : memref<25600xi32, #tpu.memory_space<vmem>>, vector<16xi32>,
    %eq3A_608 = arith.constant 8 : i32
    %eq3A_609 = vector.broadcast %eq3A_608 : i32 to vector<16xi32>
    %eq3A_610 = arith.cmpi eq, %iota3A, %eq3A_609 : vector<16xi32>
    %get3A_611 = arith.constant 9392 : index
    %get3A_612 = tpu.vector_load %arg5[%get3A_611] {strides = array<i32>} : memref<25600xi32, #tpu.memory_space<vmem>>, vector<16xi32>,
    %get3A_613 = vector.shape_cast %get3A_612 : vector<16xi32> to vector<16xi32>
    %jit3A_614 = arith.constant 1 : i32
    %broadcast_in_dim3A_615 = vector.broadcast %jit3A_614 : i32 to vector<16xi32>
    %select_n3A_616 = arith.select %eq3A_610, %broadcast_in_dim3A_615, %get3A_613 : vector<16xi1>, vector<16xi32>
    %swap3A_617 = arith.constant 9392 : index
    %swap3A_618 = tpu.vector_load %arg5[%swap3A_617] {strides = array<i32>} : memref<25600xi32, #tpu.memory_space<vmem>>, vector<16xi32>,
    %swap3A_619 = vector.shape_cast %swap3A_618 : vector<16xi32> to vector<16xi32>
    %swap3A_620 = vector.shape_cast %select_n3A_616 : vector<16xi32> to vector<16xi32>
    tpu.vector_store %arg5[%swap3A_617], %swap3A_620 {strides = array<i32>} : memref<25600xi32, #tpu.memory_space<vmem>>, vector<16xi32>,
    %eq3A_621 = arith.constant 0 : i32
    %eq3A_622 = vector.broadcast %eq3A_621 : i32 to vector<16xi32>
    %eq3A_623 = arith.cmpi eq, %iota3A, %eq3A_622 : vector<16xi32>
    %get3A_624 = arith.constant 9600 : index
    %get3A_625 = tpu.vector_load %arg5[%get3A_624] {strides = array<i32>} : memref<25600xi32, #tpu.memory_space<vmem>>, vector<16xi32>,
    %get3A_626 = vector.shape_cast %get3A_625 : vector<16xi32> to vector<16xi32>
    %jit3A_627 = arith.constant 1 : i32
    %broadcast_in_dim3A_628 = vector.broadcast %jit3A_627 : i32 to vector<16xi32>
    %select_n3A_629 = arith.select %eq3A_623, %broadcast_in_dim3A_628, %get3A_626 : vector<16xi1>, vector<16xi32>
    %swap3A_630 = arith.constant 9600 : index
    %swap3A_631 = tpu.vector_load %arg5[%swap3A_630] {strides = array<i32>} : memref<25600xi32, #tpu.memory_space<vmem>>, vector<16xi32>,
    %swap3A_632 = vector.shape_cast %swap3A_631 : vector<16xi32> to vector<16xi32>
    %swap3A_633 = vector.shape_cast %select_n3A_629 : vector<16xi32> to vector<16xi32>
    tpu.vector_store %arg5[%swap3A_630], %swap3A_633 {strides = array<i32>} : memref<25600xi32, #tpu.memory_space<vmem>>, vector<16xi32>,
    %eq3A_634 = arith.constant 8 : i32
    %eq3A_635 = vector.broadcast %eq3A_634 : i32 to vector<16xi32>
    %eq3A_636 = arith.cmpi eq, %iota3A, %eq3A_635 : vector<16xi32>
    %get3A_637 = arith.constant 9792 : index
    %get3A_638 = tpu.vector_load %arg5[%get3A_637] {strides = array<i32>} : memref<25600xi32, #tpu.memory_space<vmem>>, vector<16xi32>,
    %get3A_639 = vector.shape_cast %get3A_638 : vector<16xi32> to vector<16xi32>
    %jit3A_640 = arith.constant 1 : i32
    %broadcast_in_dim3A_641 = vector.broadcast %jit3A_640 : i32 to vector<16xi32>
    %select_n3A_642 = arith.select %eq3A_636, %broadcast_in_dim3A_641, %get3A_639 : vector<16xi1>, vector<16xi32>
    %swap3A_643 = arith.constant 9792 : index
    %swap3A_644 = tpu.vector_load %arg5[%swap3A_643] {strides = array<i32>} : memref<25600xi32, #tpu.memory_space<vmem>>, vector<16xi32>,
    %swap3A_645 = vector.shape_cast %swap3A_644 : vector<16xi32> to vector<16xi32>
    %swap3A_646 = vector.shape_cast %select_n3A_642 : vector<16xi32> to vector<16xi32>
    tpu.vector_store %arg5[%swap3A_643], %swap3A_646 {strides = array<i32>} : memref<25600xi32, #tpu.memory_space<vmem>>, vector<16xi32>,
    %eq3A_647 = arith.constant 0 : i32
    %eq3A_648 = vector.broadcast %eq3A_647 : i32 to vector<16xi32>
    %eq3A_649 = arith.cmpi eq, %iota3A, %eq3A_648 : vector<16xi32>
    %get3A_650 = arith.constant 10000 : index
    %get3A_651 = tpu.vector_load %arg5[%get3A_650] {strides = array<i32>} : memref<25600xi32, #tpu.memory_space<vmem>>, vector<16xi32>,
    %get3A_652 = vector.shape_cast %get3A_651 : vector<16xi32> to vector<16xi32>
    %jit3A_653 = arith.constant 1 : i32
    %broadcast_in_dim3A_654 = vector.broadcast %jit3A_653 : i32 to vector<16xi32>
    %select_n3A_655 = arith.select %eq3A_649, %broadcast_in_dim3A_654, %get3A_652 : vector<16xi1>, vector<16xi32>
    %swap3A_656 = arith.constant 10000 : index
    %swap3A_657 = tpu.vector_load %arg5[%swap3A_656] {strides = array<i32>} : memref<25600xi32, #tpu.memory_space<vmem>>, vector<16xi32>,
    %swap3A_658 = vector.shape_cast %swap3A_657 : vector<16xi32> to vector<16xi32>
    %swap3A_659 = vector.shape_cast %select_n3A_655 : vector<16xi32> to vector<16xi32>
    tpu.vector_store %arg5[%swap3A_656], %swap3A_659 {strides = array<i32>} : memref<25600xi32, #tpu.memory_space<vmem>>, vector<16xi32>,
    %eq3A_660 = arith.constant 8 : i32
    %eq3A_661 = vector.broadcast %eq3A_660 : i32 to vector<16xi32>
    %eq3A_662 = arith.cmpi eq, %iota3A, %eq3A_661 : vector<16xi32>
    %get3A_663 = arith.constant 10192 : index
    %get3A_664 = tpu.vector_load %arg5[%get3A_663] {strides = array<i32>} : memref<25600xi32, #tpu.memory_space<vmem>>, vector<16xi32>,
    %get3A_665 = vector.shape_cast %get3A_664 : vector<16xi32> to vector<16xi32>
    %jit3A_666 = arith.constant 1 : i32
    %broadcast_in_dim3A_667 = vector.broadcast %jit3A_666 : i32 to vector<16xi32>
    %select_n3A_668 = arith.select %eq3A_662, %broadcast_in_dim3A_667, %get3A_665 : vector<16xi1>, vector<16xi32>
    %swap3A_669 = arith.constant 10192 : index
    %swap3A_670 = tpu.vector_load %arg5[%swap3A_669] {strides = array<i32>} : memref<25600xi32, #tpu.memory_space<vmem>>, vector<16xi32>,
    %swap3A_671 = vector.shape_cast %swap3A_670 : vector<16xi32> to vector<16xi32>
    %swap3A_672 = vector.shape_cast %select_n3A_668 : vector<16xi32> to vector<16xi32>
    tpu.vector_store %arg5[%swap3A_669], %swap3A_672 {strides = array<i32>} : memref<25600xi32, #tpu.memory_space<vmem>>, vector<16xi32>,
    %eq3A_673 = arith.constant 0 : i32
    %eq3A_674 = vector.broadcast %eq3A_673 : i32 to vector<16xi32>
    %eq3A_675 = arith.cmpi eq, %iota3A, %eq3A_674 : vector<16xi32>
    %get3A_676 = arith.constant 10400 : index
    %get3A_677 = tpu.vector_load %arg5[%get3A_676] {strides = array<i32>} : memref<25600xi32, #tpu.memory_space<vmem>>, vector<16xi32>,
    %get3A_678 = vector.shape_cast %get3A_677 : vector<16xi32> to vector<16xi32>
    %jit3A_679 = arith.constant 1 : i32
    %broadcast_in_dim3A_680 = vector.broadcast %jit3A_679 : i32 to vector<16xi32>
    %select_n3A_681 = arith.select %eq3A_675, %broadcast_in_dim3A_680, %get3A_678 : vector<16xi1>, vector<16xi32>
    %swap3A_682 = arith.constant 10400 : index
    %swap3A_683 = tpu.vector_load %arg5[%swap3A_682] {strides = array<i32>} : memref<25600xi32, #tpu.memory_space<vmem>>, vector<16xi32>,
    %swap3A_684 = vector.shape_cast %swap3A_683 : vector<16xi32> to vector<16xi32>
    %swap3A_685 = vector.shape_cast %select_n3A_681 : vector<16xi32> to vector<16xi32>
    tpu.vector_store %arg5[%swap3A_682], %swap3A_685 {strides = array<i32>} : memref<25600xi32, #tpu.memory_space<vmem>>, vector<16xi32>,
    %eq3A_686 = arith.constant 8 : i32
    %eq3A_687 = vector.broadcast %eq3A_686 : i32 to vector<16xi32>
    %eq3A_688 = arith.cmpi eq, %iota3A, %eq3A_687 : vector<16xi32>
    %get3A_689 = arith.constant 10592 : index
    %get3A_690 = tpu.vector_load %arg5[%get3A_689] {strides = array<i32>} : memref<25600xi32, #tpu.memory_space<vmem>>, vector<16xi32>,
    %get3A_691 = vector.shape_cast %get3A_690 : vector<16xi32> to vector<16xi32>
    %jit3A_692 = arith.constant 1 : i32
    %broadcast_in_dim3A_693 = vector.broadcast %jit3A_692 : i32 to vector<16xi32>
    %select_n3A_694 = arith.select %eq3A_688, %broadcast_in_dim3A_693, %get3A_691 : vector<16xi1>, vector<16xi32>
    %swap3A_695 = arith.constant 10592 : index
    %swap3A_696 = tpu.vector_load %arg5[%swap3A_695] {strides = array<i32>} : memref<25600xi32, #tpu.memory_space<vmem>>, vector<16xi32>,
    %swap3A_697 = vector.shape_cast %swap3A_696 : vector<16xi32> to vector<16xi32>
    %swap3A_698 = vector.shape_cast %select_n3A_694 : vector<16xi32> to vector<16xi32>
    tpu.vector_store %arg5[%swap3A_695], %swap3A_698 {strides = array<i32>} : memref<25600xi32, #tpu.memory_space<vmem>>, vector<16xi32>,
    %eq3A_699 = arith.constant 0 : i32
    %eq3A_700 = vector.broadcast %eq3A_699 : i32 to vector<16xi32>
    %eq3A_701 = arith.cmpi eq, %iota3A, %eq3A_700 : vector<16xi32>
    %get3A_702 = arith.constant 10800 : index
    %get3A_703 = tpu.vector_load %arg5[%get3A_702] {strides = array<i32>} : memref<25600xi32, #tpu.memory_space<vmem>>, vector<16xi32>,
    %get3A_704 = vector.shape_cast %get3A_703 : vector<16xi32> to vector<16xi32>
    %jit3A_705 = arith.constant 1 : i32
    %broadcast_in_dim3A_706 = vector.broadcast %jit3A_705 : i32 to vector<16xi32>
    %select_n3A_707 = arith.select %eq3A_701, %broadcast_in_dim3A_706, %get3A_704 : vector<16xi1>, vector<16xi32>
    %swap3A_708 = arith.constant 10800 : index
    %swap3A_709 = tpu.vector_load %arg5[%swap3A_708] {strides = array<i32>} : memref<25600xi32, #tpu.memory_space<vmem>>, vector<16xi32>,
    %swap3A_710 = vector.shape_cast %swap3A_709 : vector<16xi32> to vector<16xi32>
    %swap3A_711 = vector.shape_cast %select_n3A_707 : vector<16xi32> to vector<16xi32>
    tpu.vector_store %arg5[%swap3A_708], %swap3A_711 {strides = array<i32>} : memref<25600xi32, #tpu.memory_space<vmem>>, vector<16xi32>,
    %eq3A_712 = arith.constant 8 : i32
    %eq3A_713 = vector.broadcast %eq3A_712 : i32 to vector<16xi32>
    %eq3A_714 = arith.cmpi eq, %iota3A, %eq3A_713 : vector<16xi32>
    %get3A_715 = arith.constant 10992 : index
    %get3A_716 = tpu.vector_load %arg5[%get3A_715] {strides = array<i32>} : memref<25600xi32, #tpu.memory_space<vmem>>, vector<16xi32>,
    %get3A_717 = vector.shape_cast %get3A_716 : vector<16xi32> to vector<16xi32>
    %jit3A_718 = arith.constant 1 : i32
    %broadcast_in_dim3A_719 = vector.broadcast %jit3A_718 : i32 to vector<16xi32>
    %select_n3A_720 = arith.select %eq3A_714, %broadcast_in_dim3A_719, %get3A_717 : vector<16xi1>, vector<16xi32>
    %swap3A_721 = arith.constant 10992 : index
    %swap3A_722 = tpu.vector_load %arg5[%swap3A_721] {strides = array<i32>} : memref<25600xi32, #tpu.memory_space<vmem>>, vector<16xi32>,
    %swap3A_723 = vector.shape_cast %swap3A_722 : vector<16xi32> to vector<16xi32>
    %swap3A_724 = vector.shape_cast %select_n3A_720 : vector<16xi32> to vector<16xi32>
    tpu.vector_store %arg5[%swap3A_721], %swap3A_724 {strides = array<i32>} : memref<25600xi32, #tpu.memory_space<vmem>>, vector<16xi32>,
    %eq3A_725 = arith.constant 0 : i32
    %eq3A_726 = vector.broadcast %eq3A_725 : i32 to vector<16xi32>
    %eq3A_727 = arith.cmpi eq, %iota3A, %eq3A_726 : vector<16xi32>
    %get3A_728 = arith.constant 11200 : index
    %get3A_729 = tpu.vector_load %arg5[%get3A_728] {strides = array<i32>} : memref<25600xi32, #tpu.memory_space<vmem>>, vector<16xi32>,
    %get3A_730 = vector.shape_cast %get3A_729 : vector<16xi32> to vector<16xi32>
    %jit3A_731 = arith.constant 1 : i32
    %broadcast_in_dim3A_732 = vector.broadcast %jit3A_731 : i32 to vector<16xi32>
    %select_n3A_733 = arith.select %eq3A_727, %broadcast_in_dim3A_732, %get3A_730 : vector<16xi1>, vector<16xi32>
    %swap3A_734 = arith.constant 11200 : index
    %swap3A_735 = tpu.vector_load %arg5[%swap3A_734] {strides = array<i32>} : memref<25600xi32, #tpu.memory_space<vmem>>, vector<16xi32>,
    %swap3A_736 = vector.shape_cast %swap3A_735 : vector<16xi32> to vector<16xi32>
    %swap3A_737 = vector.shape_cast %select_n3A_733 : vector<16xi32> to vector<16xi32>
    tpu.vector_store %arg5[%swap3A_734], %swap3A_737 {strides = array<i32>} : memref<25600xi32, #tpu.memory_space<vmem>>, vector<16xi32>,
    %eq3A_738 = arith.constant 8 : i32
    %eq3A_739 = vector.broadcast %eq3A_738 : i32 to vector<16xi32>
    %eq3A_740 = arith.cmpi eq, %iota3A, %eq3A_739 : vector<16xi32>
    %get3A_741 = arith.constant 11392 : index
    %get3A_742 = tpu.vector_load %arg5[%get3A_741] {strides = array<i32>} : memref<25600xi32, #tpu.memory_space<vmem>>, vector<16xi32>,
    %get3A_743 = vector.shape_cast %get3A_742 : vector<16xi32> to vector<16xi32>
    %jit3A_744 = arith.constant 1 : i32
    %broadcast_in_dim3A_745 = vector.broadcast %jit3A_744 : i32 to vector<16xi32>
    %select_n3A_746 = arith.select %eq3A_740, %broadcast_in_dim3A_745, %get3A_743 : vector<16xi1>, vector<16xi32>
    %swap3A_747 = arith.constant 11392 : index
    %swap3A_748 = tpu.vector_load %arg5[%swap3A_747] {strides = array<i32>} : memref<25600xi32, #tpu.memory_space<vmem>>, vector<16xi32>,
    %swap3A_749 = vector.shape_cast %swap3A_748 : vector<16xi32> to vector<16xi32>
    %swap3A_750 = vector.shape_cast %select_n3A_746 : vector<16xi32> to vector<16xi32>
    tpu.vector_store %arg5[%swap3A_747], %swap3A_750 {strides = array<i32>} : memref<25600xi32, #tpu.memory_space<vmem>>, vector<16xi32>,
    %eq3A_751 = arith.constant 0 : i32
    %eq3A_752 = vector.broadcast %eq3A_751 : i32 to vector<16xi32>
    %eq3A_753 = arith.cmpi eq, %iota3A, %eq3A_752 : vector<16xi32>
    %get3A_754 = arith.constant 11600 : index
    %get3A_755 = tpu.vector_load %arg5[%get3A_754] {strides = array<i32>} : memref<25600xi32, #tpu.memory_space<vmem>>, vector<16xi32>,
    %get3A_756 = vector.shape_cast %get3A_755 : vector<16xi32> to vector<16xi32>
    %jit3A_757 = arith.constant 1 : i32
    %broadcast_in_dim3A_758 = vector.broadcast %jit3A_757 : i32 to vector<16xi32>
    %select_n3A_759 = arith.select %eq3A_753, %broadcast_in_dim3A_758, %get3A_756 : vector<16xi1>, vector<16xi32>
    %swap3A_760 = arith.constant 11600 : index
    %swap3A_761 = tpu.vector_load %arg5[%swap3A_760] {strides = array<i32>} : memref<25600xi32, #tpu.memory_space<vmem>>, vector<16xi32>,
    %swap3A_762 = vector.shape_cast %swap3A_761 : vector<16xi32> to vector<16xi32>
    %swap3A_763 = vector.shape_cast %select_n3A_759 : vector<16xi32> to vector<16xi32>
    tpu.vector_store %arg5[%swap3A_760], %swap3A_763 {strides = array<i32>} : memref<25600xi32, #tpu.memory_space<vmem>>, vector<16xi32>,
    %eq3A_764 = arith.constant 8 : i32
    %eq3A_765 = vector.broadcast %eq3A_764 : i32 to vector<16xi32>
    %eq3A_766 = arith.cmpi eq, %iota3A, %eq3A_765 : vector<16xi32>
    %get3A_767 = arith.constant 11792 : index
    %get3A_768 = tpu.vector_load %arg5[%get3A_767] {strides = array<i32>} : memref<25600xi32, #tpu.memory_space<vmem>>, vector<16xi32>,
    %get3A_769 = vector.shape_cast %get3A_768 : vector<16xi32> to vector<16xi32>
    %jit3A_770 = arith.constant 1 : i32
    %broadcast_in_dim3A_771 = vector.broadcast %jit3A_770 : i32 to vector<16xi32>
    %select_n3A_772 = arith.select %eq3A_766, %broadcast_in_dim3A_771, %get3A_769 : vector<16xi1>, vector<16xi32>
    %swap3A_773 = arith.constant 11792 : index
    %swap3A_774 = tpu.vector_load %arg5[%swap3A_773] {strides = array<i32>} : memref<25600xi32, #tpu.memory_space<vmem>>, vector<16xi32>,
    %swap3A_775 = vector.shape_cast %swap3A_774 : vector<16xi32> to vector<16xi32>
    %swap3A_776 = vector.shape_cast %select_n3A_772 : vector<16xi32> to vector<16xi32>
    tpu.vector_store %arg5[%swap3A_773], %swap3A_776 {strides = array<i32>} : memref<25600xi32, #tpu.memory_space<vmem>>, vector<16xi32>,
    %eq3A_777 = arith.constant 0 : i32
    %eq3A_778 = vector.broadcast %eq3A_777 : i32 to vector<16xi32>
    %eq3A_779 = arith.cmpi eq, %iota3A, %eq3A_778 : vector<16xi32>
    %get3A_780 = arith.constant 12000 : index
    %get3A_781 = tpu.vector_load %arg5[%get3A_780] {strides = array<i32>} : memref<25600xi32, #tpu.memory_space<vmem>>, vector<16xi32>,
    %get3A_782 = vector.shape_cast %get3A_781 : vector<16xi32> to vector<16xi32>
    %jit3A_783 = arith.constant 1 : i32
    %broadcast_in_dim3A_784 = vector.broadcast %jit3A_783 : i32 to vector<16xi32>
    %select_n3A_785 = arith.select %eq3A_779, %broadcast_in_dim3A_784, %get3A_782 : vector<16xi1>, vector<16xi32>
    %swap3A_786 = arith.constant 12000 : index
    %swap3A_787 = tpu.vector_load %arg5[%swap3A_786] {strides = array<i32>} : memref<25600xi32, #tpu.memory_space<vmem>>, vector<16xi32>,
    %swap3A_788 = vector.shape_cast %swap3A_787 : vector<16xi32> to vector<16xi32>
    %swap3A_789 = vector.shape_cast %select_n3A_785 : vector<16xi32> to vector<16xi32>
    tpu.vector_store %arg5[%swap3A_786], %swap3A_789 {strides = array<i32>} : memref<25600xi32, #tpu.memory_space<vmem>>, vector<16xi32>,
    %eq3A_790 = arith.constant 8 : i32
    %eq3A_791 = vector.broadcast %eq3A_790 : i32 to vector<16xi32>
    %eq3A_792 = arith.cmpi eq, %iota3A, %eq3A_791 : vector<16xi32>
    %get3A_793 = arith.constant 12192 : index
    %get3A_794 = tpu.vector_load %arg5[%get3A_793] {strides = array<i32>} : memref<25600xi32, #tpu.memory_space<vmem>>, vector<16xi32>,
    %get3A_795 = vector.shape_cast %get3A_794 : vector<16xi32> to vector<16xi32>
    %jit3A_796 = arith.constant 1 : i32
    %broadcast_in_dim3A_797 = vector.broadcast %jit3A_796 : i32 to vector<16xi32>
    %select_n3A_798 = arith.select %eq3A_792, %broadcast_in_dim3A_797, %get3A_795 : vector<16xi1>, vector<16xi32>
    %swap3A_799 = arith.constant 12192 : index
    %swap3A_800 = tpu.vector_load %arg5[%swap3A_799] {strides = array<i32>} : memref<25600xi32, #tpu.memory_space<vmem>>, vector<16xi32>,
    %swap3A_801 = vector.shape_cast %swap3A_800 : vector<16xi32> to vector<16xi32>
    %swap3A_802 = vector.shape_cast %select_n3A_798 : vector<16xi32> to vector<16xi32>
    tpu.vector_store %arg5[%swap3A_799], %swap3A_802 {strides = array<i32>} : memref<25600xi32, #tpu.memory_space<vmem>>, vector<16xi32>,
    %eq3A_803 = arith.constant 0 : i32
    %eq3A_804 = vector.broadcast %eq3A_803 : i32 to vector<16xi32>
    %eq3A_805 = arith.cmpi eq, %iota3A, %eq3A_804 : vector<16xi32>
    %get3A_806 = arith.constant 12400 : index
    %get3A_807 = tpu.vector_load %arg5[%get3A_806] {strides = array<i32>} : memref<25600xi32, #tpu.memory_space<vmem>>, vector<16xi32>,
    %get3A_808 = vector.shape_cast %get3A_807 : vector<16xi32> to vector<16xi32>
    %jit3A_809 = arith.constant 1 : i32
    %broadcast_in_dim3A_810 = vector.broadcast %jit3A_809 : i32 to vector<16xi32>
    %select_n3A_811 = arith.select %eq3A_805, %broadcast_in_dim3A_810, %get3A_808 : vector<16xi1>, vector<16xi32>
    %swap3A_812 = arith.constant 12400 : index
    %swap3A_813 = tpu.vector_load %arg5[%swap3A_812] {strides = array<i32>} : memref<25600xi32, #tpu.memory_space<vmem>>, vector<16xi32>,
    %swap3A_814 = vector.shape_cast %swap3A_813 : vector<16xi32> to vector<16xi32>
    %swap3A_815 = vector.shape_cast %select_n3A_811 : vector<16xi32> to vector<16xi32>
    tpu.vector_store %arg5[%swap3A_812], %swap3A_815 {strides = array<i32>} : memref<25600xi32, #tpu.memory_space<vmem>>, vector<16xi32>,
    %eq3A_816 = arith.constant 8 : i32
    %eq3A_817 = vector.broadcast %eq3A_816 : i32 to vector<16xi32>
    %eq3A_818 = arith.cmpi eq, %iota3A, %eq3A_817 : vector<16xi32>
    %get3A_819 = arith.constant 12592 : index
    %get3A_820 = tpu.vector_load %arg5[%get3A_819] {strides = array<i32>} : memref<25600xi32, #tpu.memory_space<vmem>>, vector<16xi32>,
    %get3A_821 = vector.shape_cast %get3A_820 : vector<16xi32> to vector<16xi32>
    %jit3A_822 = arith.constant 1 : i32
    %broadcast_in_dim3A_823 = vector.broadcast %jit3A_822 : i32 to vector<16xi32>
    %select_n3A_824 = arith.select %eq3A_818, %broadcast_in_dim3A_823, %get3A_821 : vector<16xi1>, vector<16xi32>
    %swap3A_825 = arith.constant 12592 : index
    %swap3A_826 = tpu.vector_load %arg5[%swap3A_825] {strides = array<i32>} : memref<25600xi32, #tpu.memory_space<vmem>>, vector<16xi32>,
    %swap3A_827 = vector.shape_cast %swap3A_826 : vector<16xi32> to vector<16xi32>
    %swap3A_828 = vector.shape_cast %select_n3A_824 : vector<16xi32> to vector<16xi32>
    tpu.vector_store %arg5[%swap3A_825], %swap3A_828 {strides = array<i32>} : memref<25600xi32, #tpu.memory_space<vmem>>, vector<16xi32>,
    %eq3A_829 = arith.constant 0 : i32
    %eq3A_830 = vector.broadcast %eq3A_829 : i32 to vector<16xi32>
    %eq3A_831 = arith.cmpi eq, %iota3A, %eq3A_830 : vector<16xi32>
    %get3A_832 = arith.constant 12800 : index
    %get3A_833 = tpu.vector_load %arg5[%get3A_832] {strides = array<i32>} : memref<25600xi32, #tpu.memory_space<vmem>>, vector<16xi32>,
    %get3A_834 = vector.shape_cast %get3A_833 : vector<16xi32> to vector<16xi32>
    %jit3A_835 = arith.constant 1 : i32
    %broadcast_in_dim3A_836 = vector.broadcast %jit3A_835 : i32 to vector<16xi32>
    %select_n3A_837 = arith.select %eq3A_831, %broadcast_in_dim3A_836, %get3A_834 : vector<16xi1>, vector<16xi32>
    %swap3A_838 = arith.constant 12800 : index
    %swap3A_839 = tpu.vector_load %arg5[%swap3A_838] {strides = array<i32>} : memref<25600xi32, #tpu.memory_space<vmem>>, vector<16xi32>,
    %swap3A_840 = vector.shape_cast %swap3A_839 : vector<16xi32> to vector<16xi32>
    %swap3A_841 = vector.shape_cast %select_n3A_837 : vector<16xi32> to vector<16xi32>
    tpu.vector_store %arg5[%swap3A_838], %swap3A_841 {strides = array<i32>} : memref<25600xi32, #tpu.memory_space<vmem>>, vector<16xi32>,
    %eq3A_842 = arith.constant 8 : i32
    %eq3A_843 = vector.broadcast %eq3A_842 : i32 to vector<16xi32>
    %eq3A_844 = arith.cmpi eq, %iota3A, %eq3A_843 : vector<16xi32>
    %get3A_845 = arith.constant 12992 : index
    %get3A_846 = tpu.vector_load %arg5[%get3A_845] {strides = array<i32>} : memref<25600xi32, #tpu.memory_space<vmem>>, vector<16xi32>,
    %get3A_847 = vector.shape_cast %get3A_846 : vector<16xi32> to vector<16xi32>
    %jit3A_848 = arith.constant 1 : i32
    %broadcast_in_dim3A_849 = vector.broadcast %jit3A_848 : i32 to vector<16xi32>
    %select_n3A_850 = arith.select %eq3A_844, %broadcast_in_dim3A_849, %get3A_847 : vector<16xi1>, vector<16xi32>
    %swap3A_851 = arith.constant 12992 : index
    %swap3A_852 = tpu.vector_load %arg5[%swap3A_851] {strides = array<i32>} : memref<25600xi32, #tpu.memory_space<vmem>>, vector<16xi32>,
    %swap3A_853 = vector.shape_cast %swap3A_852 : vector<16xi32> to vector<16xi32>
    %swap3A_854 = vector.shape_cast %select_n3A_850 : vector<16xi32> to vector<16xi32>
    tpu.vector_store %arg5[%swap3A_851], %swap3A_854 {strides = array<i32>} : memref<25600xi32, #tpu.memory_space<vmem>>, vector<16xi32>,
    %eq3A_855 = arith.constant 0 : i32
    %eq3A_856 = vector.broadcast %eq3A_855 : i32 to vector<16xi32>
    %eq3A_857 = arith.cmpi eq, %iota3A, %eq3A_856 : vector<16xi32>
    %get3A_858 = arith.constant 13200 : index
    %get3A_859 = tpu.vector_load %arg5[%get3A_858] {strides = array<i32>} : memref<25600xi32, #tpu.memory_space<vmem>>, vector<16xi32>,
    %get3A_860 = vector.shape_cast %get3A_859 : vector<16xi32> to vector<16xi32>
    %jit3A_861 = arith.constant 1 : i32
    %broadcast_in_dim3A_862 = vector.broadcast %jit3A_861 : i32 to vector<16xi32>
    %select_n3A_863 = arith.select %eq3A_857, %broadcast_in_dim3A_862, %get3A_860 : vector<16xi1>, vector<16xi32>
    %swap3A_864 = arith.constant 13200 : index
    %swap3A_865 = tpu.vector_load %arg5[%swap3A_864] {strides = array<i32>} : memref<25600xi32, #tpu.memory_space<vmem>>, vector<16xi32>,
    %swap3A_866 = vector.shape_cast %swap3A_865 : vector<16xi32> to vector<16xi32>
    %swap3A_867 = vector.shape_cast %select_n3A_863 : vector<16xi32> to vector<16xi32>
    tpu.vector_store %arg5[%swap3A_864], %swap3A_867 {strides = array<i32>} : memref<25600xi32, #tpu.memory_space<vmem>>, vector<16xi32>,
    %eq3A_868 = arith.constant 8 : i32
    %eq3A_869 = vector.broadcast %eq3A_868 : i32 to vector<16xi32>
    %eq3A_870 = arith.cmpi eq, %iota3A, %eq3A_869 : vector<16xi32>
    %get3A_871 = arith.constant 13392 : index
    %get3A_872 = tpu.vector_load %arg5[%get3A_871] {strides = array<i32>} : memref<25600xi32, #tpu.memory_space<vmem>>, vector<16xi32>,
    %get3A_873 = vector.shape_cast %get3A_872 : vector<16xi32> to vector<16xi32>
    %jit3A_874 = arith.constant 1 : i32
    %broadcast_in_dim3A_875 = vector.broadcast %jit3A_874 : i32 to vector<16xi32>
    %select_n3A_876 = arith.select %eq3A_870, %broadcast_in_dim3A_875, %get3A_873 : vector<16xi1>, vector<16xi32>
    %swap3A_877 = arith.constant 13392 : index
    %swap3A_878 = tpu.vector_load %arg5[%swap3A_877] {strides = array<i32>} : memref<25600xi32, #tpu.memory_space<vmem>>, vector<16xi32>,
    %swap3A_879 = vector.shape_cast %swap3A_878 : vector<16xi32> to vector<16xi32>
    %swap3A_880 = vector.shape_cast %select_n3A_876 : vector<16xi32> to vector<16xi32>
    tpu.vector_store %arg5[%swap3A_877], %swap3A_880 {strides = array<i32>} : memref<25600xi32, #tpu.memory_space<vmem>>, vector<16xi32>,
    %eq3A_881 = arith.constant 0 : i32
    %eq3A_882 = vector.broadcast %eq3A_881 : i32 to vector<16xi32>
    %eq3A_883 = arith.cmpi eq, %iota3A, %eq3A_882 : vector<16xi32>
    %get3A_884 = arith.constant 13600 : index
    %get3A_885 = tpu.vector_load %arg5[%get3A_884] {strides = array<i32>} : memref<25600xi32, #tpu.memory_space<vmem>>, vector<16xi32>,
    %get3A_886 = vector.shape_cast %get3A_885 : vector<16xi32> to vector<16xi32>
    %jit3A_887 = arith.constant 1 : i32
    %broadcast_in_dim3A_888 = vector.broadcast %jit3A_887 : i32 to vector<16xi32>
    %select_n3A_889 = arith.select %eq3A_883, %broadcast_in_dim3A_888, %get3A_886 : vector<16xi1>, vector<16xi32>
    %swap3A_890 = arith.constant 13600 : index
    %swap3A_891 = tpu.vector_load %arg5[%swap3A_890] {strides = array<i32>} : memref<25600xi32, #tpu.memory_space<vmem>>, vector<16xi32>,
    %swap3A_892 = vector.shape_cast %swap3A_891 : vector<16xi32> to vector<16xi32>
    %swap3A_893 = vector.shape_cast %select_n3A_889 : vector<16xi32> to vector<16xi32>
    tpu.vector_store %arg5[%swap3A_890], %swap3A_893 {strides = array<i32>} : memref<25600xi32, #tpu.memory_space<vmem>>, vector<16xi32>,
    %eq3A_894 = arith.constant 8 : i32
    %eq3A_895 = vector.broadcast %eq3A_894 : i32 to vector<16xi32>
    %eq3A_896 = arith.cmpi eq, %iota3A, %eq3A_895 : vector<16xi32>
    %get3A_897 = arith.constant 13792 : index
    %get3A_898 = tpu.vector_load %arg5[%get3A_897] {strides = array<i32>} : memref<25600xi32, #tpu.memory_space<vmem>>, vector<16xi32>,
    %get3A_899 = vector.shape_cast %get3A_898 : vector<16xi32> to vector<16xi32>
    %jit3A_900 = arith.constant 1 : i32
    %broadcast_in_dim3A_901 = vector.broadcast %jit3A_900 : i32 to vector<16xi32>
    %select_n3A_902 = arith.select %eq3A_896, %broadcast_in_dim3A_901, %get3A_899 : vector<16xi1>, vector<16xi32>
    %swap3A_903 = arith.constant 13792 : index
    %swap3A_904 = tpu.vector_load %arg5[%swap3A_903] {strides = array<i32>} : memref<25600xi32, #tpu.memory_space<vmem>>, vector<16xi32>,
    %swap3A_905 = vector.shape_cast %swap3A_904 : vector<16xi32> to vector<16xi32>
    %swap3A_906 = vector.shape_cast %select_n3A_902 : vector<16xi32> to vector<16xi32>
    tpu.vector_store %arg5[%swap3A_903], %swap3A_906 {strides = array<i32>} : memref<25600xi32, #tpu.memory_space<vmem>>, vector<16xi32>,
    %eq3A_907 = arith.constant 0 : i32
    %eq3A_908 = vector.broadcast %eq3A_907 : i32 to vector<16xi32>
    %eq3A_909 = arith.cmpi eq, %iota3A, %eq3A_908 : vector<16xi32>
    %get3A_910 = arith.constant 14000 : index
    %get3A_911 = tpu.vector_load %arg5[%get3A_910] {strides = array<i32>} : memref<25600xi32, #tpu.memory_space<vmem>>, vector<16xi32>,
    %get3A_912 = vector.shape_cast %get3A_911 : vector<16xi32> to vector<16xi32>
    %jit3A_913 = arith.constant 1 : i32
    %broadcast_in_dim3A_914 = vector.broadcast %jit3A_913 : i32 to vector<16xi32>
    %select_n3A_915 = arith.select %eq3A_909, %broadcast_in_dim3A_914, %get3A_912 : vector<16xi1>, vector<16xi32>
    %swap3A_916 = arith.constant 14000 : index
    %swap3A_917 = tpu.vector_load %arg5[%swap3A_916] {strides = array<i32>} : memref<25600xi32, #tpu.memory_space<vmem>>, vector<16xi32>,
    %swap3A_918 = vector.shape_cast %swap3A_917 : vector<16xi32> to vector<16xi32>
    %swap3A_919 = vector.shape_cast %select_n3A_915 : vector<16xi32> to vector<16xi32>
    tpu.vector_store %arg5[%swap3A_916], %swap3A_919 {strides = array<i32>} : memref<25600xi32, #tpu.memory_space<vmem>>, vector<16xi32>,
    %eq3A_920 = arith.constant 8 : i32
    %eq3A_921 = vector.broadcast %eq3A_920 : i32 to vector<16xi32>
    %eq3A_922 = arith.cmpi eq, %iota3A, %eq3A_921 : vector<16xi32>
    %get3A_923 = arith.constant 14192 : index
    %get3A_924 = tpu.vector_load %arg5[%get3A_923] {strides = array<i32>} : memref<25600xi32, #tpu.memory_space<vmem>>, vector<16xi32>,
    %get3A_925 = vector.shape_cast %get3A_924 : vector<16xi32> to vector<16xi32>
    %jit3A_926 = arith.constant 1 : i32
    %broadcast_in_dim3A_927 = vector.broadcast %jit3A_926 : i32 to vector<16xi32>
    %select_n3A_928 = arith.select %eq3A_922, %broadcast_in_dim3A_927, %get3A_925 : vector<16xi1>, vector<16xi32>
    %swap3A_929 = arith.constant 14192 : index
    %swap3A_930 = tpu.vector_load %arg5[%swap3A_929] {strides = array<i32>} : memref<25600xi32, #tpu.memory_space<vmem>>, vector<16xi32>,
    %swap3A_931 = vector.shape_cast %swap3A_930 : vector<16xi32> to vector<16xi32>
    %swap3A_932 = vector.shape_cast %select_n3A_928 : vector<16xi32> to vector<16xi32>
    tpu.vector_store %arg5[%swap3A_929], %swap3A_932 {strides = array<i32>} : memref<25600xi32, #tpu.memory_space<vmem>>, vector<16xi32>,
    %eq3A_933 = arith.constant 0 : i32
    %eq3A_934 = vector.broadcast %eq3A_933 : i32 to vector<16xi32>
    %eq3A_935 = arith.cmpi eq, %iota3A, %eq3A_934 : vector<16xi32>
    %get3A_936 = arith.constant 14400 : index
    %get3A_937 = tpu.vector_load %arg5[%get3A_936] {strides = array<i32>} : memref<25600xi32, #tpu.memory_space<vmem>>, vector<16xi32>,
    %get3A_938 = vector.shape_cast %get3A_937 : vector<16xi32> to vector<16xi32>
    %jit3A_939 = arith.constant 1 : i32
    %broadcast_in_dim3A_940 = vector.broadcast %jit3A_939 : i32 to vector<16xi32>
    %select_n3A_941 = arith.select %eq3A_935, %broadcast_in_dim3A_940, %get3A_938 : vector<16xi1>, vector<16xi32>
    %swap3A_942 = arith.constant 14400 : index
    %swap3A_943 = tpu.vector_load %arg5[%swap3A_942] {strides = array<i32>} : memref<25600xi32, #tpu.memory_space<vmem>>, vector<16xi32>,
    %swap3A_944 = vector.shape_cast %swap3A_943 : vector<16xi32> to vector<16xi32>
    %swap3A_945 = vector.shape_cast %select_n3A_941 : vector<16xi32> to vector<16xi32>
    tpu.vector_store %arg5[%swap3A_942], %swap3A_945 {strides = array<i32>} : memref<25600xi32, #tpu.memory_space<vmem>>, vector<16xi32>,
    %eq3A_946 = arith.constant 8 : i32
    %eq3A_947 = vector.broadcast %eq3A_946 : i32 to vector<16xi32>
    %eq3A_948 = arith.cmpi eq, %iota3A, %eq3A_947 : vector<16xi32>
    %get3A_949 = arith.constant 14592 : index
    %get3A_950 = tpu.vector_load %arg5[%get3A_949] {strides = array<i32>} : memref<25600xi32, #tpu.memory_space<vmem>>, vector<16xi32>,
    %get3A_951 = vector.shape_cast %get3A_950 : vector<16xi32> to vector<16xi32>
    %jit3A_952 = arith.constant 1 : i32
    %broadcast_in_dim3A_953 = vector.broadcast %jit3A_952 : i32 to vector<16xi32>
    %select_n3A_954 = arith.select %eq3A_948, %broadcast_in_dim3A_953, %get3A_951 : vector<16xi1>, vector<16xi32>
    %swap3A_955 = arith.constant 14592 : index
    %swap3A_956 = tpu.vector_load %arg5[%swap3A_955] {strides = array<i32>} : memref<25600xi32, #tpu.memory_space<vmem>>, vector<16xi32>,
    %swap3A_957 = vector.shape_cast %swap3A_956 : vector<16xi32> to vector<16xi32>
    %swap3A_958 = vector.shape_cast %select_n3A_954 : vector<16xi32> to vector<16xi32>
    tpu.vector_store %arg5[%swap3A_955], %swap3A_958 {strides = array<i32>} : memref<25600xi32, #tpu.memory_space<vmem>>, vector<16xi32>,
    %eq3A_959 = arith.constant 0 : i32
    %eq3A_960 = vector.broadcast %eq3A_959 : i32 to vector<16xi32>
    %eq3A_961 = arith.cmpi eq, %iota3A, %eq3A_960 : vector<16xi32>
    %get3A_962 = arith.constant 14800 : index
    %get3A_963 = tpu.vector_load %arg5[%get3A_962] {strides = array<i32>} : memref<25600xi32, #tpu.memory_space<vmem>>, vector<16xi32>,
    %get3A_964 = vector.shape_cast %get3A_963 : vector<16xi32> to vector<16xi32>
    %jit3A_965 = arith.constant 1 : i32
    %broadcast_in_dim3A_966 = vector.broadcast %jit3A_965 : i32 to vector<16xi32>
    %select_n3A_967 = arith.select %eq3A_961, %broadcast_in_dim3A_966, %get3A_964 : vector<16xi1>, vector<16xi32>
    %swap3A_968 = arith.constant 14800 : index
    %swap3A_969 = tpu.vector_load %arg5[%swap3A_968] {strides = array<i32>} : memref<25600xi32, #tpu.memory_space<vmem>>, vector<16xi32>,
    %swap3A_970 = vector.shape_cast %swap3A_969 : vector<16xi32> to vector<16xi32>
    %swap3A_971 = vector.shape_cast %select_n3A_967 : vector<16xi32> to vector<16xi32>
    tpu.vector_store %arg5[%swap3A_968], %swap3A_971 {strides = array<i32>} : memref<25600xi32, #tpu.memory_space<vmem>>, vector<16xi32>,
    %eq3A_972 = arith.constant 8 : i32
    %eq3A_973 = vector.broadcast %eq3A_972 : i32 to vector<16xi32>
    %eq3A_974 = arith.cmpi eq, %iota3A, %eq3A_973 : vector<16xi32>
    %get3A_975 = arith.constant 14992 : index
    %get3A_976 = tpu.vector_load %arg5[%get3A_975] {strides = array<i32>} : memref<25600xi32, #tpu.memory_space<vmem>>, vector<16xi32>,
    %get3A_977 = vector.shape_cast %get3A_976 : vector<16xi32> to vector<16xi32>
    %jit3A_978 = arith.constant 1 : i32
    %broadcast_in_dim3A_979 = vector.broadcast %jit3A_978 : i32 to vector<16xi32>
    %select_n3A_980 = arith.select %eq3A_974, %broadcast_in_dim3A_979, %get3A_977 : vector<16xi1>, vector<16xi32>
    %swap3A_981 = arith.constant 14992 : index
    %swap3A_982 = tpu.vector_load %arg5[%swap3A_981] {strides = array<i32>} : memref<25600xi32, #tpu.memory_space<vmem>>, vector<16xi32>,
    %swap3A_983 = vector.shape_cast %swap3A_982 : vector<16xi32> to vector<16xi32>
    %swap3A_984 = vector.shape_cast %select_n3A_980 : vector<16xi32> to vector<16xi32>
    tpu.vector_store %arg5[%swap3A_981], %swap3A_984 {strides = array<i32>} : memref<25600xi32, #tpu.memory_space<vmem>>, vector<16xi32>,
    %eq3A_985 = arith.constant 0 : i32
    %eq3A_986 = vector.broadcast %eq3A_985 : i32 to vector<16xi32>
    %eq3A_987 = arith.cmpi eq, %iota3A, %eq3A_986 : vector<16xi32>
    %get3A_988 = arith.constant 15200 : index
    %get3A_989 = tpu.vector_load %arg5[%get3A_988] {strides = array<i32>} : memref<25600xi32, #tpu.memory_space<vmem>>, vector<16xi32>,
    %get3A_990 = vector.shape_cast %get3A_989 : vector<16xi32> to vector<16xi32>
    %jit3A_991 = arith.constant 1 : i32
    %broadcast_in_dim3A_992 = vector.broadcast %jit3A_991 : i32 to vector<16xi32>
    %select_n3A_993 = arith.select %eq3A_987, %broadcast_in_dim3A_992, %get3A_990 : vector<16xi1>, vector<16xi32>
    %swap3A_994 = arith.constant 15200 : index
    %swap3A_995 = tpu.vector_load %arg5[%swap3A_994] {strides = array<i32>} : memref<25600xi32, #tpu.memory_space<vmem>>, vector<16xi32>,
    %swap3A_996 = vector.shape_cast %swap3A_995 : vector<16xi32> to vector<16xi32>
    %swap3A_997 = vector.shape_cast %select_n3A_993 : vector<16xi32> to vector<16xi32>
    tpu.vector_store %arg5[%swap3A_994], %swap3A_997 {strides = array<i32>} : memref<25600xi32, #tpu.memory_space<vmem>>, vector<16xi32>,
    %eq3A_998 = arith.constant 8 : i32
    %eq3A_999 = vector.broadcast %eq3A_998 : i32 to vector<16xi32>
    %eq3A_1000 = arith.cmpi eq, %iota3A, %eq3A_999 : vector<16xi32>
    %get3A_1001 = arith.constant 15392 : index
    %get3A_1002 = tpu.vector_load %arg5[%get3A_1001] {strides = array<i32>} : memref<25600xi32, #tpu.memory_space<vmem>>, vector<16xi32>,
    %get3A_1003 = vector.shape_cast %get3A_1002 : vector<16xi32> to vector<16xi32>
    %jit3A_1004 = arith.constant 1 : i32
    %broadcast_in_dim3A_1005 = vector.broadcast %jit3A_1004 : i32 to vector<16xi32>
    %select_n3A_1006 = arith.select %eq3A_1000, %broadcast_in_dim3A_1005, %get3A_1003 : vector<16xi1>, vector<16xi32>
    %swap3A_1007 = arith.constant 15392 : index
    %swap3A_1008 = tpu.vector_load %arg5[%swap3A_1007] {strides = array<i32>} : memref<25600xi32, #tpu.memory_space<vmem>>, vector<16xi32>,
    %swap3A_1009 = vector.shape_cast %swap3A_1008 : vector<16xi32> to vector<16xi32>
    %swap3A_1010 = vector.shape_cast %select_n3A_1006 : vector<16xi32> to vector<16xi32>
    tpu.vector_store %arg5[%swap3A_1007], %swap3A_1010 {strides = array<i32>} : memref<25600xi32, #tpu.memory_space<vmem>>, vector<16xi32>,
    %eq3A_1011 = arith.constant 0 : i32
    %eq3A_1012 = vector.broadcast %eq3A_1011 : i32 to vector<16xi32>
    %eq3A_1013 = arith.cmpi eq, %iota3A, %eq3A_1012 : vector<16xi32>
    %get3A_1014 = arith.constant 15600 : index
    %get3A_1015 = tpu.vector_load %arg5[%get3A_1014] {strides = array<i32>} : memref<25600xi32, #tpu.memory_space<vmem>>, vector<16xi32>,
    %get3A_1016 = vector.shape_cast %get3A_1015 : vector<16xi32> to vector<16xi32>
    %jit3A_1017 = arith.constant 1 : i32
    %broadcast_in_dim3A_1018 = vector.broadcast %jit3A_1017 : i32 to vector<16xi32>
    %select_n3A_1019 = arith.select %eq3A_1013, %broadcast_in_dim3A_1018, %get3A_1016 : vector<16xi1>, vector<16xi32>
    %swap3A_1020 = arith.constant 15600 : index
    %swap3A_1021 = tpu.vector_load %arg5[%swap3A_1020] {strides = array<i32>} : memref<25600xi32, #tpu.memory_space<vmem>>, vector<16xi32>,
    %swap3A_1022 = vector.shape_cast %swap3A_1021 : vector<16xi32> to vector<16xi32>
    %swap3A_1023 = vector.shape_cast %select_n3A_1019 : vector<16xi32> to vector<16xi32>
    tpu.vector_store %arg5[%swap3A_1020], %swap3A_1023 {strides = array<i32>} : memref<25600xi32, #tpu.memory_space<vmem>>, vector<16xi32>,
    %eq3A_1024 = arith.constant 8 : i32
    %eq3A_1025 = vector.broadcast %eq3A_1024 : i32 to vector<16xi32>
    %eq3A_1026 = arith.cmpi eq, %iota3A, %eq3A_1025 : vector<16xi32>
    %get3A_1027 = arith.constant 15792 : index
    %get3A_1028 = tpu.vector_load %arg5[%get3A_1027] {strides = array<i32>} : memref<25600xi32, #tpu.memory_space<vmem>>, vector<16xi32>,
    %get3A_1029 = vector.shape_cast %get3A_1028 : vector<16xi32> to vector<16xi32>
    %jit3A_1030 = arith.constant 1 : i32
    %broadcast_in_dim3A_1031 = vector.broadcast %jit3A_1030 : i32 to vector<16xi32>
    %select_n3A_1032 = arith.select %eq3A_1026, %broadcast_in_dim3A_1031, %get3A_1029 : vector<16xi1>, vector<16xi32>
    %swap3A_1033 = arith.constant 15792 : index
    %swap3A_1034 = tpu.vector_load %arg5[%swap3A_1033] {strides = array<i32>} : memref<25600xi32, #tpu.memory_space<vmem>>, vector<16xi32>,
    %swap3A_1035 = vector.shape_cast %swap3A_1034 : vector<16xi32> to vector<16xi32>
    %swap3A_1036 = vector.shape_cast %select_n3A_1032 : vector<16xi32> to vector<16xi32>
    tpu.vector_store %arg5[%swap3A_1033], %swap3A_1036 {strides = array<i32>} : memref<25600xi32, #tpu.memory_space<vmem>>, vector<16xi32>,
    %eq3A_1037 = arith.constant 0 : i32
    %eq3A_1038 = vector.broadcast %eq3A_1037 : i32 to vector<16xi32>
    %eq3A_1039 = arith.cmpi eq, %iota3A, %eq3A_1038 : vector<16xi32>
    %get3A_1040 = arith.constant 16000 : index
    %get3A_1041 = tpu.vector_load %arg5[%get3A_1040] {strides = array<i32>} : memref<25600xi32, #tpu.memory_space<vmem>>, vector<16xi32>,
    %get3A_1042 = vector.shape_cast %get3A_1041 : vector<16xi32> to vector<16xi32>
    %jit3A_1043 = arith.constant 1 : i32
    %broadcast_in_dim3A_1044 = vector.broadcast %jit3A_1043 : i32 to vector<16xi32>
    %select_n3A_1045 = arith.select %eq3A_1039, %broadcast_in_dim3A_1044, %get3A_1042 : vector<16xi1>, vector<16xi32>
    %swap3A_1046 = arith.constant 16000 : index
    %swap3A_1047 = tpu.vector_load %arg5[%swap3A_1046] {strides = array<i32>} : memref<25600xi32, #tpu.memory_space<vmem>>, vector<16xi32>,
    %swap3A_1048 = vector.shape_cast %swap3A_1047 : vector<16xi32> to vector<16xi32>
    %swap3A_1049 = vector.shape_cast %select_n3A_1045 : vector<16xi32> to vector<16xi32>
    tpu.vector_store %arg5[%swap3A_1046], %swap3A_1049 {strides = array<i32>} : memref<25600xi32, #tpu.memory_space<vmem>>, vector<16xi32>,
    %eq3A_1050 = arith.constant 8 : i32
    %eq3A_1051 = vector.broadcast %eq3A_1050 : i32 to vector<16xi32>
    %eq3A_1052 = arith.cmpi eq, %iota3A, %eq3A_1051 : vector<16xi32>
    %get3A_1053 = arith.constant 16192 : index
    %get3A_1054 = tpu.vector_load %arg5[%get3A_1053] {strides = array<i32>} : memref<25600xi32, #tpu.memory_space<vmem>>, vector<16xi32>,
    %get3A_1055 = vector.shape_cast %get3A_1054 : vector<16xi32> to vector<16xi32>
    %jit3A_1056 = arith.constant 1 : i32
    %broadcast_in_dim3A_1057 = vector.broadcast %jit3A_1056 : i32 to vector<16xi32>
    %select_n3A_1058 = arith.select %eq3A_1052, %broadcast_in_dim3A_1057, %get3A_1055 : vector<16xi1>, vector<16xi32>
    %swap3A_1059 = arith.constant 16192 : index
    %swap3A_1060 = tpu.vector_load %arg5[%swap3A_1059] {strides = array<i32>} : memref<25600xi32, #tpu.memory_space<vmem>>, vector<16xi32>,
    %swap3A_1061 = vector.shape_cast %swap3A_1060 : vector<16xi32> to vector<16xi32>
    %swap3A_1062 = vector.shape_cast %select_n3A_1058 : vector<16xi32> to vector<16xi32>
    tpu.vector_store %arg5[%swap3A_1059], %swap3A_1062 {strides = array<i32>} : memref<25600xi32, #tpu.memory_space<vmem>>, vector<16xi32>,
    %eq3A_1063 = arith.constant 0 : i32
    %eq3A_1064 = vector.broadcast %eq3A_1063 : i32 to vector<16xi32>
    %eq3A_1065 = arith.cmpi eq, %iota3A, %eq3A_1064 : vector<16xi32>
    %get3A_1066 = arith.constant 16400 : index
    %get3A_1067 = tpu.vector_load %arg5[%get3A_1066] {strides = array<i32>} : memref<25600xi32, #tpu.memory_space<vmem>>, vector<16xi32>,
    %get3A_1068 = vector.shape_cast %get3A_1067 : vector<16xi32> to vector<16xi32>
    %jit3A_1069 = arith.constant 1 : i32
    %broadcast_in_dim3A_1070 = vector.broadcast %jit3A_1069 : i32 to vector<16xi32>
    %select_n3A_1071 = arith.select %eq3A_1065, %broadcast_in_dim3A_1070, %get3A_1068 : vector<16xi1>, vector<16xi32>
    %swap3A_1072 = arith.constant 16400 : index
    %swap3A_1073 = tpu.vector_load %arg5[%swap3A_1072] {strides = array<i32>} : memref<25600xi32, #tpu.memory_space<vmem>>, vector<16xi32>,
    %swap3A_1074 = vector.shape_cast %swap3A_1073 : vector<16xi32> to vector<16xi32>
    %swap3A_1075 = vector.shape_cast %select_n3A_1071 : vector<16xi32> to vector<16xi32>
    tpu.vector_store %arg5[%swap3A_1072], %swap3A_1075 {strides = array<i32>} : memref<25600xi32, #tpu.memory_space<vmem>>, vector<16xi32>,
    %eq3A_1076 = arith.constant 8 : i32
    %eq3A_1077 = vector.broadcast %eq3A_1076 : i32 to vector<16xi32>
    %eq3A_1078 = arith.cmpi eq, %iota3A, %eq3A_1077 : vector<16xi32>
    %get3A_1079 = arith.constant 16592 : index
    %get3A_1080 = tpu.vector_load %arg5[%get3A_1079] {strides = array<i32>} : memref<25600xi32, #tpu.memory_space<vmem>>, vector<16xi32>,
    %get3A_1081 = vector.shape_cast %get3A_1080 : vector<16xi32> to vector<16xi32>
    %jit3A_1082 = arith.constant 1 : i32
    %broadcast_in_dim3A_1083 = vector.broadcast %jit3A_1082 : i32 to vector<16xi32>
    %select_n3A_1084 = arith.select %eq3A_1078, %broadcast_in_dim3A_1083, %get3A_1081 : vector<16xi1>, vector<16xi32>
    %swap3A_1085 = arith.constant 16592 : index
    %swap3A_1086 = tpu.vector_load %arg5[%swap3A_1085] {strides = array<i32>} : memref<25600xi32, #tpu.memory_space<vmem>>, vector<16xi32>,
    %swap3A_1087 = vector.shape_cast %swap3A_1086 : vector<16xi32> to vector<16xi32>
    %swap3A_1088 = vector.shape_cast %select_n3A_1084 : vector<16xi32> to vector<16xi32>
    tpu.vector_store %arg5[%swap3A_1085], %swap3A_1088 {strides = array<i32>} : memref<25600xi32, #tpu.memory_space<vmem>>, vector<16xi32>,
    %eq3A_1089 = arith.constant 0 : i32
    %eq3A_1090 = vector.broadcast %eq3A_1089 : i32 to vector<16xi32>
    %eq3A_1091 = arith.cmpi eq, %iota3A, %eq3A_1090 : vector<16xi32>
    %get3A_1092 = arith.constant 16800 : index
    %get3A_1093 = tpu.vector_load %arg5[%get3A_1092] {strides = array<i32>} : memref<25600xi32, #tpu.memory_space<vmem>>, vector<16xi32>,
    %get3A_1094 = vector.shape_cast %get3A_1093 : vector<16xi32> to vector<16xi32>
    %jit3A_1095 = arith.constant 1 : i32
    %broadcast_in_dim3A_1096 = vector.broadcast %jit3A_1095 : i32 to vector<16xi32>
    %select_n3A_1097 = arith.select %eq3A_1091, %broadcast_in_dim3A_1096, %get3A_1094 : vector<16xi1>, vector<16xi32>
    %swap3A_1098 = arith.constant 16800 : index
    %swap3A_1099 = tpu.vector_load %arg5[%swap3A_1098] {strides = array<i32>} : memref<25600xi32, #tpu.memory_space<vmem>>, vector<16xi32>,
    %swap3A_1100 = vector.shape_cast %swap3A_1099 : vector<16xi32> to vector<16xi32>
    %swap3A_1101 = vector.shape_cast %select_n3A_1097 : vector<16xi32> to vector<16xi32>
    tpu.vector_store %arg5[%swap3A_1098], %swap3A_1101 {strides = array<i32>} : memref<25600xi32, #tpu.memory_space<vmem>>, vector<16xi32>,
    %eq3A_1102 = arith.constant 8 : i32
    %eq3A_1103 = vector.broadcast %eq3A_1102 : i32 to vector<16xi32>
    %eq3A_1104 = arith.cmpi eq, %iota3A, %eq3A_1103 : vector<16xi32>
    %get3A_1105 = arith.constant 16992 : index
    %get3A_1106 = tpu.vector_load %arg5[%get3A_1105] {strides = array<i32>} : memref<25600xi32, #tpu.memory_space<vmem>>, vector<16xi32>,
    %get3A_1107 = vector.shape_cast %get3A_1106 : vector<16xi32> to vector<16xi32>
    %jit3A_1108 = arith.constant 1 : i32
    %broadcast_in_dim3A_1109 = vector.broadcast %jit3A_1108 : i32 to vector<16xi32>
    %select_n3A_1110 = arith.select %eq3A_1104, %broadcast_in_dim3A_1109, %get3A_1107 : vector<16xi1>, vector<16xi32>
    %swap3A_1111 = arith.constant 16992 : index
    %swap3A_1112 = tpu.vector_load %arg5[%swap3A_1111] {strides = array<i32>} : memref<25600xi32, #tpu.memory_space<vmem>>, vector<16xi32>,
    %swap3A_1113 = vector.shape_cast %swap3A_1112 : vector<16xi32> to vector<16xi32>
    %swap3A_1114 = vector.shape_cast %select_n3A_1110 : vector<16xi32> to vector<16xi32>
    tpu.vector_store %arg5[%swap3A_1111], %swap3A_1114 {strides = array<i32>} : memref<25600xi32, #tpu.memory_space<vmem>>, vector<16xi32>,
    %eq3A_1115 = arith.constant 0 : i32
    %eq3A_1116 = vector.broadcast %eq3A_1115 : i32 to vector<16xi32>
    %eq3A_1117 = arith.cmpi eq, %iota3A, %eq3A_1116 : vector<16xi32>
    %get3A_1118 = arith.constant 17200 : index
    %get3A_1119 = tpu.vector_load %arg5[%get3A_1118] {strides = array<i32>} : memref<25600xi32, #tpu.memory_space<vmem>>, vector<16xi32>,
    %get3A_1120 = vector.shape_cast %get3A_1119 : vector<16xi32> to vector<16xi32>
    %jit3A_1121 = arith.constant 1 : i32
    %broadcast_in_dim3A_1122 = vector.broadcast %jit3A_1121 : i32 to vector<16xi32>
    %select_n3A_1123 = arith.select %eq3A_1117, %broadcast_in_dim3A_1122, %get3A_1120 : vector<16xi1>, vector<16xi32>
    %swap3A_1124 = arith.constant 17200 : index
    %swap3A_1125 = tpu.vector_load %arg5[%swap3A_1124] {strides = array<i32>} : memref<25600xi32, #tpu.memory_space<vmem>>, vector<16xi32>,
    %swap3A_1126 = vector.shape_cast %swap3A_1125 : vector<16xi32> to vector<16xi32>
    %swap3A_1127 = vector.shape_cast %select_n3A_1123 : vector<16xi32> to vector<16xi32>
    tpu.vector_store %arg5[%swap3A_1124], %swap3A_1127 {strides = array<i32>} : memref<25600xi32, #tpu.memory_space<vmem>>, vector<16xi32>,
    %eq3A_1128 = arith.constant 8 : i32
    %eq3A_1129 = vector.broadcast %eq3A_1128 : i32 to vector<16xi32>
    %eq3A_1130 = arith.cmpi eq, %iota3A, %eq3A_1129 : vector<16xi32>
    %get3A_1131 = arith.constant 17392 : index
    %get3A_1132 = tpu.vector_load %arg5[%get3A_1131] {strides = array<i32>} : memref<25600xi32, #tpu.memory_space<vmem>>, vector<16xi32>,
    %get3A_1133 = vector.shape_cast %get3A_1132 : vector<16xi32> to vector<16xi32>
    %jit3A_1134 = arith.constant 1 : i32
    %broadcast_in_dim3A_1135 = vector.broadcast %jit3A_1134 : i32 to vector<16xi32>
    %select_n3A_1136 = arith.select %eq3A_1130, %broadcast_in_dim3A_1135, %get3A_1133 : vector<16xi1>, vector<16xi32>
    %swap3A_1137 = arith.constant 17392 : index
    %swap3A_1138 = tpu.vector_load %arg5[%swap3A_1137] {strides = array<i32>} : memref<25600xi32, #tpu.memory_space<vmem>>, vector<16xi32>,
    %swap3A_1139 = vector.shape_cast %swap3A_1138 : vector<16xi32> to vector<16xi32>
    %swap3A_1140 = vector.shape_cast %select_n3A_1136 : vector<16xi32> to vector<16xi32>
    tpu.vector_store %arg5[%swap3A_1137], %swap3A_1140 {strides = array<i32>} : memref<25600xi32, #tpu.memory_space<vmem>>, vector<16xi32>,
    %eq3A_1141 = arith.constant 0 : i32
    %eq3A_1142 = vector.broadcast %eq3A_1141 : i32 to vector<16xi32>
    %eq3A_1143 = arith.cmpi eq, %iota3A, %eq3A_1142 : vector<16xi32>
    %get3A_1144 = arith.constant 17600 : index
    %get3A_1145 = tpu.vector_load %arg5[%get3A_1144] {strides = array<i32>} : memref<25600xi32, #tpu.memory_space<vmem>>, vector<16xi32>,
    %get3A_1146 = vector.shape_cast %get3A_1145 : vector<16xi32> to vector<16xi32>
    %jit3A_1147 = arith.constant 1 : i32
    %broadcast_in_dim3A_1148 = vector.broadcast %jit3A_1147 : i32 to vector<16xi32>
    %select_n3A_1149 = arith.select %eq3A_1143, %broadcast_in_dim3A_1148, %get3A_1146 : vector<16xi1>, vector<16xi32>
    %swap3A_1150 = arith.constant 17600 : index
    %swap3A_1151 = tpu.vector_load %arg5[%swap3A_1150] {strides = array<i32>} : memref<25600xi32, #tpu.memory_space<vmem>>, vector<16xi32>,
    %swap3A_1152 = vector.shape_cast %swap3A_1151 : vector<16xi32> to vector<16xi32>
    %swap3A_1153 = vector.shape_cast %select_n3A_1149 : vector<16xi32> to vector<16xi32>
    tpu.vector_store %arg5[%swap3A_1150], %swap3A_1153 {strides = array<i32>} : memref<25600xi32, #tpu.memory_space<vmem>>, vector<16xi32>,
    %eq3A_1154 = arith.constant 8 : i32
    %eq3A_1155 = vector.broadcast %eq3A_1154 : i32 to vector<16xi32>
    %eq3A_1156 = arith.cmpi eq, %iota3A, %eq3A_1155 : vector<16xi32>
    %get3A_1157 = arith.constant 17792 : index
    %get3A_1158 = tpu.vector_load %arg5[%get3A_1157] {strides = array<i32>} : memref<25600xi32, #tpu.memory_space<vmem>>, vector<16xi32>,
    %get3A_1159 = vector.shape_cast %get3A_1158 : vector<16xi32> to vector<16xi32>
    %jit3A_1160 = arith.constant 1 : i32
    %broadcast_in_dim3A_1161 = vector.broadcast %jit3A_1160 : i32 to vector<16xi32>
    %select_n3A_1162 = arith.select %eq3A_1156, %broadcast_in_dim3A_1161, %get3A_1159 : vector<16xi1>, vector<16xi32>
    %swap3A_1163 = arith.constant 17792 : index
    %swap3A_1164 = tpu.vector_load %arg5[%swap3A_1163] {strides = array<i32>} : memref<25600xi32, #tpu.memory_space<vmem>>, vector<16xi32>,
    %swap3A_1165 = vector.shape_cast %swap3A_1164 : vector<16xi32> to vector<16xi32>
    %swap3A_1166 = vector.shape_cast %select_n3A_1162 : vector<16xi32> to vector<16xi32>
    tpu.vector_store %arg5[%swap3A_1163], %swap3A_1166 {strides = array<i32>} : memref<25600xi32, #tpu.memory_space<vmem>>, vector<16xi32>,
    %eq3A_1167 = arith.constant 0 : i32
    %eq3A_1168 = vector.broadcast %eq3A_1167 : i32 to vector<16xi32>
    %eq3A_1169 = arith.cmpi eq, %iota3A, %eq3A_1168 : vector<16xi32>
    %get3A_1170 = arith.constant 18000 : index
    %get3A_1171 = tpu.vector_load %arg5[%get3A_1170] {strides = array<i32>} : memref<25600xi32, #tpu.memory_space<vmem>>, vector<16xi32>,
    %get3A_1172 = vector.shape_cast %get3A_1171 : vector<16xi32> to vector<16xi32>
    %jit3A_1173 = arith.constant 1 : i32
    %broadcast_in_dim3A_1174 = vector.broadcast %jit3A_1173 : i32 to vector<16xi32>
    %select_n3A_1175 = arith.select %eq3A_1169, %broadcast_in_dim3A_1174, %get3A_1172 : vector<16xi1>, vector<16xi32>
    %swap3A_1176 = arith.constant 18000 : index
    %swap3A_1177 = tpu.vector_load %arg5[%swap3A_1176] {strides = array<i32>} : memref<25600xi32, #tpu.memory_space<vmem>>, vector<16xi32>,
    %swap3A_1178 = vector.shape_cast %swap3A_1177 : vector<16xi32> to vector<16xi32>
    %swap3A_1179 = vector.shape_cast %select_n3A_1175 : vector<16xi32> to vector<16xi32>
    tpu.vector_store %arg5[%swap3A_1176], %swap3A_1179 {strides = array<i32>} : memref<25600xi32, #tpu.memory_space<vmem>>, vector<16xi32>,
    %eq3A_1180 = arith.constant 8 : i32
    %eq3A_1181 = vector.broadcast %eq3A_1180 : i32 to vector<16xi32>
    %eq3A_1182 = arith.cmpi eq, %iota3A, %eq3A_1181 : vector<16xi32>
    %get3A_1183 = arith.constant 18192 : index
    %get3A_1184 = tpu.vector_load %arg5[%get3A_1183] {strides = array<i32>} : memref<25600xi32, #tpu.memory_space<vmem>>, vector<16xi32>,
    %get3A_1185 = vector.shape_cast %get3A_1184 : vector<16xi32> to vector<16xi32>
    %jit3A_1186 = arith.constant 1 : i32
    %broadcast_in_dim3A_1187 = vector.broadcast %jit3A_1186 : i32 to vector<16xi32>
    %select_n3A_1188 = arith.select %eq3A_1182, %broadcast_in_dim3A_1187, %get3A_1185 : vector<16xi1>, vector<16xi32>
    %swap3A_1189 = arith.constant 18192 : index
    %swap3A_1190 = tpu.vector_load %arg5[%swap3A_1189] {strides = array<i32>} : memref<25600xi32, #tpu.memory_space<vmem>>, vector<16xi32>,
    %swap3A_1191 = vector.shape_cast %swap3A_1190 : vector<16xi32> to vector<16xi32>
    %swap3A_1192 = vector.shape_cast %select_n3A_1188 : vector<16xi32> to vector<16xi32>
    tpu.vector_store %arg5[%swap3A_1189], %swap3A_1192 {strides = array<i32>} : memref<25600xi32, #tpu.memory_space<vmem>>, vector<16xi32>,
    %eq3A_1193 = arith.constant 0 : i32
    %eq3A_1194 = vector.broadcast %eq3A_1193 : i32 to vector<16xi32>
    %eq3A_1195 = arith.cmpi eq, %iota3A, %eq3A_1194 : vector<16xi32>
    %get3A_1196 = arith.constant 18400 : index
    %get3A_1197 = tpu.vector_load %arg5[%get3A_1196] {strides = array<i32>} : memref<25600xi32, #tpu.memory_space<vmem>>, vector<16xi32>,
    %get3A_1198 = vector.shape_cast %get3A_1197 : vector<16xi32> to vector<16xi32>
    %jit3A_1199 = arith.constant 1 : i32
    %broadcast_in_dim3A_1200 = vector.broadcast %jit3A_1199 : i32 to vector<16xi32>
    %select_n3A_1201 = arith.select %eq3A_1195, %broadcast_in_dim3A_1200, %get3A_1198 : vector<16xi1>, vector<16xi32>
    %swap3A_1202 = arith.constant 18400 : index
    %swap3A_1203 = tpu.vector_load %arg5[%swap3A_1202] {strides = array<i32>} : memref<25600xi32, #tpu.memory_space<vmem>>, vector<16xi32>,
    %swap3A_1204 = vector.shape_cast %swap3A_1203 : vector<16xi32> to vector<16xi32>
    %swap3A_1205 = vector.shape_cast %select_n3A_1201 : vector<16xi32> to vector<16xi32>
    tpu.vector_store %arg5[%swap3A_1202], %swap3A_1205 {strides = array<i32>} : memref<25600xi32, #tpu.memory_space<vmem>>, vector<16xi32>,
    %eq3A_1206 = arith.constant 8 : i32
    %eq3A_1207 = vector.broadcast %eq3A_1206 : i32 to vector<16xi32>
    %eq3A_1208 = arith.cmpi eq, %iota3A, %eq3A_1207 : vector<16xi32>
    %get3A_1209 = arith.constant 18592 : index
    %get3A_1210 = tpu.vector_load %arg5[%get3A_1209] {strides = array<i32>} : memref<25600xi32, #tpu.memory_space<vmem>>, vector<16xi32>,
    %get3A_1211 = vector.shape_cast %get3A_1210 : vector<16xi32> to vector<16xi32>
    %jit3A_1212 = arith.constant 1 : i32
    %broadcast_in_dim3A_1213 = vector.broadcast %jit3A_1212 : i32 to vector<16xi32>
    %select_n3A_1214 = arith.select %eq3A_1208, %broadcast_in_dim3A_1213, %get3A_1211 : vector<16xi1>, vector<16xi32>
    %swap3A_1215 = arith.constant 18592 : index
    %swap3A_1216 = tpu.vector_load %arg5[%swap3A_1215] {strides = array<i32>} : memref<25600xi32, #tpu.memory_space<vmem>>, vector<16xi32>,
    %swap3A_1217 = vector.shape_cast %swap3A_1216 : vector<16xi32> to vector<16xi32>
    %swap3A_1218 = vector.shape_cast %select_n3A_1214 : vector<16xi32> to vector<16xi32>
    tpu.vector_store %arg5[%swap3A_1215], %swap3A_1218 {strides = array<i32>} : memref<25600xi32, #tpu.memory_space<vmem>>, vector<16xi32>,
    %eq3A_1219 = arith.constant 0 : i32
    %eq3A_1220 = vector.broadcast %eq3A_1219 : i32 to vector<16xi32>
    %eq3A_1221 = arith.cmpi eq, %iota3A, %eq3A_1220 : vector<16xi32>
    %get3A_1222 = arith.constant 18800 : index
    %get3A_1223 = tpu.vector_load %arg5[%get3A_1222] {strides = array<i32>} : memref<25600xi32, #tpu.memory_space<vmem>>, vector<16xi32>,
    %get3A_1224 = vector.shape_cast %get3A_1223 : vector<16xi32> to vector<16xi32>
    %jit3A_1225 = arith.constant 1 : i32
    %broadcast_in_dim3A_1226 = vector.broadcast %jit3A_1225 : i32 to vector<16xi32>
    %select_n3A_1227 = arith.select %eq3A_1221, %broadcast_in_dim3A_1226, %get3A_1224 : vector<16xi1>, vector<16xi32>
    %swap3A_1228 = arith.constant 18800 : index
    %swap3A_1229 = tpu.vector_load %arg5[%swap3A_1228] {strides = array<i32>} : memref<25600xi32, #tpu.memory_space<vmem>>, vector<16xi32>,
    %swap3A_1230 = vector.shape_cast %swap3A_1229 : vector<16xi32> to vector<16xi32>
    %swap3A_1231 = vector.shape_cast %select_n3A_1227 : vector<16xi32> to vector<16xi32>
    tpu.vector_store %arg5[%swap3A_1228], %swap3A_1231 {strides = array<i32>} : memref<25600xi32, #tpu.memory_space<vmem>>, vector<16xi32>,
    %eq3A_1232 = arith.constant 8 : i32
    %eq3A_1233 = vector.broadcast %eq3A_1232 : i32 to vector<16xi32>
    %eq3A_1234 = arith.cmpi eq, %iota3A, %eq3A_1233 : vector<16xi32>
    %get3A_1235 = arith.constant 18992 : index
    %get3A_1236 = tpu.vector_load %arg5[%get3A_1235] {strides = array<i32>} : memref<25600xi32, #tpu.memory_space<vmem>>, vector<16xi32>,
    %get3A_1237 = vector.shape_cast %get3A_1236 : vector<16xi32> to vector<16xi32>
    %jit3A_1238 = arith.constant 1 : i32
    %broadcast_in_dim3A_1239 = vector.broadcast %jit3A_1238 : i32 to vector<16xi32>
    %select_n3A_1240 = arith.select %eq3A_1234, %broadcast_in_dim3A_1239, %get3A_1237 : vector<16xi1>, vector<16xi32>
    %swap3A_1241 = arith.constant 18992 : index
    %swap3A_1242 = tpu.vector_load %arg5[%swap3A_1241] {strides = array<i32>} : memref<25600xi32, #tpu.memory_space<vmem>>, vector<16xi32>,
    %swap3A_1243 = vector.shape_cast %swap3A_1242 : vector<16xi32> to vector<16xi32>
    %swap3A_1244 = vector.shape_cast %select_n3A_1240 : vector<16xi32> to vector<16xi32>
    tpu.vector_store %arg5[%swap3A_1241], %swap3A_1244 {strides = array<i32>} : memref<25600xi32, #tpu.memory_space<vmem>>, vector<16xi32>,
    %eq3A_1245 = arith.constant 0 : i32
    %eq3A_1246 = vector.broadcast %eq3A_1245 : i32 to vector<16xi32>
    %eq3A_1247 = arith.cmpi eq, %iota3A, %eq3A_1246 : vector<16xi32>
    %get3A_1248 = arith.constant 19200 : index
    %get3A_1249 = tpu.vector_load %arg5[%get3A_1248] {strides = array<i32>} : memref<25600xi32, #tpu.memory_space<vmem>>, vector<16xi32>,
    %get3A_1250 = vector.shape_cast %get3A_1249 : vector<16xi32> to vector<16xi32>
    %jit3A_1251 = arith.constant 1 : i32
    %broadcast_in_dim3A_1252 = vector.broadcast %jit3A_1251 : i32 to vector<16xi32>
    %select_n3A_1253 = arith.select %eq3A_1247, %broadcast_in_dim3A_1252, %get3A_1250 : vector<16xi1>, vector<16xi32>
    %swap3A_1254 = arith.constant 19200 : index
    %swap3A_1255 = tpu.vector_load %arg5[%swap3A_1254] {strides = array<i32>} : memref<25600xi32, #tpu.memory_space<vmem>>, vector<16xi32>,
    %swap3A_1256 = vector.shape_cast %swap3A_1255 : vector<16xi32> to vector<16xi32>
    %swap3A_1257 = vector.shape_cast %select_n3A_1253 : vector<16xi32> to vector<16xi32>
    tpu.vector_store %arg5[%swap3A_1254], %swap3A_1257 {strides = array<i32>} : memref<25600xi32, #tpu.memory_space<vmem>>, vector<16xi32>,
    %eq3A_1258 = arith.constant 8 : i32
    %eq3A_1259 = vector.broadcast %eq3A_1258 : i32 to vector<16xi32>
    %eq3A_1260 = arith.cmpi eq, %iota3A, %eq3A_1259 : vector<16xi32>
    %get3A_1261 = arith.constant 19392 : index
    %get3A_1262 = tpu.vector_load %arg5[%get3A_1261] {strides = array<i32>} : memref<25600xi32, #tpu.memory_space<vmem>>, vector<16xi32>,
    %get3A_1263 = vector.shape_cast %get3A_1262 : vector<16xi32> to vector<16xi32>
    %jit3A_1264 = arith.constant 1 : i32
    %broadcast_in_dim3A_1265 = vector.broadcast %jit3A_1264 : i32 to vector<16xi32>
    %select_n3A_1266 = arith.select %eq3A_1260, %broadcast_in_dim3A_1265, %get3A_1263 : vector<16xi1>, vector<16xi32>
    %swap3A_1267 = arith.constant 19392 : index
    %swap3A_1268 = tpu.vector_load %arg5[%swap3A_1267] {strides = array<i32>} : memref<25600xi32, #tpu.memory_space<vmem>>, vector<16xi32>,
    %swap3A_1269 = vector.shape_cast %swap3A_1268 : vector<16xi32> to vector<16xi32>
    %swap3A_1270 = vector.shape_cast %select_n3A_1266 : vector<16xi32> to vector<16xi32>
    tpu.vector_store %arg5[%swap3A_1267], %swap3A_1270 {strides = array<i32>} : memref<25600xi32, #tpu.memory_space<vmem>>, vector<16xi32>,
    %eq3A_1271 = arith.constant 0 : i32
    %eq3A_1272 = vector.broadcast %eq3A_1271 : i32 to vector<16xi32>
    %eq3A_1273 = arith.cmpi eq, %iota3A, %eq3A_1272 : vector<16xi32>
    %get3A_1274 = arith.constant 19600 : index
    %get3A_1275 = tpu.vector_load %arg5[%get3A_1274] {strides = array<i32>} : memref<25600xi32, #tpu.memory_space<vmem>>, vector<16xi32>,
    %get3A_1276 = vector.shape_cast %get3A_1275 : vector<16xi32> to vector<16xi32>
    %jit3A_1277 = arith.constant 1 : i32
    %broadcast_in_dim3A_1278 = vector.broadcast %jit3A_1277 : i32 to vector<16xi32>
    %select_n3A_1279 = arith.select %eq3A_1273, %broadcast_in_dim3A_1278, %get3A_1276 : vector<16xi1>, vector<16xi32>
    %swap3A_1280 = arith.constant 19600 : index
    %swap3A_1281 = tpu.vector_load %arg5[%swap3A_1280] {strides = array<i32>} : memref<25600xi32, #tpu.memory_space<vmem>>, vector<16xi32>,
    %swap3A_1282 = vector.shape_cast %swap3A_1281 : vector<16xi32> to vector<16xi32>
    %swap3A_1283 = vector.shape_cast %select_n3A_1279 : vector<16xi32> to vector<16xi32>
    tpu.vector_store %arg5[%swap3A_1280], %swap3A_1283 {strides = array<i32>} : memref<25600xi32, #tpu.memory_space<vmem>>, vector<16xi32>,
    %eq3A_1284 = arith.constant 8 : i32
    %eq3A_1285 = vector.broadcast %eq3A_1284 : i32 to vector<16xi32>
    %eq3A_1286 = arith.cmpi eq, %iota3A, %eq3A_1285 : vector<16xi32>
    %get3A_1287 = arith.constant 19792 : index
    %get3A_1288 = tpu.vector_load %arg5[%get3A_1287] {strides = array<i32>} : memref<25600xi32, #tpu.memory_space<vmem>>, vector<16xi32>,
    %get3A_1289 = vector.shape_cast %get3A_1288 : vector<16xi32> to vector<16xi32>
    %jit3A_1290 = arith.constant 1 : i32
    %broadcast_in_dim3A_1291 = vector.broadcast %jit3A_1290 : i32 to vector<16xi32>
    %select_n3A_1292 = arith.select %eq3A_1286, %broadcast_in_dim3A_1291, %get3A_1289 : vector<16xi1>, vector<16xi32>
    %swap3A_1293 = arith.constant 19792 : index
    %swap3A_1294 = tpu.vector_load %arg5[%swap3A_1293] {strides = array<i32>} : memref<25600xi32, #tpu.memory_space<vmem>>, vector<16xi32>,
    %swap3A_1295 = vector.shape_cast %swap3A_1294 : vector<16xi32> to vector<16xi32>
    %swap3A_1296 = vector.shape_cast %select_n3A_1292 : vector<16xi32> to vector<16xi32>
    tpu.vector_store %arg5[%swap3A_1293], %swap3A_1296 {strides = array<i32>} : memref<25600xi32, #tpu.memory_space<vmem>>, vector<16xi32>,
    %eq3A_1297 = arith.constant 0 : i32
    %eq3A_1298 = vector.broadcast %eq3A_1297 : i32 to vector<16xi32>
    %eq3A_1299 = arith.cmpi eq, %iota3A, %eq3A_1298 : vector<16xi32>
    %get3A_1300 = arith.constant 20000 : index
    %get3A_1301 = tpu.vector_load %arg5[%get3A_1300] {strides = array<i32>} : memref<25600xi32, #tpu.memory_space<vmem>>, vector<16xi32>,
    %get3A_1302 = vector.shape_cast %get3A_1301 : vector<16xi32> to vector<16xi32>
    %jit3A_1303 = arith.constant 1 : i32
    %broadcast_in_dim3A_1304 = vector.broadcast %jit3A_1303 : i32 to vector<16xi32>
    %select_n3A_1305 = arith.select %eq3A_1299, %broadcast_in_dim3A_1304, %get3A_1302 : vector<16xi1>, vector<16xi32>
    %swap3A_1306 = arith.constant 20000 : index
    %swap3A_1307 = tpu.vector_load %arg5[%swap3A_1306] {strides = array<i32>} : memref<25600xi32, #tpu.memory_space<vmem>>, vector<16xi32>,
    %swap3A_1308 = vector.shape_cast %swap3A_1307 : vector<16xi32> to vector<16xi32>
    %swap3A_1309 = vector.shape_cast %select_n3A_1305 : vector<16xi32> to vector<16xi32>
    tpu.vector_store %arg5[%swap3A_1306], %swap3A_1309 {strides = array<i32>} : memref<25600xi32, #tpu.memory_space<vmem>>, vector<16xi32>,
    %eq3A_1310 = arith.constant 8 : i32
    %eq3A_1311 = vector.broadcast %eq3A_1310 : i32 to vector<16xi32>
    %eq3A_1312 = arith.cmpi eq, %iota3A, %eq3A_1311 : vector<16xi32>
    %get3A_1313 = arith.constant 20192 : index
    %get3A_1314 = tpu.vector_load %arg5[%get3A_1313] {strides = array<i32>} : memref<25600xi32, #tpu.memory_space<vmem>>, vector<16xi32>,
    %get3A_1315 = vector.shape_cast %get3A_1314 : vector<16xi32> to vector<16xi32>
    %jit3A_1316 = arith.constant 1 : i32
    %broadcast_in_dim3A_1317 = vector.broadcast %jit3A_1316 : i32 to vector<16xi32>
    %select_n3A_1318 = arith.select %eq3A_1312, %broadcast_in_dim3A_1317, %get3A_1315 : vector<16xi1>, vector<16xi32>
    %swap3A_1319 = arith.constant 20192 : index
    %swap3A_1320 = tpu.vector_load %arg5[%swap3A_1319] {strides = array<i32>} : memref<25600xi32, #tpu.memory_space<vmem>>, vector<16xi32>,
    %swap3A_1321 = vector.shape_cast %swap3A_1320 : vector<16xi32> to vector<16xi32>
    %swap3A_1322 = vector.shape_cast %select_n3A_1318 : vector<16xi32> to vector<16xi32>
    tpu.vector_store %arg5[%swap3A_1319], %swap3A_1322 {strides = array<i32>} : memref<25600xi32, #tpu.memory_space<vmem>>, vector<16xi32>,
    %eq3A_1323 = arith.constant 0 : i32
    %eq3A_1324 = vector.broadcast %eq3A_1323 : i32 to vector<16xi32>
    %eq3A_1325 = arith.cmpi eq, %iota3A, %eq3A_1324 : vector<16xi32>
    %get3A_1326 = arith.constant 20400 : index
    %get3A_1327 = tpu.vector_load %arg5[%get3A_1326] {strides = array<i32>} : memref<25600xi32, #tpu.memory_space<vmem>>, vector<16xi32>,
    %get3A_1328 = vector.shape_cast %get3A_1327 : vector<16xi32> to vector<16xi32>
    %jit3A_1329 = arith.constant 1 : i32
    %broadcast_in_dim3A_1330 = vector.broadcast %jit3A_1329 : i32 to vector<16xi32>
    %select_n3A_1331 = arith.select %eq3A_1325, %broadcast_in_dim3A_1330, %get3A_1328 : vector<16xi1>, vector<16xi32>
    %swap3A_1332 = arith.constant 20400 : index
    %swap3A_1333 = tpu.vector_load %arg5[%swap3A_1332] {strides = array<i32>} : memref<25600xi32, #tpu.memory_space<vmem>>, vector<16xi32>,
    %swap3A_1334 = vector.shape_cast %swap3A_1333 : vector<16xi32> to vector<16xi32>
    %swap3A_1335 = vector.shape_cast %select_n3A_1331 : vector<16xi32> to vector<16xi32>
    tpu.vector_store %arg5[%swap3A_1332], %swap3A_1335 {strides = array<i32>} : memref<25600xi32, #tpu.memory_space<vmem>>, vector<16xi32>,
    %eq3A_1336 = arith.constant 8 : i32
    %eq3A_1337 = vector.broadcast %eq3A_1336 : i32 to vector<16xi32>
    %eq3A_1338 = arith.cmpi eq, %iota3A, %eq3A_1337 : vector<16xi32>
    %get3A_1339 = arith.constant 20592 : index
    %get3A_1340 = tpu.vector_load %arg5[%get3A_1339] {strides = array<i32>} : memref<25600xi32, #tpu.memory_space<vmem>>, vector<16xi32>,
    %get3A_1341 = vector.shape_cast %get3A_1340 : vector<16xi32> to vector<16xi32>
    %jit3A_1342 = arith.constant 1 : i32
    %broadcast_in_dim3A_1343 = vector.broadcast %jit3A_1342 : i32 to vector<16xi32>
    %select_n3A_1344 = arith.select %eq3A_1338, %broadcast_in_dim3A_1343, %get3A_1341 : vector<16xi1>, vector<16xi32>
    %swap3A_1345 = arith.constant 20592 : index
    %swap3A_1346 = tpu.vector_load %arg5[%swap3A_1345] {strides = array<i32>} : memref<25600xi32, #tpu.memory_space<vmem>>, vector<16xi32>,
    %swap3A_1347 = vector.shape_cast %swap3A_1346 : vector<16xi32> to vector<16xi32>
    %swap3A_1348 = vector.shape_cast %select_n3A_1344 : vector<16xi32> to vector<16xi32>
    tpu.vector_store %arg5[%swap3A_1345], %swap3A_1348 {strides = array<i32>} : memref<25600xi32, #tpu.memory_space<vmem>>, vector<16xi32>,
    %eq3A_1349 = arith.constant 0 : i32
    %eq3A_1350 = vector.broadcast %eq3A_1349 : i32 to vector<16xi32>
    %eq3A_1351 = arith.cmpi eq, %iota3A, %eq3A_1350 : vector<16xi32>
    %get3A_1352 = arith.constant 20800 : index
    %get3A_1353 = tpu.vector_load %arg5[%get3A_1352] {strides = array<i32>} : memref<25600xi32, #tpu.memory_space<vmem>>, vector<16xi32>,
    %get3A_1354 = vector.shape_cast %get3A_1353 : vector<16xi32> to vector<16xi32>
    %jit3A_1355 = arith.constant 1 : i32
    %broadcast_in_dim3A_1356 = vector.broadcast %jit3A_1355 : i32 to vector<16xi32>
    %select_n3A_1357 = arith.select %eq3A_1351, %broadcast_in_dim3A_1356, %get3A_1354 : vector<16xi1>, vector<16xi32>
    %swap3A_1358 = arith.constant 20800 : index
    %swap3A_1359 = tpu.vector_load %arg5[%swap3A_1358] {strides = array<i32>} : memref<25600xi32, #tpu.memory_space<vmem>>, vector<16xi32>,
    %swap3A_1360 = vector.shape_cast %swap3A_1359 : vector<16xi32> to vector<16xi32>
    %swap3A_1361 = vector.shape_cast %select_n3A_1357 : vector<16xi32> to vector<16xi32>
    tpu.vector_store %arg5[%swap3A_1358], %swap3A_1361 {strides = array<i32>} : memref<25600xi32, #tpu.memory_space<vmem>>, vector<16xi32>,
    %eq3A_1362 = arith.constant 8 : i32
    %eq3A_1363 = vector.broadcast %eq3A_1362 : i32 to vector<16xi32>
    %eq3A_1364 = arith.cmpi eq, %iota3A, %eq3A_1363 : vector<16xi32>
    %get3A_1365 = arith.constant 20992 : index
    %get3A_1366 = tpu.vector_load %arg5[%get3A_1365] {strides = array<i32>} : memref<25600xi32, #tpu.memory_space<vmem>>, vector<16xi32>,
    %get3A_1367 = vector.shape_cast %get3A_1366 : vector<16xi32> to vector<16xi32>
    %jit3A_1368 = arith.constant 1 : i32
    %broadcast_in_dim3A_1369 = vector.broadcast %jit3A_1368 : i32 to vector<16xi32>
    %select_n3A_1370 = arith.select %eq3A_1364, %broadcast_in_dim3A_1369, %get3A_1367 : vector<16xi1>, vector<16xi32>
    %swap3A_1371 = arith.constant 20992 : index
    %swap3A_1372 = tpu.vector_load %arg5[%swap3A_1371] {strides = array<i32>} : memref<25600xi32, #tpu.memory_space<vmem>>, vector<16xi32>,
    %swap3A_1373 = vector.shape_cast %swap3A_1372 : vector<16xi32> to vector<16xi32>
    %swap3A_1374 = vector.shape_cast %select_n3A_1370 : vector<16xi32> to vector<16xi32>
    tpu.vector_store %arg5[%swap3A_1371], %swap3A_1374 {strides = array<i32>} : memref<25600xi32, #tpu.memory_space<vmem>>, vector<16xi32>,
    %eq3A_1375 = arith.constant 0 : i32
    %eq3A_1376 = vector.broadcast %eq3A_1375 : i32 to vector<16xi32>
    %eq3A_1377 = arith.cmpi eq, %iota3A, %eq3A_1376 : vector<16xi32>
    %get3A_1378 = arith.constant 21200 : index
    %get3A_1379 = tpu.vector_load %arg5[%get3A_1378] {strides = array<i32>} : memref<25600xi32, #tpu.memory_space<vmem>>, vector<16xi32>,
    %get3A_1380 = vector.shape_cast %get3A_1379 : vector<16xi32> to vector<16xi32>
    %jit3A_1381 = arith.constant 1 : i32
    %broadcast_in_dim3A_1382 = vector.broadcast %jit3A_1381 : i32 to vector<16xi32>
    %select_n3A_1383 = arith.select %eq3A_1377, %broadcast_in_dim3A_1382, %get3A_1380 : vector<16xi1>, vector<16xi32>
    %swap3A_1384 = arith.constant 21200 : index
    %swap3A_1385 = tpu.vector_load %arg5[%swap3A_1384] {strides = array<i32>} : memref<25600xi32, #tpu.memory_space<vmem>>, vector<16xi32>,
    %swap3A_1386 = vector.shape_cast %swap3A_1385 : vector<16xi32> to vector<16xi32>
    %swap3A_1387 = vector.shape_cast %select_n3A_1383 : vector<16xi32> to vector<16xi32>
    tpu.vector_store %arg5[%swap3A_1384], %swap3A_1387 {strides = array<i32>} : memref<25600xi32, #tpu.memory_space<vmem>>, vector<16xi32>,
    %eq3A_1388 = arith.constant 8 : i32
    %eq3A_1389 = vector.broadcast %eq3A_1388 : i32 to vector<16xi32>
    %eq3A_1390 = arith.cmpi eq, %iota3A, %eq3A_1389 : vector<16xi32>
    %get3A_1391 = arith.constant 21392 : index
    %get3A_1392 = tpu.vector_load %arg5[%get3A_1391] {strides = array<i32>} : memref<25600xi32, #tpu.memory_space<vmem>>, vector<16xi32>,
    %get3A_1393 = vector.shape_cast %get3A_1392 : vector<16xi32> to vector<16xi32>
    %jit3A_1394 = arith.constant 1 : i32
    %broadcast_in_dim3A_1395 = vector.broadcast %jit3A_1394 : i32 to vector<16xi32>
    %select_n3A_1396 = arith.select %eq3A_1390, %broadcast_in_dim3A_1395, %get3A_1393 : vector<16xi1>, vector<16xi32>
    %swap3A_1397 = arith.constant 21392 : index
    %swap3A_1398 = tpu.vector_load %arg5[%swap3A_1397] {strides = array<i32>} : memref<25600xi32, #tpu.memory_space<vmem>>, vector<16xi32>,
    %swap3A_1399 = vector.shape_cast %swap3A_1398 : vector<16xi32> to vector<16xi32>
    %swap3A_1400 = vector.shape_cast %select_n3A_1396 : vector<16xi32> to vector<16xi32>
    tpu.vector_store %arg5[%swap3A_1397], %swap3A_1400 {strides = array<i32>} : memref<25600xi32, #tpu.memory_space<vmem>>, vector<16xi32>,
    %eq3A_1401 = arith.constant 0 : i32
    %eq3A_1402 = vector.broadcast %eq3A_1401 : i32 to vector<16xi32>
    %eq3A_1403 = arith.cmpi eq, %iota3A, %eq3A_1402 : vector<16xi32>
    %get3A_1404 = arith.constant 21600 : index
    %get3A_1405 = tpu.vector_load %arg5[%get3A_1404] {strides = array<i32>} : memref<25600xi32, #tpu.memory_space<vmem>>, vector<16xi32>,
    %get3A_1406 = vector.shape_cast %get3A_1405 : vector<16xi32> to vector<16xi32>
    %jit3A_1407 = arith.constant 1 : i32
    %broadcast_in_dim3A_1408 = vector.broadcast %jit3A_1407 : i32 to vector<16xi32>
    %select_n3A_1409 = arith.select %eq3A_1403, %broadcast_in_dim3A_1408, %get3A_1406 : vector<16xi1>, vector<16xi32>
    %swap3A_1410 = arith.constant 21600 : index
    %swap3A_1411 = tpu.vector_load %arg5[%swap3A_1410] {strides = array<i32>} : memref<25600xi32, #tpu.memory_space<vmem>>, vector<16xi32>,
    %swap3A_1412 = vector.shape_cast %swap3A_1411 : vector<16xi32> to vector<16xi32>
    %swap3A_1413 = vector.shape_cast %select_n3A_1409 : vector<16xi32> to vector<16xi32>
    tpu.vector_store %arg5[%swap3A_1410], %swap3A_1413 {strides = array<i32>} : memref<25600xi32, #tpu.memory_space<vmem>>, vector<16xi32>,
    %eq3A_1414 = arith.constant 8 : i32
    %eq3A_1415 = vector.broadcast %eq3A_1414 : i32 to vector<16xi32>
    %eq3A_1416 = arith.cmpi eq, %iota3A, %eq3A_1415 : vector<16xi32>
    %get3A_1417 = arith.constant 21792 : index
    %get3A_1418 = tpu.vector_load %arg5[%get3A_1417] {strides = array<i32>} : memref<25600xi32, #tpu.memory_space<vmem>>, vector<16xi32>,
    %get3A_1419 = vector.shape_cast %get3A_1418 : vector<16xi32> to vector<16xi32>
    %jit3A_1420 = arith.constant 1 : i32
    %broadcast_in_dim3A_1421 = vector.broadcast %jit3A_1420 : i32 to vector<16xi32>
    %select_n3A_1422 = arith.select %eq3A_1416, %broadcast_in_dim3A_1421, %get3A_1419 : vector<16xi1>, vector<16xi32>
    %swap3A_1423 = arith.constant 21792 : index
    %swap3A_1424 = tpu.vector_load %arg5[%swap3A_1423] {strides = array<i32>} : memref<25600xi32, #tpu.memory_space<vmem>>, vector<16xi32>,
    %swap3A_1425 = vector.shape_cast %swap3A_1424 : vector<16xi32> to vector<16xi32>
    %swap3A_1426 = vector.shape_cast %select_n3A_1422 : vector<16xi32> to vector<16xi32>
    tpu.vector_store %arg5[%swap3A_1423], %swap3A_1426 {strides = array<i32>} : memref<25600xi32, #tpu.memory_space<vmem>>, vector<16xi32>,
    %eq3A_1427 = arith.constant 0 : i32
    %eq3A_1428 = vector.broadcast %eq3A_1427 : i32 to vector<16xi32>
    %eq3A_1429 = arith.cmpi eq, %iota3A, %eq3A_1428 : vector<16xi32>
    %get3A_1430 = arith.constant 22000 : index
    %get3A_1431 = tpu.vector_load %arg5[%get3A_1430] {strides = array<i32>} : memref<25600xi32, #tpu.memory_space<vmem>>, vector<16xi32>,
    %get3A_1432 = vector.shape_cast %get3A_1431 : vector<16xi32> to vector<16xi32>
    %jit3A_1433 = arith.constant 1 : i32
    %broadcast_in_dim3A_1434 = vector.broadcast %jit3A_1433 : i32 to vector<16xi32>
    %select_n3A_1435 = arith.select %eq3A_1429, %broadcast_in_dim3A_1434, %get3A_1432 : vector<16xi1>, vector<16xi32>
    %swap3A_1436 = arith.constant 22000 : index
    %swap3A_1437 = tpu.vector_load %arg5[%swap3A_1436] {strides = array<i32>} : memref<25600xi32, #tpu.memory_space<vmem>>, vector<16xi32>,
    %swap3A_1438 = vector.shape_cast %swap3A_1437 : vector<16xi32> to vector<16xi32>
    %swap3A_1439 = vector.shape_cast %select_n3A_1435 : vector<16xi32> to vector<16xi32>
    tpu.vector_store %arg5[%swap3A_1436], %swap3A_1439 {strides = array<i32>} : memref<25600xi32, #tpu.memory_space<vmem>>, vector<16xi32>,
    %eq3A_1440 = arith.constant 8 : i32
    %eq3A_1441 = vector.broadcast %eq3A_1440 : i32 to vector<16xi32>
    %eq3A_1442 = arith.cmpi eq, %iota3A, %eq3A_1441 : vector<16xi32>
    %get3A_1443 = arith.constant 22192 : index
    %get3A_1444 = tpu.vector_load %arg5[%get3A_1443] {strides = array<i32>} : memref<25600xi32, #tpu.memory_space<vmem>>, vector<16xi32>,
    %get3A_1445 = vector.shape_cast %get3A_1444 : vector<16xi32> to vector<16xi32>
    %jit3A_1446 = arith.constant 1 : i32
    %broadcast_in_dim3A_1447 = vector.broadcast %jit3A_1446 : i32 to vector<16xi32>
    %select_n3A_1448 = arith.select %eq3A_1442, %broadcast_in_dim3A_1447, %get3A_1445 : vector<16xi1>, vector<16xi32>
    %swap3A_1449 = arith.constant 22192 : index
    %swap3A_1450 = tpu.vector_load %arg5[%swap3A_1449] {strides = array<i32>} : memref<25600xi32, #tpu.memory_space<vmem>>, vector<16xi32>,
    %swap3A_1451 = vector.shape_cast %swap3A_1450 : vector<16xi32> to vector<16xi32>
    %swap3A_1452 = vector.shape_cast %select_n3A_1448 : vector<16xi32> to vector<16xi32>
    tpu.vector_store %arg5[%swap3A_1449], %swap3A_1452 {strides = array<i32>} : memref<25600xi32, #tpu.memory_space<vmem>>, vector<16xi32>,
    %eq3A_1453 = arith.constant 0 : i32
    %eq3A_1454 = vector.broadcast %eq3A_1453 : i32 to vector<16xi32>
    %eq3A_1455 = arith.cmpi eq, %iota3A, %eq3A_1454 : vector<16xi32>
    %get3A_1456 = arith.constant 22400 : index
    %get3A_1457 = tpu.vector_load %arg5[%get3A_1456] {strides = array<i32>} : memref<25600xi32, #tpu.memory_space<vmem>>, vector<16xi32>,
    %get3A_1458 = vector.shape_cast %get3A_1457 : vector<16xi32> to vector<16xi32>
    %jit3A_1459 = arith.constant 1 : i32
    %broadcast_in_dim3A_1460 = vector.broadcast %jit3A_1459 : i32 to vector<16xi32>
    %select_n3A_1461 = arith.select %eq3A_1455, %broadcast_in_dim3A_1460, %get3A_1458 : vector<16xi1>, vector<16xi32>
    %swap3A_1462 = arith.constant 22400 : index
    %swap3A_1463 = tpu.vector_load %arg5[%swap3A_1462] {strides = array<i32>} : memref<25600xi32, #tpu.memory_space<vmem>>, vector<16xi32>,
    %swap3A_1464 = vector.shape_cast %swap3A_1463 : vector<16xi32> to vector<16xi32>
    %swap3A_1465 = vector.shape_cast %select_n3A_1461 : vector<16xi32> to vector<16xi32>
    tpu.vector_store %arg5[%swap3A_1462], %swap3A_1465 {strides = array<i32>} : memref<25600xi32, #tpu.memory_space<vmem>>, vector<16xi32>,
    %eq3A_1466 = arith.constant 8 : i32
    %eq3A_1467 = vector.broadcast %eq3A_1466 : i32 to vector<16xi32>
    %eq3A_1468 = arith.cmpi eq, %iota3A, %eq3A_1467 : vector<16xi32>
    %get3A_1469 = arith.constant 22592 : index
    %get3A_1470 = tpu.vector_load %arg5[%get3A_1469] {strides = array<i32>} : memref<25600xi32, #tpu.memory_space<vmem>>, vector<16xi32>,
    %get3A_1471 = vector.shape_cast %get3A_1470 : vector<16xi32> to vector<16xi32>
    %jit3A_1472 = arith.constant 1 : i32
    %broadcast_in_dim3A_1473 = vector.broadcast %jit3A_1472 : i32 to vector<16xi32>
    %select_n3A_1474 = arith.select %eq3A_1468, %broadcast_in_dim3A_1473, %get3A_1471 : vector<16xi1>, vector<16xi32>
    %swap3A_1475 = arith.constant 22592 : index
    %swap3A_1476 = tpu.vector_load %arg5[%swap3A_1475] {strides = array<i32>} : memref<25600xi32, #tpu.memory_space<vmem>>, vector<16xi32>,
    %swap3A_1477 = vector.shape_cast %swap3A_1476 : vector<16xi32> to vector<16xi32>
    %swap3A_1478 = vector.shape_cast %select_n3A_1474 : vector<16xi32> to vector<16xi32>
    tpu.vector_store %arg5[%swap3A_1475], %swap3A_1478 {strides = array<i32>} : memref<25600xi32, #tpu.memory_space<vmem>>, vector<16xi32>,
    %eq3A_1479 = arith.constant 0 : i32
    %eq3A_1480 = vector.broadcast %eq3A_1479 : i32 to vector<16xi32>
    %eq3A_1481 = arith.cmpi eq, %iota3A, %eq3A_1480 : vector<16xi32>
    %get3A_1482 = arith.constant 22800 : index
    %get3A_1483 = tpu.vector_load %arg5[%get3A_1482] {strides = array<i32>} : memref<25600xi32, #tpu.memory_space<vmem>>, vector<16xi32>,
    %get3A_1484 = vector.shape_cast %get3A_1483 : vector<16xi32> to vector<16xi32>
    %jit3A_1485 = arith.constant 1 : i32
    %broadcast_in_dim3A_1486 = vector.broadcast %jit3A_1485 : i32 to vector<16xi32>
    %select_n3A_1487 = arith.select %eq3A_1481, %broadcast_in_dim3A_1486, %get3A_1484 : vector<16xi1>, vector<16xi32>
    %swap3A_1488 = arith.constant 22800 : index
    %swap3A_1489 = tpu.vector_load %arg5[%swap3A_1488] {strides = array<i32>} : memref<25600xi32, #tpu.memory_space<vmem>>, vector<16xi32>,
    %swap3A_1490 = vector.shape_cast %swap3A_1489 : vector<16xi32> to vector<16xi32>
    %swap3A_1491 = vector.shape_cast %select_n3A_1487 : vector<16xi32> to vector<16xi32>
    tpu.vector_store %arg5[%swap3A_1488], %swap3A_1491 {strides = array<i32>} : memref<25600xi32, #tpu.memory_space<vmem>>, vector<16xi32>,
    %eq3A_1492 = arith.constant 8 : i32
    %eq3A_1493 = vector.broadcast %eq3A_1492 : i32 to vector<16xi32>
    %eq3A_1494 = arith.cmpi eq, %iota3A, %eq3A_1493 : vector<16xi32>
    %get3A_1495 = arith.constant 22992 : index
    %get3A_1496 = tpu.vector_load %arg5[%get3A_1495] {strides = array<i32>} : memref<25600xi32, #tpu.memory_space<vmem>>, vector<16xi32>,
    %get3A_1497 = vector.shape_cast %get3A_1496 : vector<16xi32> to vector<16xi32>
    %jit3A_1498 = arith.constant 1 : i32
    %broadcast_in_dim3A_1499 = vector.broadcast %jit3A_1498 : i32 to vector<16xi32>
    %select_n3A_1500 = arith.select %eq3A_1494, %broadcast_in_dim3A_1499, %get3A_1497 : vector<16xi1>, vector<16xi32>
    %swap3A_1501 = arith.constant 22992 : index
    %swap3A_1502 = tpu.vector_load %arg5[%swap3A_1501] {strides = array<i32>} : memref<25600xi32, #tpu.memory_space<vmem>>, vector<16xi32>,
    %swap3A_1503 = vector.shape_cast %swap3A_1502 : vector<16xi32> to vector<16xi32>
    %swap3A_1504 = vector.shape_cast %select_n3A_1500 : vector<16xi32> to vector<16xi32>
    tpu.vector_store %arg5[%swap3A_1501], %swap3A_1504 {strides = array<i32>} : memref<25600xi32, #tpu.memory_space<vmem>>, vector<16xi32>,
    %eq3A_1505 = arith.constant 0 : i32
    %eq3A_1506 = vector.broadcast %eq3A_1505 : i32 to vector<16xi32>
    %eq3A_1507 = arith.cmpi eq, %iota3A, %eq3A_1506 : vector<16xi32>
    %get3A_1508 = arith.constant 23200 : index
    %get3A_1509 = tpu.vector_load %arg5[%get3A_1508] {strides = array<i32>} : memref<25600xi32, #tpu.memory_space<vmem>>, vector<16xi32>,
    %get3A_1510 = vector.shape_cast %get3A_1509 : vector<16xi32> to vector<16xi32>
    %jit3A_1511 = arith.constant 1 : i32
    %broadcast_in_dim3A_1512 = vector.broadcast %jit3A_1511 : i32 to vector<16xi32>
    %select_n3A_1513 = arith.select %eq3A_1507, %broadcast_in_dim3A_1512, %get3A_1510 : vector<16xi1>, vector<16xi32>
    %swap3A_1514 = arith.constant 23200 : index
    %swap3A_1515 = tpu.vector_load %arg5[%swap3A_1514] {strides = array<i32>} : memref<25600xi32, #tpu.memory_space<vmem>>, vector<16xi32>,
    %swap3A_1516 = vector.shape_cast %swap3A_1515 : vector<16xi32> to vector<16xi32>
    %swap3A_1517 = vector.shape_cast %select_n3A_1513 : vector<16xi32> to vector<16xi32>
    tpu.vector_store %arg5[%swap3A_1514], %swap3A_1517 {strides = array<i32>} : memref<25600xi32, #tpu.memory_space<vmem>>, vector<16xi32>,
    %eq3A_1518 = arith.constant 8 : i32
    %eq3A_1519 = vector.broadcast %eq3A_1518 : i32 to vector<16xi32>
    %eq3A_1520 = arith.cmpi eq, %iota3A, %eq3A_1519 : vector<16xi32>
    %get3A_1521 = arith.constant 23392 : index
    %get3A_1522 = tpu.vector_load %arg5[%get3A_1521] {strides = array<i32>} : memref<25600xi32, #tpu.memory_space<vmem>>, vector<16xi32>,
    %get3A_1523 = vector.shape_cast %get3A_1522 : vector<16xi32> to vector<16xi32>
    %jit3A_1524 = arith.constant 1 : i32
    %broadcast_in_dim3A_1525 = vector.broadcast %jit3A_1524 : i32 to vector<16xi32>
    %select_n3A_1526 = arith.select %eq3A_1520, %broadcast_in_dim3A_1525, %get3A_1523 : vector<16xi1>, vector<16xi32>
    %swap3A_1527 = arith.constant 23392 : index
    %swap3A_1528 = tpu.vector_load %arg5[%swap3A_1527] {strides = array<i32>} : memref<25600xi32, #tpu.memory_space<vmem>>, vector<16xi32>,
    %swap3A_1529 = vector.shape_cast %swap3A_1528 : vector<16xi32> to vector<16xi32>
    %swap3A_1530 = vector.shape_cast %select_n3A_1526 : vector<16xi32> to vector<16xi32>
    tpu.vector_store %arg5[%swap3A_1527], %swap3A_1530 {strides = array<i32>} : memref<25600xi32, #tpu.memory_space<vmem>>, vector<16xi32>,
    %eq3A_1531 = arith.constant 0 : i32
    %eq3A_1532 = vector.broadcast %eq3A_1531 : i32 to vector<16xi32>
    %eq3A_1533 = arith.cmpi eq, %iota3A, %eq3A_1532 : vector<16xi32>
    %get3A_1534 = arith.constant 23600 : index
    %get3A_1535 = tpu.vector_load %arg5[%get3A_1534] {strides = array<i32>} : memref<25600xi32, #tpu.memory_space<vmem>>, vector<16xi32>,
    %get3A_1536 = vector.shape_cast %get3A_1535 : vector<16xi32> to vector<16xi32>
    %jit3A_1537 = arith.constant 1 : i32
    %broadcast_in_dim3A_1538 = vector.broadcast %jit3A_1537 : i32 to vector<16xi32>
    %select_n3A_1539 = arith.select %eq3A_1533, %broadcast_in_dim3A_1538, %get3A_1536 : vector<16xi1>, vector<16xi32>
    %swap3A_1540 = arith.constant 23600 : index
    %swap3A_1541 = tpu.vector_load %arg5[%swap3A_1540] {strides = array<i32>} : memref<25600xi32, #tpu.memory_space<vmem>>, vector<16xi32>,
    %swap3A_1542 = vector.shape_cast %swap3A_1541 : vector<16xi32> to vector<16xi32>
    %swap3A_1543 = vector.shape_cast %select_n3A_1539 : vector<16xi32> to vector<16xi32>
    tpu.vector_store %arg5[%swap3A_1540], %swap3A_1543 {strides = array<i32>} : memref<25600xi32, #tpu.memory_space<vmem>>, vector<16xi32>,
    %eq3A_1544 = arith.constant 8 : i32
    %eq3A_1545 = vector.broadcast %eq3A_1544 : i32 to vector<16xi32>
    %eq3A_1546 = arith.cmpi eq, %iota3A, %eq3A_1545 : vector<16xi32>
    %get3A_1547 = arith.constant 23792 : index
    %get3A_1548 = tpu.vector_load %arg5[%get3A_1547] {strides = array<i32>} : memref<25600xi32, #tpu.memory_space<vmem>>, vector<16xi32>,
    %get3A_1549 = vector.shape_cast %get3A_1548 : vector<16xi32> to vector<16xi32>
    %jit3A_1550 = arith.constant 1 : i32
    %broadcast_in_dim3A_1551 = vector.broadcast %jit3A_1550 : i32 to vector<16xi32>
    %select_n3A_1552 = arith.select %eq3A_1546, %broadcast_in_dim3A_1551, %get3A_1549 : vector<16xi1>, vector<16xi32>
    %swap3A_1553 = arith.constant 23792 : index
    %swap3A_1554 = tpu.vector_load %arg5[%swap3A_1553] {strides = array<i32>} : memref<25600xi32, #tpu.memory_space<vmem>>, vector<16xi32>,
    %swap3A_1555 = vector.shape_cast %swap3A_1554 : vector<16xi32> to vector<16xi32>
    %swap3A_1556 = vector.shape_cast %select_n3A_1552 : vector<16xi32> to vector<16xi32>
    tpu.vector_store %arg5[%swap3A_1553], %swap3A_1556 {strides = array<i32>} : memref<25600xi32, #tpu.memory_space<vmem>>, vector<16xi32>,
    %eq3A_1557 = arith.constant 0 : i32
    %eq3A_1558 = vector.broadcast %eq3A_1557 : i32 to vector<16xi32>
    %eq3A_1559 = arith.cmpi eq, %iota3A, %eq3A_1558 : vector<16xi32>
    %get3A_1560 = arith.constant 24000 : index
    %get3A_1561 = tpu.vector_load %arg5[%get3A_1560] {strides = array<i32>} : memref<25600xi32, #tpu.memory_space<vmem>>, vector<16xi32>,
    %get3A_1562 = vector.shape_cast %get3A_1561 : vector<16xi32> to vector<16xi32>
    %jit3A_1563 = arith.constant 1 : i32
    %broadcast_in_dim3A_1564 = vector.broadcast %jit3A_1563 : i32 to vector<16xi32>
    %select_n3A_1565 = arith.select %eq3A_1559, %broadcast_in_dim3A_1564, %get3A_1562 : vector<16xi1>, vector<16xi32>
    %swap3A_1566 = arith.constant 24000 : index
    %swap3A_1567 = tpu.vector_load %arg5[%swap3A_1566] {strides = array<i32>} : memref<25600xi32, #tpu.memory_space<vmem>>, vector<16xi32>,
    %swap3A_1568 = vector.shape_cast %swap3A_1567 : vector<16xi32> to vector<16xi32>
    %swap3A_1569 = vector.shape_cast %select_n3A_1565 : vector<16xi32> to vector<16xi32>
    tpu.vector_store %arg5[%swap3A_1566], %swap3A_1569 {strides = array<i32>} : memref<25600xi32, #tpu.memory_space<vmem>>, vector<16xi32>,
    %eq3A_1570 = arith.constant 8 : i32
    %eq3A_1571 = vector.broadcast %eq3A_1570 : i32 to vector<16xi32>
    %eq3A_1572 = arith.cmpi eq, %iota3A, %eq3A_1571 : vector<16xi32>
    %get3A_1573 = arith.constant 24192 : index
    %get3A_1574 = tpu.vector_load %arg5[%get3A_1573] {strides = array<i32>} : memref<25600xi32, #tpu.memory_space<vmem>>, vector<16xi32>,
    %get3A_1575 = vector.shape_cast %get3A_1574 : vector<16xi32> to vector<16xi32>
    %jit3A_1576 = arith.constant 1 : i32
    %broadcast_in_dim3A_1577 = vector.broadcast %jit3A_1576 : i32 to vector<16xi32>
    %select_n3A_1578 = arith.select %eq3A_1572, %broadcast_in_dim3A_1577, %get3A_1575 : vector<16xi1>, vector<16xi32>
    %swap3A_1579 = arith.constant 24192 : index
    %swap3A_1580 = tpu.vector_load %arg5[%swap3A_1579] {strides = array<i32>} : memref<25600xi32, #tpu.memory_space<vmem>>, vector<16xi32>,
    %swap3A_1581 = vector.shape_cast %swap3A_1580 : vector<16xi32> to vector<16xi32>
    %swap3A_1582 = vector.shape_cast %select_n3A_1578 : vector<16xi32> to vector<16xi32>
    tpu.vector_store %arg5[%swap3A_1579], %swap3A_1582 {strides = array<i32>} : memref<25600xi32, #tpu.memory_space<vmem>>, vector<16xi32>,
    %eq3A_1583 = arith.constant 0 : i32
    %eq3A_1584 = vector.broadcast %eq3A_1583 : i32 to vector<16xi32>
    %eq3A_1585 = arith.cmpi eq, %iota3A, %eq3A_1584 : vector<16xi32>
    %get3A_1586 = arith.constant 24400 : index
    %get3A_1587 = tpu.vector_load %arg5[%get3A_1586] {strides = array<i32>} : memref<25600xi32, #tpu.memory_space<vmem>>, vector<16xi32>,
    %get3A_1588 = vector.shape_cast %get3A_1587 : vector<16xi32> to vector<16xi32>
    %jit3A_1589 = arith.constant 1 : i32
    %broadcast_in_dim3A_1590 = vector.broadcast %jit3A_1589 : i32 to vector<16xi32>
    %select_n3A_1591 = arith.select %eq3A_1585, %broadcast_in_dim3A_1590, %get3A_1588 : vector<16xi1>, vector<16xi32>
    %swap3A_1592 = arith.constant 24400 : index
    %swap3A_1593 = tpu.vector_load %arg5[%swap3A_1592] {strides = array<i32>} : memref<25600xi32, #tpu.memory_space<vmem>>, vector<16xi32>,
    %swap3A_1594 = vector.shape_cast %swap3A_1593 : vector<16xi32> to vector<16xi32>
    %swap3A_1595 = vector.shape_cast %select_n3A_1591 : vector<16xi32> to vector<16xi32>
    tpu.vector_store %arg5[%swap3A_1592], %swap3A_1595 {strides = array<i32>} : memref<25600xi32, #tpu.memory_space<vmem>>, vector<16xi32>,
    %eq3A_1596 = arith.constant 8 : i32
    %eq3A_1597 = vector.broadcast %eq3A_1596 : i32 to vector<16xi32>
    %eq3A_1598 = arith.cmpi eq, %iota3A, %eq3A_1597 : vector<16xi32>
    %get3A_1599 = arith.constant 24592 : index
    %get3A_1600 = tpu.vector_load %arg5[%get3A_1599] {strides = array<i32>} : memref<25600xi32, #tpu.memory_space<vmem>>, vector<16xi32>,
    %get3A_1601 = vector.shape_cast %get3A_1600 : vector<16xi32> to vector<16xi32>
    %jit3A_1602 = arith.constant 1 : i32
    %broadcast_in_dim3A_1603 = vector.broadcast %jit3A_1602 : i32 to vector<16xi32>
    %select_n3A_1604 = arith.select %eq3A_1598, %broadcast_in_dim3A_1603, %get3A_1601 : vector<16xi1>, vector<16xi32>
    %swap3A_1605 = arith.constant 24592 : index
    %swap3A_1606 = tpu.vector_load %arg5[%swap3A_1605] {strides = array<i32>} : memref<25600xi32, #tpu.memory_space<vmem>>, vector<16xi32>,
    %swap3A_1607 = vector.shape_cast %swap3A_1606 : vector<16xi32> to vector<16xi32>
    %swap3A_1608 = vector.shape_cast %select_n3A_1604 : vector<16xi32> to vector<16xi32>
    tpu.vector_store %arg5[%swap3A_1605], %swap3A_1608 {strides = array<i32>} : memref<25600xi32, #tpu.memory_space<vmem>>, vector<16xi32>,
    %eq3A_1609 = arith.constant 0 : i32
    %eq3A_1610 = vector.broadcast %eq3A_1609 : i32 to vector<16xi32>
    %eq3A_1611 = arith.cmpi eq, %iota3A, %eq3A_1610 : vector<16xi32>
    %get3A_1612 = arith.constant 24800 : index
    %get3A_1613 = tpu.vector_load %arg5[%get3A_1612] {strides = array<i32>} : memref<25600xi32, #tpu.memory_space<vmem>>, vector<16xi32>,
    %get3A_1614 = vector.shape_cast %get3A_1613 : vector<16xi32> to vector<16xi32>
    %jit3A_1615 = arith.constant 1 : i32
    %broadcast_in_dim3A_1616 = vector.broadcast %jit3A_1615 : i32 to vector<16xi32>
    %select_n3A_1617 = arith.select %eq3A_1611, %broadcast_in_dim3A_1616, %get3A_1614 : vector<16xi1>, vector<16xi32>
    %swap3A_1618 = arith.constant 24800 : index
    %swap3A_1619 = tpu.vector_load %arg5[%swap3A_1618] {strides = array<i32>} : memref<25600xi32, #tpu.memory_space<vmem>>, vector<16xi32>,
    %swap3A_1620 = vector.shape_cast %swap3A_1619 : vector<16xi32> to vector<16xi32>
    %swap3A_1621 = vector.shape_cast %select_n3A_1617 : vector<16xi32> to vector<16xi32>
    tpu.vector_store %arg5[%swap3A_1618], %swap3A_1621 {strides = array<i32>} : memref<25600xi32, #tpu.memory_space<vmem>>, vector<16xi32>,
    %eq3A_1622 = arith.constant 8 : i32
    %eq3A_1623 = vector.broadcast %eq3A_1622 : i32 to vector<16xi32>
    %eq3A_1624 = arith.cmpi eq, %iota3A, %eq3A_1623 : vector<16xi32>
    %get3A_1625 = arith.constant 24992 : index
    %get3A_1626 = tpu.vector_load %arg5[%get3A_1625] {strides = array<i32>} : memref<25600xi32, #tpu.memory_space<vmem>>, vector<16xi32>,
    %get3A_1627 = vector.shape_cast %get3A_1626 : vector<16xi32> to vector<16xi32>
    %jit3A_1628 = arith.constant 1 : i32
    %broadcast_in_dim3A_1629 = vector.broadcast %jit3A_1628 : i32 to vector<16xi32>
    %select_n3A_1630 = arith.select %eq3A_1624, %broadcast_in_dim3A_1629, %get3A_1627 : vector<16xi1>, vector<16xi32>
    %swap3A_1631 = arith.constant 24992 : index
    %swap3A_1632 = tpu.vector_load %arg5[%swap3A_1631] {strides = array<i32>} : memref<25600xi32, #tpu.memory_space<vmem>>, vector<16xi32>,
    %swap3A_1633 = vector.shape_cast %swap3A_1632 : vector<16xi32> to vector<16xi32>
    %swap3A_1634 = vector.shape_cast %select_n3A_1630 : vector<16xi32> to vector<16xi32>
    tpu.vector_store %arg5[%swap3A_1631], %swap3A_1634 {strides = array<i32>} : memref<25600xi32, #tpu.memory_space<vmem>>, vector<16xi32>,
    %eq3A_1635 = arith.constant 0 : i32
    %eq3A_1636 = vector.broadcast %eq3A_1635 : i32 to vector<16xi32>
    %eq3A_1637 = arith.cmpi eq, %iota3A, %eq3A_1636 : vector<16xi32>
    %get3A_1638 = arith.constant 25200 : index
    %get3A_1639 = tpu.vector_load %arg5[%get3A_1638] {strides = array<i32>} : memref<25600xi32, #tpu.memory_space<vmem>>, vector<16xi32>,
    %get3A_1640 = vector.shape_cast %get3A_1639 : vector<16xi32> to vector<16xi32>
    %jit3A_1641 = arith.constant 1 : i32
    %broadcast_in_dim3A_1642 = vector.broadcast %jit3A_1641 : i32 to vector<16xi32>
    %select_n3A_1643 = arith.select %eq3A_1637, %broadcast_in_dim3A_1642, %get3A_1640 : vector<16xi1>, vector<16xi32>
    %swap3A_1644 = arith.constant 25200 : index
    %swap3A_1645 = tpu.vector_load %arg5[%swap3A_1644] {strides = array<i32>} : memref<25600xi32, #tpu.memory_space<vmem>>, vector<16xi32>,
    %swap3A_1646 = vector.shape_cast %swap3A_1645 : vector<16xi32> to vector<16xi32>
    %swap3A_1647 = vector.shape_cast %select_n3A_1643 : vector<16xi32> to vector<16xi32>
    tpu.vector_store %arg5[%swap3A_1644], %swap3A_1647 {strides = array<i32>} : memref<25600xi32, #tpu.memory_space<vmem>>, vector<16xi32>,
    %eq3A_1648 = arith.constant 8 : i32
    %eq3A_1649 = vector.broadcast %eq3A_1648 : i32 to vector<16xi32>
    %eq3A_1650 = arith.cmpi eq, %iota3A, %eq3A_1649 : vector<16xi32>
    %get3A_1651 = arith.constant 25392 : index
    %get3A_1652 = tpu.vector_load %arg5[%get3A_1651] {strides = array<i32>} : memref<25600xi32, #tpu.memory_space<vmem>>, vector<16xi32>,
    %get3A_1653 = vector.shape_cast %get3A_1652 : vector<16xi32> to vector<16xi32>
    %jit3A_1654 = arith.constant 1 : i32
    %broadcast_in_dim3A_1655 = vector.broadcast %jit3A_1654 : i32 to vector<16xi32>
    %select_n3A_1656 = arith.select %eq3A_1650, %broadcast_in_dim3A_1655, %get3A_1653 : vector<16xi1>, vector<16xi32>
    %swap3A_1657 = arith.constant 25392 : index
    %swap3A_1658 = tpu.vector_load %arg5[%swap3A_1657] {strides = array<i32>} : memref<25600xi32, #tpu.memory_space<vmem>>, vector<16xi32>,
    %swap3A_1659 = vector.shape_cast %swap3A_1658 : vector<16xi32> to vector<16xi32>
    %swap3A_1660 = vector.shape_cast %select_n3A_1656 : vector<16xi32> to vector<16xi32>
    tpu.vector_store %arg5[%swap3A_1657], %swap3A_1660 {strides = array<i32>} : memref<25600xi32, #tpu.memory_space<vmem>>, vector<16xi32>,
    %get3A_1661 = arith.constant 0 : i32
    %get3A_1662 = arith.index_cast %get3A_1661 : i32 to index
    %get3A_1663 = arith.constant 0 : index
    %get3A_1664 = tpu.vector_load %arg6[%get3A_1662, %get3A_1663] {strides = array<i32>} : memref<1x128xf32, #tpu.memory_space<vmem>>, vector<1x16xf32>,
    %get3A_1665 = vector.shape_cast %get3A_1664 : vector<1x16xf32> to vector<16xf32>
    %get3A_1666 = arith.constant 0 : i32
    %get3A_1667 = arith.index_cast %get3A_1666 : i32 to index
    %get3A_1668 = arith.constant 16 : index
    %get3A_1669 = tpu.vector_load %arg6[%get3A_1667, %get3A_1668] {strides = array<i32>} : memref<1x128xf32, #tpu.memory_space<vmem>>, vector<1x16xf32>,
    %get3A_1670 = vector.shape_cast %get3A_1669 : vector<1x16xf32> to vector<16xf32>
    %get3A_1671 = arith.constant 0 : i32
    %get3A_1672 = arith.index_cast %get3A_1671 : i32 to index
    %get3A_1673 = arith.constant 32 : index
    %get3A_1674 = tpu.vector_load %arg6[%get3A_1672, %get3A_1673] {strides = array<i32>} : memref<1x128xf32, #tpu.memory_space<vmem>>, vector<1x16xf32>,
    %get3A_1675 = vector.shape_cast %get3A_1674 : vector<1x16xf32> to vector<16xf32>
    %get3A_1676 = arith.constant 0 : i32
    %get3A_1677 = arith.index_cast %get3A_1676 : i32 to index
    %get3A_1678 = arith.constant 48 : index
    %get3A_1679 = tpu.vector_load %arg6[%get3A_1677, %get3A_1678] {strides = array<i32>} : memref<1x128xf32, #tpu.memory_space<vmem>>, vector<1x16xf32>,
    %get3A_1680 = vector.shape_cast %get3A_1679 : vector<1x16xf32> to vector<16xf32>
    %get3A_1681 = arith.constant 0 : i32
    %get3A_1682 = arith.index_cast %get3A_1681 : i32 to index
    %get3A_1683 = arith.constant 64 : index
    %get3A_1684 = tpu.vector_load %arg6[%get3A_1682, %get3A_1683] {strides = array<i32>} : memref<1x128xf32, #tpu.memory_space<vmem>>, vector<1x16xf32>,
    %get3A_1685 = vector.shape_cast %get3A_1684 : vector<1x16xf32> to vector<16xf32>
    %get3A_1686 = arith.constant 0 : i32
    %get3A_1687 = arith.index_cast %get3A_1686 : i32 to index
    %get3A_1688 = arith.constant 80 : index
    %get3A_1689 = tpu.vector_load %arg6[%get3A_1687, %get3A_1688] {strides = array<i32>} : memref<1x128xf32, #tpu.memory_space<vmem>>, vector<1x16xf32>,
    %get3A_1690 = vector.shape_cast %get3A_1689 : vector<1x16xf32> to vector<16xf32>
    %get3A_1691 = arith.constant 0 : i32
    %get3A_1692 = arith.index_cast %get3A_1691 : i32 to index
    %get3A_1693 = arith.constant 96 : index
    %get3A_1694 = tpu.vector_load %arg6[%get3A_1692, %get3A_1693] {strides = array<i32>} : memref<1x128xf32, #tpu.memory_space<vmem>>, vector<1x16xf32>,
    %get3A_1695 = vector.shape_cast %get3A_1694 : vector<1x16xf32> to vector<16xf32>
    %get3A_1696 = arith.constant 0 : i32
    %get3A_1697 = arith.index_cast %get3A_1696 : i32 to index
    %get3A_1698 = arith.constant 112 : index
    %get3A_1699 = tpu.vector_load %arg6[%get3A_1697, %get3A_1698] {strides = array<i32>} : memref<1x128xf32, #tpu.memory_space<vmem>>, vector<1x16xf32>,
    %get3A_1700 = vector.shape_cast %get3A_1699 : vector<1x16xf32> to vector<16xf32>
    %scan3A = arith.constant 0 : i32
    %scan3A_1701 = arith.constant 0 : i32
    %scan3A_1702 = arith.constant 40 : i32
    %scan3A_1703 = arith.addi %scan3A_1701, %scan3A_1702 : i32
    %scan3A_1704 = arith.constant 1 : i32
    scf.for %scan3A_1725 = %scan3A_1701 to %scan3A_1703 step %scan3A_1704  : i32 {
      %mul3A_1726 = arith.constant 5 : i32
      %mul3A_1727 = arith.muli %scan3A_1725, %mul3A_1726 : i32
      %gt3A = arith.constant 0 : i32
      %gt3A_1728 = arith.cmpi sgt, %scan3A_1725, %gt3A : i32
      %convert_element_type3A = arith.extui %gt3A_1728 : i1 to i32
      %cond3A = arith.constant 0 : i32
      %cond3A_1729 = arith.cmpi ne, %convert_element_type3A, %cond3A : i32
      scf.if %cond3A_1729 {
        %dma_wait3A_1868 = arith.constant 0 : i32
        %dma_wait3A_1869 = tpu.memref_slice %arg4[%mul3A_2, %dma_wait3A_1868] : memref<819200x128xf32, #tpu.memory_space<hbm>> -> memref<128x128xf32, #tpu.memory_space<hbm>>
        %dma_wait3A_1870 = arith.constant 0 : i32
        %dma_wait3A_1871 = tpu.memref_slice %arg4[%mul3A_2, %dma_wait3A_1870] : memref<819200x128xf32, #tpu.memory_space<hbm>> -> memref<128x128xf32, #tpu.memory_space<hbm>>
        tpu.wait_dma2 semaphore(%arg17 : memref<!tpu.dma_semaphore, #tpu.memory_space<semaphore_mem>>) src(%arg7 : memref<128x128xf32, #tpu.memory_space<vmem>>) dst(%dma_wait3A_1871 : memref<128x128xf32, #tpu.memory_space<hbm>>)
      } else {
      }
      %add3A_1730 = arith.constant 0 : i32
      %add3A_1731 = arith.addi %mul3A_1727, %add3A_1730 : i32
      %mul3A_1732 = arith.constant 128 : i32
      %mul3A_1733 = arith.muli %add3A_1731, %mul3A_1732 : i32
      %dma_start3A = tpu.memref_slice %arg5[%mul3A_1733] : memref<25600xi32, #tpu.memory_space<vmem>> -> memref<128xi32, #tpu.memory_space<vmem>>
      %dma_start3A_1734 = arith.constant 0 : i32
      %dma_start3A_1735 = arith.constant 0 : i32
      %dma_start3A_1736 = tpu.memref_slice %arg2[%dma_start3A_1734, %dma_start3A_1735] : memref<100000x128xf32, #tpu.memory_space<hbm>> -> memref<100000x128xf32, #tpu.memory_space<hbm>>
      tpu.enqueue_indirect_dma source(%dma_start3A_1736 : memref<100000x128xf32, #tpu.memory_space<hbm>>) target(%arg7 : memref<128x128xf32, #tpu.memory_space<vmem>>) offsets(%dma_start3A : memref<128xi32, #tpu.memory_space<vmem>>) semaphore(%arg12 : memref<!tpu.dma_semaphore, #tpu.memory_space<semaphore_mem>>)
      %gt3A_1737 = arith.constant 0 : i32
      %gt3A_1738 = arith.cmpi sgt, %scan3A_1725, %gt3A_1737 : i32
      %convert_element_type3A_1739 = arith.extui %gt3A_1738 : i1 to i32
      %cond3A_1740 = arith.constant 0 : i32
      %cond3A_1741 = arith.cmpi ne, %convert_element_type3A_1739, %cond3A_1740 : i32
      scf.if %cond3A_1741 {
        %dma_wait3A_1868 = arith.constant 0 : i32
        %dma_wait3A_1869 = tpu.memref_slice %arg4[%mul3A_2, %dma_wait3A_1868] : memref<819200x128xf32, #tpu.memory_space<hbm>> -> memref<128x128xf32, #tpu.memory_space<hbm>>
        %dma_wait3A_1870 = arith.constant 0 : i32
        %dma_wait3A_1871 = tpu.memref_slice %arg4[%mul3A_2, %dma_wait3A_1870] : memref<819200x128xf32, #tpu.memory_space<hbm>> -> memref<128x128xf32, #tpu.memory_space<hbm>>
        tpu.wait_dma2 semaphore(%arg18 : memref<!tpu.dma_semaphore, #tpu.memory_space<semaphore_mem>>) src(%arg8 : memref<128x128xf32, #tpu.memory_space<vmem>>) dst(%dma_wait3A_1871 : memref<128x128xf32, #tpu.memory_space<hbm>>)
      } else {
      }
      %add3A_1742 = arith.constant 1 : i32
      %add3A_1743 = arith.addi %mul3A_1727, %add3A_1742 : i32
      %mul3A_1744 = arith.constant 128 : i32
      %mul3A_1745 = arith.muli %add3A_1743, %mul3A_1744 : i32
      %dma_start3A_1746 = tpu.memref_slice %arg5[%mul3A_1745] : memref<25600xi32, #tpu.memory_space<vmem>> -> memref<128xi32, #tpu.memory_space<vmem>>
      %dma_start3A_1747 = arith.constant 0 : i32
      %dma_start3A_1748 = arith.constant 0 : i32
      %dma_start3A_1749 = tpu.memref_slice %arg2[%dma_start3A_1747, %dma_start3A_1748] : memref<100000x128xf32, #tpu.memory_space<hbm>> -> memref<100000x128xf32, #tpu.memory_space<hbm>>
      tpu.enqueue_indirect_dma source(%dma_start3A_1749 : memref<100000x128xf32, #tpu.memory_space<hbm>>) target(%arg8 : memref<128x128xf32, #tpu.memory_space<vmem>>) offsets(%dma_start3A_1746 : memref<128xi32, #tpu.memory_space<vmem>>) semaphore(%arg13 : memref<!tpu.dma_semaphore, #tpu.memory_space<semaphore_mem>>)
      %gt3A_1750 = arith.constant 0 : i32
      %gt3A_1751 = arith.cmpi sgt, %scan3A_1725, %gt3A_1750 : i32
      %convert_element_type3A_1752 = arith.extui %gt3A_1751 : i1 to i32
      %cond3A_1753 = arith.constant 0 : i32
      %cond3A_1754 = arith.cmpi ne, %convert_element_type3A_1752, %cond3A_1753 : i32
      scf.if %cond3A_1754 {
        %dma_wait3A_1868 = arith.constant 0 : i32
        %dma_wait3A_1869 = tpu.memref_slice %arg4[%mul3A_2, %dma_wait3A_1868] : memref<819200x128xf32, #tpu.memory_space<hbm>> -> memref<128x128xf32, #tpu.memory_space<hbm>>
        %dma_wait3A_1870 = arith.constant 0 : i32
        %dma_wait3A_1871 = tpu.memref_slice %arg4[%mul3A_2, %dma_wait3A_1870] : memref<819200x128xf32, #tpu.memory_space<hbm>> -> memref<128x128xf32, #tpu.memory_space<hbm>>
        tpu.wait_dma2 semaphore(%arg19 : memref<!tpu.dma_semaphore, #tpu.memory_space<semaphore_mem>>) src(%arg9 : memref<128x128xf32, #tpu.memory_space<vmem>>) dst(%dma_wait3A_1871 : memref<128x128xf32, #tpu.memory_space<hbm>>)
      } else {
      }
      %add3A_1755 = arith.constant 2 : i32
      %add3A_1756 = arith.addi %mul3A_1727, %add3A_1755 : i32
      %mul3A_1757 = arith.constant 128 : i32
      %mul3A_1758 = arith.muli %add3A_1756, %mul3A_1757 : i32
      %dma_start3A_1759 = tpu.memref_slice %arg5[%mul3A_1758] : memref<25600xi32, #tpu.memory_space<vmem>> -> memref<128xi32, #tpu.memory_space<vmem>>
      %dma_start3A_1760 = arith.constant 0 : i32
      %dma_start3A_1761 = arith.constant 0 : i32
      %dma_start3A_1762 = tpu.memref_slice %arg2[%dma_start3A_1760, %dma_start3A_1761] : memref<100000x128xf32, #tpu.memory_space<hbm>> -> memref<100000x128xf32, #tpu.memory_space<hbm>>
      tpu.enqueue_indirect_dma source(%dma_start3A_1762 : memref<100000x128xf32, #tpu.memory_space<hbm>>) target(%arg9 : memref<128x128xf32, #tpu.memory_space<vmem>>) offsets(%dma_start3A_1759 : memref<128xi32, #tpu.memory_space<vmem>>) semaphore(%arg14 : memref<!tpu.dma_semaphore, #tpu.memory_space<semaphore_mem>>)
      %gt3A_1763 = arith.constant 0 : i32
      %gt3A_1764 = arith.cmpi sgt, %scan3A_1725, %gt3A_1763 : i32
      %convert_element_type3A_1765 = arith.extui %gt3A_1764 : i1 to i32
      %cond3A_1766 = arith.constant 0 : i32
      %cond3A_1767 = arith.cmpi ne, %convert_element_type3A_1765, %cond3A_1766 : i32
      scf.if %cond3A_1767 {
        %dma_wait3A_1868 = arith.constant 0 : i32
        %dma_wait3A_1869 = tpu.memref_slice %arg4[%mul3A_2, %dma_wait3A_1868] : memref<819200x128xf32, #tpu.memory_space<hbm>> -> memref<128x128xf32, #tpu.memory_space<hbm>>
        %dma_wait3A_1870 = arith.constant 0 : i32
        %dma_wait3A_1871 = tpu.memref_slice %arg4[%mul3A_2, %dma_wait3A_1870] : memref<819200x128xf32, #tpu.memory_space<hbm>> -> memref<128x128xf32, #tpu.memory_space<hbm>>
        tpu.wait_dma2 semaphore(%arg20 : memref<!tpu.dma_semaphore, #tpu.memory_space<semaphore_mem>>) src(%arg10 : memref<128x128xf32, #tpu.memory_space<vmem>>) dst(%dma_wait3A_1871 : memref<128x128xf32, #tpu.memory_space<hbm>>)
      } else {
      }
      %add3A_1768 = arith.constant 3 : i32
      %add3A_1769 = arith.addi %mul3A_1727, %add3A_1768 : i32
      %mul3A_1770 = arith.constant 128 : i32
      %mul3A_1771 = arith.muli %add3A_1769, %mul3A_1770 : i32
      %dma_start3A_1772 = tpu.memref_slice %arg5[%mul3A_1771] : memref<25600xi32, #tpu.memory_space<vmem>> -> memref<128xi32, #tpu.memory_space<vmem>>
      %dma_start3A_1773 = arith.constant 0 : i32
      %dma_start3A_1774 = arith.constant 0 : i32
      %dma_start3A_1775 = tpu.memref_slice %arg2[%dma_start3A_1773, %dma_start3A_1774] : memref<100000x128xf32, #tpu.memory_space<hbm>> -> memref<100000x128xf32, #tpu.memory_space<hbm>>
      tpu.enqueue_indirect_dma source(%dma_start3A_1775 : memref<100000x128xf32, #tpu.memory_space<hbm>>) target(%arg10 : memref<128x128xf32, #tpu.memory_space<vmem>>) offsets(%dma_start3A_1772 : memref<128xi32, #tpu.memory_space<vmem>>) semaphore(%arg15 : memref<!tpu.dma_semaphore, #tpu.memory_space<semaphore_mem>>)
      %gt3A_1776 = arith.constant 0 : i32
      %gt3A_1777 = arith.cmpi sgt, %scan3A_1725, %gt3A_1776 : i32
      %convert_element_type3A_1778 = arith.extui %gt3A_1777 : i1 to i32
      %cond3A_1779 = arith.constant 0 : i32
      %cond3A_1780 = arith.cmpi ne, %convert_element_type3A_1778, %cond3A_1779 : i32
      scf.if %cond3A_1780 {
        %dma_wait3A_1868 = arith.constant 0 : i32
        %dma_wait3A_1869 = tpu.memref_slice %arg4[%mul3A_2, %dma_wait3A_1868] : memref<819200x128xf32, #tpu.memory_space<hbm>> -> memref<128x128xf32, #tpu.memory_space<hbm>>
        %dma_wait3A_1870 = arith.constant 0 : i32
        %dma_wait3A_1871 = tpu.memref_slice %arg4[%mul3A_2, %dma_wait3A_1870] : memref<819200x128xf32, #tpu.memory_space<hbm>> -> memref<128x128xf32, #tpu.memory_space<hbm>>
        tpu.wait_dma2 semaphore(%arg21 : memref<!tpu.dma_semaphore, #tpu.memory_space<semaphore_mem>>) src(%arg11 : memref<128x128xf32, #tpu.memory_space<vmem>>) dst(%dma_wait3A_1871 : memref<128x128xf32, #tpu.memory_space<hbm>>)
      } else {
      }
      %add3A_1781 = arith.constant 4 : i32
      %add3A_1782 = arith.addi %mul3A_1727, %add3A_1781 : i32
      %mul3A_1783 = arith.constant 128 : i32
      %mul3A_1784 = arith.muli %add3A_1782, %mul3A_1783 : i32
      %dma_start3A_1785 = tpu.memref_slice %arg5[%mul3A_1784] : memref<25600xi32, #tpu.memory_space<vmem>> -> memref<128xi32, #tpu.memory_space<vmem>>
      %dma_start3A_1786 = arith.constant 0 : i32
      %dma_start3A_1787 = arith.constant 0 : i32
      %dma_start3A_1788 = tpu.memref_slice %arg2[%dma_start3A_1786, %dma_start3A_1787] : memref<100000x128xf32, #tpu.memory_space<hbm>> -> memref<100000x128xf32, #tpu.memory_space<hbm>>
      tpu.enqueue_indirect_dma source(%dma_start3A_1788 : memref<100000x128xf32, #tpu.memory_space<hbm>>) target(%arg11 : memref<128x128xf32, #tpu.memory_space<vmem>>) offsets(%dma_start3A_1785 : memref<128xi32, #tpu.memory_space<vmem>>) semaphore(%arg16 : memref<!tpu.dma_semaphore, #tpu.memory_space<semaphore_mem>>)
      %dma_wait3A_1789 = tpu.memref_slice %arg5[%mul3A_1733] : memref<25600xi32, #tpu.memory_space<vmem>> -> memref<128xi32, #tpu.memory_space<vmem>>
      %dma_wait3A_1790 = arith.constant 0 : i32
      %dma_wait3A_1791 = arith.constant 0 : i32
      %dma_wait3A_1792 = tpu.memref_slice %arg2[%dma_wait3A_1790, %dma_wait3A_1791] : memref<100000x128xf32, #tpu.memory_space<hbm>> -> memref<100000x128xf32, #tpu.memory_space<hbm>>
      tpu.wait_indirect_dma semaphore(%arg12 : memref<!tpu.dma_semaphore, #tpu.memory_space<semaphore_mem>>) src(%dma_wait3A_1792 : memref<100000x128xf32, #tpu.memory_space<hbm>>) dst(%arg7 : memref<128x128xf32, #tpu.memory_space<vmem>>)
      %parallel_loop3A = arith.constant 0 : i32
      %parallel_loop3A_1793 = arith.constant 128 : i32
      %parallel_loop3A_1794 = arith.constant 1 : i32
      scf.for %parallel_loop3A_1868 = %parallel_loop3A to %parallel_loop3A_1793 step %parallel_loop3A_1794  : i32 {
        %parallel_loop3A_1869 = arith.index_cast %parallel_loop3A_1868 : i32 to index
        %parallel_loop3A_1870 = arith.constant 0 : index
        %parallel_loop3A_1871 = tpu.vector_load %arg7[%parallel_loop3A_1869, %parallel_loop3A_1870] {strides = array<i32>} : memref<128x128xf32, #tpu.memory_space<vmem>>, vector<1x16xf32>,
        %parallel_loop3A_1872 = vector.shape_cast %parallel_loop3A_1871 : vector<1x16xf32> to vector<16xf32>
        %parallel_loop3A_1873 = arith.addf %parallel_loop3A_1872, %get3A_1665 : vector<16xf32>
        %parallel_loop3A_1874 = arith.index_cast %parallel_loop3A_1868 : i32 to index
        %parallel_loop3A_1875 = arith.constant 0 : index
        %parallel_loop3A_1876 = tpu.vector_load %arg7[%parallel_loop3A_1874, %parallel_loop3A_1875] {strides = array<i32>} : memref<128x128xf32, #tpu.memory_space<vmem>>, vector<1x16xf32>,
        %parallel_loop3A_1877 = vector.shape_cast %parallel_loop3A_1876 : vector<1x16xf32> to vector<16xf32>
        %parallel_loop3A_1878 = vector.shape_cast %parallel_loop3A_1873 : vector<16xf32> to vector<1x16xf32>
        tpu.vector_store %arg7[%parallel_loop3A_1874, %parallel_loop3A_1875], %parallel_loop3A_1878 {strides = array<i32>} : memref<128x128xf32, #tpu.memory_space<vmem>>, vector<1x16xf32>,
        %parallel_loop3A_1879 = arith.index_cast %parallel_loop3A_1868 : i32 to index
        %parallel_loop3A_1880 = arith.constant 16 : index
        %parallel_loop3A_1881 = tpu.vector_load %arg7[%parallel_loop3A_1879, %parallel_loop3A_1880] {strides = array<i32>} : memref<128x128xf32, #tpu.memory_space<vmem>>, vector<1x16xf32>,
        %parallel_loop3A_1882 = vector.shape_cast %parallel_loop3A_1881 : vector<1x16xf32> to vector<16xf32>
        %parallel_loop3A_1883 = arith.addf %parallel_loop3A_1882, %get3A_1670 : vector<16xf32>
        %parallel_loop3A_1884 = arith.index_cast %parallel_loop3A_1868 : i32 to index
        %parallel_loop3A_1885 = arith.constant 16 : index
        %parallel_loop3A_1886 = tpu.vector_load %arg7[%parallel_loop3A_1884, %parallel_loop3A_1885] {strides = array<i32>} : memref<128x128xf32, #tpu.memory_space<vmem>>, vector<1x16xf32>,
        %parallel_loop3A_1887 = vector.shape_cast %parallel_loop3A_1886 : vector<1x16xf32> to vector<16xf32>
        %parallel_loop3A_1888 = vector.shape_cast %parallel_loop3A_1883 : vector<16xf32> to vector<1x16xf32>
        tpu.vector_store %arg7[%parallel_loop3A_1884, %parallel_loop3A_1885], %parallel_loop3A_1888 {strides = array<i32>} : memref<128x128xf32, #tpu.memory_space<vmem>>, vector<1x16xf32>,
        %parallel_loop3A_1889 = arith.index_cast %parallel_loop3A_1868 : i32 to index
        %parallel_loop3A_1890 = arith.constant 32 : index
        %parallel_loop3A_1891 = tpu.vector_load %arg7[%parallel_loop3A_1889, %parallel_loop3A_1890] {strides = array<i32>} : memref<128x128xf32, #tpu.memory_space<vmem>>, vector<1x16xf32>,
        %parallel_loop3A_1892 = vector.shape_cast %parallel_loop3A_1891 : vector<1x16xf32> to vector<16xf32>
        %parallel_loop3A_1893 = arith.addf %parallel_loop3A_1892, %get3A_1675 : vector<16xf32>
        %parallel_loop3A_1894 = arith.index_cast %parallel_loop3A_1868 : i32 to index
        %parallel_loop3A_1895 = arith.constant 32 : index
        %parallel_loop3A_1896 = tpu.vector_load %arg7[%parallel_loop3A_1894, %parallel_loop3A_1895] {strides = array<i32>} : memref<128x128xf32, #tpu.memory_space<vmem>>, vector<1x16xf32>,
        %parallel_loop3A_1897 = vector.shape_cast %parallel_loop3A_1896 : vector<1x16xf32> to vector<16xf32>
        %parallel_loop3A_1898 = vector.shape_cast %parallel_loop3A_1893 : vector<16xf32> to vector<1x16xf32>
        tpu.vector_store %arg7[%parallel_loop3A_1894, %parallel_loop3A_1895], %parallel_loop3A_1898 {strides = array<i32>} : memref<128x128xf32, #tpu.memory_space<vmem>>, vector<1x16xf32>,
        %parallel_loop3A_1899 = arith.index_cast %parallel_loop3A_1868 : i32 to index
        %parallel_loop3A_1900 = arith.constant 48 : index
        %parallel_loop3A_1901 = tpu.vector_load %arg7[%parallel_loop3A_1899, %parallel_loop3A_1900] {strides = array<i32>} : memref<128x128xf32, #tpu.memory_space<vmem>>, vector<1x16xf32>,
        %parallel_loop3A_1902 = vector.shape_cast %parallel_loop3A_1901 : vector<1x16xf32> to vector<16xf32>
        %parallel_loop3A_1903 = arith.addf %parallel_loop3A_1902, %get3A_1680 : vector<16xf32>
        %parallel_loop3A_1904 = arith.index_cast %parallel_loop3A_1868 : i32 to index
        %parallel_loop3A_1905 = arith.constant 48 : index
        %parallel_loop3A_1906 = tpu.vector_load %arg7[%parallel_loop3A_1904, %parallel_loop3A_1905] {strides = array<i32>} : memref<128x128xf32, #tpu.memory_space<vmem>>, vector<1x16xf32>,
        %parallel_loop3A_1907 = vector.shape_cast %parallel_loop3A_1906 : vector<1x16xf32> to vector<16xf32>
        %parallel_loop3A_1908 = vector.shape_cast %parallel_loop3A_1903 : vector<16xf32> to vector<1x16xf32>
        tpu.vector_store %arg7[%parallel_loop3A_1904, %parallel_loop3A_1905], %parallel_loop3A_1908 {strides = array<i32>} : memref<128x128xf32, #tpu.memory_space<vmem>>, vector<1x16xf32>,
        %parallel_loop3A_1909 = arith.index_cast %parallel_loop3A_1868 : i32 to index
        %parallel_loop3A_1910 = arith.constant 64 : index
        %parallel_loop3A_1911 = tpu.vector_load %arg7[%parallel_loop3A_1909, %parallel_loop3A_1910] {strides = array<i32>} : memref<128x128xf32, #tpu.memory_space<vmem>>, vector<1x16xf32>,
        %parallel_loop3A_1912 = vector.shape_cast %parallel_loop3A_1911 : vector<1x16xf32> to vector<16xf32>
        %parallel_loop3A_1913 = arith.addf %parallel_loop3A_1912, %get3A_1685 : vector<16xf32>
        %parallel_loop3A_1914 = arith.index_cast %parallel_loop3A_1868 : i32 to index
        %parallel_loop3A_1915 = arith.constant 64 : index
        %parallel_loop3A_1916 = tpu.vector_load %arg7[%parallel_loop3A_1914, %parallel_loop3A_1915] {strides = array<i32>} : memref<128x128xf32, #tpu.memory_space<vmem>>, vector<1x16xf32>,
        %parallel_loop3A_1917 = vector.shape_cast %parallel_loop3A_1916 : vector<1x16xf32> to vector<16xf32>
        %parallel_loop3A_1918 = vector.shape_cast %parallel_loop3A_1913 : vector<16xf32> to vector<1x16xf32>
        tpu.vector_store %arg7[%parallel_loop3A_1914, %parallel_loop3A_1915], %parallel_loop3A_1918 {strides = array<i32>} : memref<128x128xf32, #tpu.memory_space<vmem>>, vector<1x16xf32>,
        %parallel_loop3A_1919 = arith.index_cast %parallel_loop3A_1868 : i32 to index
        %parallel_loop3A_1920 = arith.constant 80 : index
        %parallel_loop3A_1921 = tpu.vector_load %arg7[%parallel_loop3A_1919, %parallel_loop3A_1920] {strides = array<i32>} : memref<128x128xf32, #tpu.memory_space<vmem>>, vector<1x16xf32>,
        %parallel_loop3A_1922 = vector.shape_cast %parallel_loop3A_1921 : vector<1x16xf32> to vector<16xf32>
        %parallel_loop3A_1923 = arith.addf %parallel_loop3A_1922, %get3A_1690 : vector<16xf32>
        %parallel_loop3A_1924 = arith.index_cast %parallel_loop3A_1868 : i32 to index
        %parallel_loop3A_1925 = arith.constant 80 : index
        %parallel_loop3A_1926 = tpu.vector_load %arg7[%parallel_loop3A_1924, %parallel_loop3A_1925] {strides = array<i32>} : memref<128x128xf32, #tpu.memory_space<vmem>>, vector<1x16xf32>,
        %parallel_loop3A_1927 = vector.shape_cast %parallel_loop3A_1926 : vector<1x16xf32> to vector<16xf32>
        %parallel_loop3A_1928 = vector.shape_cast %parallel_loop3A_1923 : vector<16xf32> to vector<1x16xf32>
        tpu.vector_store %arg7[%parallel_loop3A_1924, %parallel_loop3A_1925], %parallel_loop3A_1928 {strides = array<i32>} : memref<128x128xf32, #tpu.memory_space<vmem>>, vector<1x16xf32>,
        %parallel_loop3A_1929 = arith.index_cast %parallel_loop3A_1868 : i32 to index
        %parallel_loop3A_1930 = arith.constant 96 : index
        %parallel_loop3A_1931 = tpu.vector_load %arg7[%parallel_loop3A_1929, %parallel_loop3A_1930] {strides = array<i32>} : memref<128x128xf32, #tpu.memory_space<vmem>>, vector<1x16xf32>,
        %parallel_loop3A_1932 = vector.shape_cast %parallel_loop3A_1931 : vector<1x16xf32> to vector<16xf32>
        %parallel_loop3A_1933 = arith.addf %parallel_loop3A_1932, %get3A_1695 : vector<16xf32>
        %parallel_loop3A_1934 = arith.index_cast %parallel_loop3A_1868 : i32 to index
        %parallel_loop3A_1935 = arith.constant 96 : index
        %parallel_loop3A_1936 = tpu.vector_load %arg7[%parallel_loop3A_1934, %parallel_loop3A_1935] {strides = array<i32>} : memref<128x128xf32, #tpu.memory_space<vmem>>, vector<1x16xf32>,
        %parallel_loop3A_1937 = vector.shape_cast %parallel_loop3A_1936 : vector<1x16xf32> to vector<16xf32>
        %parallel_loop3A_1938 = vector.shape_cast %parallel_loop3A_1933 : vector<16xf32> to vector<1x16xf32>
        tpu.vector_store %arg7[%parallel_loop3A_1934, %parallel_loop3A_1935], %parallel_loop3A_1938 {strides = array<i32>} : memref<128x128xf32, #tpu.memory_space<vmem>>, vector<1x16xf32>,
        %parallel_loop3A_1939 = arith.index_cast %parallel_loop3A_1868 : i32 to index
        %parallel_loop3A_1940 = arith.constant 112 : index
        %parallel_loop3A_1941 = tpu.vector_load %arg7[%parallel_loop3A_1939, %parallel_loop3A_1940] {strides = array<i32>} : memref<128x128xf32, #tpu.memory_space<vmem>>, vector<1x16xf32>,
        %parallel_loop3A_1942 = vector.shape_cast %parallel_loop3A_1941 : vector<1x16xf32> to vector<16xf32>
        %parallel_loop3A_1943 = arith.addf %parallel_loop3A_1942, %get3A_1700 : vector<16xf32>
        %parallel_loop3A_1944 = arith.index_cast %parallel_loop3A_1868 : i32 to index
        %parallel_loop3A_1945 = arith.constant 112 : index
        %parallel_loop3A_1946 = tpu.vector_load %arg7[%parallel_loop3A_1944, %parallel_loop3A_1945] {strides = array<i32>} : memref<128x128xf32, #tpu.memory_space<vmem>>, vector<1x16xf32>,
        %parallel_loop3A_1947 = vector.shape_cast %parallel_loop3A_1946 : vector<1x16xf32> to vector<16xf32>
        %parallel_loop3A_1948 = vector.shape_cast %parallel_loop3A_1943 : vector<16xf32> to vector<1x16xf32>
        tpu.vector_store %arg7[%parallel_loop3A_1944, %parallel_loop3A_1945], %parallel_loop3A_1948 {strides = array<i32>} : memref<128x128xf32, #tpu.memory_space<vmem>>, vector<1x16xf32>,
      } {sc.loop_unroll_factor = 2 : i64, sc.parallel_access}
      %add3A_1795 = arith.constant 0 : i32
      %add3A_1796 = arith.addi %mul3A_1727, %add3A_1795 : i32
      %mul3A_1797 = arith.constant 128 : i32
      %mul3A_1798 = arith.muli %add3A_1796, %mul3A_1797 : i32
      %add3A_1799 = arith.addi %mul3A_2, %mul3A_1798 : i32
      %dma_start3A_1800 = arith.constant 0 : i32
      %dma_start3A_1801 = tpu.memref_slice %arg4[%add3A_1799, %dma_start3A_1800] : memref<819200x128xf32, #tpu.memory_space<hbm>> -> memref<128x128xf32, #tpu.memory_space<hbm>>
      %dma_start3A_1802 = arith.constant 0 : i32
      %dma_start3A_1803 = tpu.memref_slice %arg4[%add3A_1799, %dma_start3A_1802] : memref<819200x128xf32, #tpu.memory_space<hbm>> -> memref<128x128xf32, #tpu.memory_space<hbm>>
      tpu.enqueue_dma source(%arg7 : memref<128x128xf32, #tpu.memory_space<vmem>>) target(%dma_start3A_1803 : memref<128x128xf32, #tpu.memory_space<hbm>>) target_semaphore(%arg17 : memref<!tpu.dma_semaphore, #tpu.memory_space<semaphore_mem>>)
      %dma_wait3A_1804 = tpu.memref_slice %arg5[%mul3A_1745] : memref<25600xi32, #tpu.memory_space<vmem>> -> memref<128xi32, #tpu.memory_space<vmem>>
      %dma_wait3A_1805 = arith.constant 0 : i32
      %dma_wait3A_1806 = arith.constant 0 : i32
      %dma_wait3A_1807 = tpu.memref_slice %arg2[%dma_wait3A_1805, %dma_wait3A_1806] : memref<100000x128xf32, #tpu.memory_space<hbm>> -> memref<100000x128xf32, #tpu.memory_space<hbm>>
      tpu.wait_indirect_dma semaphore(%arg13 : memref<!tpu.dma_semaphore, #tpu.memory_space<semaphore_mem>>) src(%dma_wait3A_1807 : memref<100000x128xf32, #tpu.memory_space<hbm>>) dst(%arg8 : memref<128x128xf32, #tpu.memory_space<vmem>>)
      %parallel_loop3A_1808 = arith.constant 0 : i32
      %parallel_loop3A_1809 = arith.constant 128 : i32
      %parallel_loop3A_1810 = arith.constant 1 : i32
      scf.for %parallel_loop3A_1868 = %parallel_loop3A_1808 to %parallel_loop3A_1809 step %parallel_loop3A_1810  : i32 {
        %parallel_loop3A_1869 = arith.index_cast %parallel_loop3A_1868 : i32 to index
        %parallel_loop3A_1870 = arith.constant 0 : index
        %parallel_loop3A_1871 = tpu.vector_load %arg8[%parallel_loop3A_1869, %parallel_loop3A_1870] {strides = array<i32>} : memref<128x128xf32, #tpu.memory_space<vmem>>, vector<1x16xf32>,
        %parallel_loop3A_1872 = vector.shape_cast %parallel_loop3A_1871 : vector<1x16xf32> to vector<16xf32>
        %parallel_loop3A_1873 = arith.addf %parallel_loop3A_1872, %get3A_1665 : vector<16xf32>
        %parallel_loop3A_1874 = arith.index_cast %parallel_loop3A_1868 : i32 to index
        %parallel_loop3A_1875 = arith.constant 0 : index
        %parallel_loop3A_1876 = tpu.vector_load %arg8[%parallel_loop3A_1874, %parallel_loop3A_1875] {strides = array<i32>} : memref<128x128xf32, #tpu.memory_space<vmem>>, vector<1x16xf32>,
        %parallel_loop3A_1877 = vector.shape_cast %parallel_loop3A_1876 : vector<1x16xf32> to vector<16xf32>
        %parallel_loop3A_1878 = vector.shape_cast %parallel_loop3A_1873 : vector<16xf32> to vector<1x16xf32>
        tpu.vector_store %arg8[%parallel_loop3A_1874, %parallel_loop3A_1875], %parallel_loop3A_1878 {strides = array<i32>} : memref<128x128xf32, #tpu.memory_space<vmem>>, vector<1x16xf32>,
        %parallel_loop3A_1879 = arith.index_cast %parallel_loop3A_1868 : i32 to index
        %parallel_loop3A_1880 = arith.constant 16 : index
        %parallel_loop3A_1881 = tpu.vector_load %arg8[%parallel_loop3A_1879, %parallel_loop3A_1880] {strides = array<i32>} : memref<128x128xf32, #tpu.memory_space<vmem>>, vector<1x16xf32>,
        %parallel_loop3A_1882 = vector.shape_cast %parallel_loop3A_1881 : vector<1x16xf32> to vector<16xf32>
        %parallel_loop3A_1883 = arith.addf %parallel_loop3A_1882, %get3A_1670 : vector<16xf32>
        %parallel_loop3A_1884 = arith.index_cast %parallel_loop3A_1868 : i32 to index
        %parallel_loop3A_1885 = arith.constant 16 : index
        %parallel_loop3A_1886 = tpu.vector_load %arg8[%parallel_loop3A_1884, %parallel_loop3A_1885] {strides = array<i32>} : memref<128x128xf32, #tpu.memory_space<vmem>>, vector<1x16xf32>,
        %parallel_loop3A_1887 = vector.shape_cast %parallel_loop3A_1886 : vector<1x16xf32> to vector<16xf32>
        %parallel_loop3A_1888 = vector.shape_cast %parallel_loop3A_1883 : vector<16xf32> to vector<1x16xf32>
        tpu.vector_store %arg8[%parallel_loop3A_1884, %parallel_loop3A_1885], %parallel_loop3A_1888 {strides = array<i32>} : memref<128x128xf32, #tpu.memory_space<vmem>>, vector<1x16xf32>,
        %parallel_loop3A_1889 = arith.index_cast %parallel_loop3A_1868 : i32 to index
        %parallel_loop3A_1890 = arith.constant 32 : index
        %parallel_loop3A_1891 = tpu.vector_load %arg8[%parallel_loop3A_1889, %parallel_loop3A_1890] {strides = array<i32>} : memref<128x128xf32, #tpu.memory_space<vmem>>, vector<1x16xf32>,
        %parallel_loop3A_1892 = vector.shape_cast %parallel_loop3A_1891 : vector<1x16xf32> to vector<16xf32>
        %parallel_loop3A_1893 = arith.addf %parallel_loop3A_1892, %get3A_1675 : vector<16xf32>
        %parallel_loop3A_1894 = arith.index_cast %parallel_loop3A_1868 : i32 to index
        %parallel_loop3A_1895 = arith.constant 32 : index
        %parallel_loop3A_1896 = tpu.vector_load %arg8[%parallel_loop3A_1894, %parallel_loop3A_1895] {strides = array<i32>} : memref<128x128xf32, #tpu.memory_space<vmem>>, vector<1x16xf32>,
        %parallel_loop3A_1897 = vector.shape_cast %parallel_loop3A_1896 : vector<1x16xf32> to vector<16xf32>
        %parallel_loop3A_1898 = vector.shape_cast %parallel_loop3A_1893 : vector<16xf32> to vector<1x16xf32>
        tpu.vector_store %arg8[%parallel_loop3A_1894, %parallel_loop3A_1895], %parallel_loop3A_1898 {strides = array<i32>} : memref<128x128xf32, #tpu.memory_space<vmem>>, vector<1x16xf32>,
        %parallel_loop3A_1899 = arith.index_cast %parallel_loop3A_1868 : i32 to index
        %parallel_loop3A_1900 = arith.constant 48 : index
        %parallel_loop3A_1901 = tpu.vector_load %arg8[%parallel_loop3A_1899, %parallel_loop3A_1900] {strides = array<i32>} : memref<128x128xf32, #tpu.memory_space<vmem>>, vector<1x16xf32>,
        %parallel_loop3A_1902 = vector.shape_cast %parallel_loop3A_1901 : vector<1x16xf32> to vector<16xf32>
        %parallel_loop3A_1903 = arith.addf %parallel_loop3A_1902, %get3A_1680 : vector<16xf32>
        %parallel_loop3A_1904 = arith.index_cast %parallel_loop3A_1868 : i32 to index
        %parallel_loop3A_1905 = arith.constant 48 : index
        %parallel_loop3A_1906 = tpu.vector_load %arg8[%parallel_loop3A_1904, %parallel_loop3A_1905] {strides = array<i32>} : memref<128x128xf32, #tpu.memory_space<vmem>>, vector<1x16xf32>,
        %parallel_loop3A_1907 = vector.shape_cast %parallel_loop3A_1906 : vector<1x16xf32> to vector<16xf32>
        %parallel_loop3A_1908 = vector.shape_cast %parallel_loop3A_1903 : vector<16xf32> to vector<1x16xf32>
        tpu.vector_store %arg8[%parallel_loop3A_1904, %parallel_loop3A_1905], %parallel_loop3A_1908 {strides = array<i32>} : memref<128x128xf32, #tpu.memory_space<vmem>>, vector<1x16xf32>,
        %parallel_loop3A_1909 = arith.index_cast %parallel_loop3A_1868 : i32 to index
        %parallel_loop3A_1910 = arith.constant 64 : index
        %parallel_loop3A_1911 = tpu.vector_load %arg8[%parallel_loop3A_1909, %parallel_loop3A_1910] {strides = array<i32>} : memref<128x128xf32, #tpu.memory_space<vmem>>, vector<1x16xf32>,
        %parallel_loop3A_1912 = vector.shape_cast %parallel_loop3A_1911 : vector<1x16xf32> to vector<16xf32>
        %parallel_loop3A_1913 = arith.addf %parallel_loop3A_1912, %get3A_1685 : vector<16xf32>
        %parallel_loop3A_1914 = arith.index_cast %parallel_loop3A_1868 : i32 to index
        %parallel_loop3A_1915 = arith.constant 64 : index
        %parallel_loop3A_1916 = tpu.vector_load %arg8[%parallel_loop3A_1914, %parallel_loop3A_1915] {strides = array<i32>} : memref<128x128xf32, #tpu.memory_space<vmem>>, vector<1x16xf32>,
        %parallel_loop3A_1917 = vector.shape_cast %parallel_loop3A_1916 : vector<1x16xf32> to vector<16xf32>
        %parallel_loop3A_1918 = vector.shape_cast %parallel_loop3A_1913 : vector<16xf32> to vector<1x16xf32>
        tpu.vector_store %arg8[%parallel_loop3A_1914, %parallel_loop3A_1915], %parallel_loop3A_1918 {strides = array<i32>} : memref<128x128xf32, #tpu.memory_space<vmem>>, vector<1x16xf32>,
        %parallel_loop3A_1919 = arith.index_cast %parallel_loop3A_1868 : i32 to index
        %parallel_loop3A_1920 = arith.constant 80 : index
        %parallel_loop3A_1921 = tpu.vector_load %arg8[%parallel_loop3A_1919, %parallel_loop3A_1920] {strides = array<i32>} : memref<128x128xf32, #tpu.memory_space<vmem>>, vector<1x16xf32>,
        %parallel_loop3A_1922 = vector.shape_cast %parallel_loop3A_1921 : vector<1x16xf32> to vector<16xf32>
        %parallel_loop3A_1923 = arith.addf %parallel_loop3A_1922, %get3A_1690 : vector<16xf32>
        %parallel_loop3A_1924 = arith.index_cast %parallel_loop3A_1868 : i32 to index
        %parallel_loop3A_1925 = arith.constant 80 : index
        %parallel_loop3A_1926 = tpu.vector_load %arg8[%parallel_loop3A_1924, %parallel_loop3A_1925] {strides = array<i32>} : memref<128x128xf32, #tpu.memory_space<vmem>>, vector<1x16xf32>,
        %parallel_loop3A_1927 = vector.shape_cast %parallel_loop3A_1926 : vector<1x16xf32> to vector<16xf32>
        %parallel_loop3A_1928 = vector.shape_cast %parallel_loop3A_1923 : vector<16xf32> to vector<1x16xf32>
        tpu.vector_store %arg8[%parallel_loop3A_1924, %parallel_loop3A_1925], %parallel_loop3A_1928 {strides = array<i32>} : memref<128x128xf32, #tpu.memory_space<vmem>>, vector<1x16xf32>,
        %parallel_loop3A_1929 = arith.index_cast %parallel_loop3A_1868 : i32 to index
        %parallel_loop3A_1930 = arith.constant 96 : index
        %parallel_loop3A_1931 = tpu.vector_load %arg8[%parallel_loop3A_1929, %parallel_loop3A_1930] {strides = array<i32>} : memref<128x128xf32, #tpu.memory_space<vmem>>, vector<1x16xf32>,
        %parallel_loop3A_1932 = vector.shape_cast %parallel_loop3A_1931 : vector<1x16xf32> to vector<16xf32>
        %parallel_loop3A_1933 = arith.addf %parallel_loop3A_1932, %get3A_1695 : vector<16xf32>
        %parallel_loop3A_1934 = arith.index_cast %parallel_loop3A_1868 : i32 to index
        %parallel_loop3A_1935 = arith.constant 96 : index
        %parallel_loop3A_1936 = tpu.vector_load %arg8[%parallel_loop3A_1934, %parallel_loop3A_1935] {strides = array<i32>} : memref<128x128xf32, #tpu.memory_space<vmem>>, vector<1x16xf32>,
        %parallel_loop3A_1937 = vector.shape_cast %parallel_loop3A_1936 : vector<1x16xf32> to vector<16xf32>
        %parallel_loop3A_1938 = vector.shape_cast %parallel_loop3A_1933 : vector<16xf32> to vector<1x16xf32>
        tpu.vector_store %arg8[%parallel_loop3A_1934, %parallel_loop3A_1935], %parallel_loop3A_1938 {strides = array<i32>} : memref<128x128xf32, #tpu.memory_space<vmem>>, vector<1x16xf32>,
        %parallel_loop3A_1939 = arith.index_cast %parallel_loop3A_1868 : i32 to index
        %parallel_loop3A_1940 = arith.constant 112 : index
        %parallel_loop3A_1941 = tpu.vector_load %arg8[%parallel_loop3A_1939, %parallel_loop3A_1940] {strides = array<i32>} : memref<128x128xf32, #tpu.memory_space<vmem>>, vector<1x16xf32>,
        %parallel_loop3A_1942 = vector.shape_cast %parallel_loop3A_1941 : vector<1x16xf32> to vector<16xf32>
        %parallel_loop3A_1943 = arith.addf %parallel_loop3A_1942, %get3A_1700 : vector<16xf32>
        %parallel_loop3A_1944 = arith.index_cast %parallel_loop3A_1868 : i32 to index
        %parallel_loop3A_1945 = arith.constant 112 : index
        %parallel_loop3A_1946 = tpu.vector_load %arg8[%parallel_loop3A_1944, %parallel_loop3A_1945] {strides = array<i32>} : memref<128x128xf32, #tpu.memory_space<vmem>>, vector<1x16xf32>,
        %parallel_loop3A_1947 = vector.shape_cast %parallel_loop3A_1946 : vector<1x16xf32> to vector<16xf32>
        %parallel_loop3A_1948 = vector.shape_cast %parallel_loop3A_1943 : vector<16xf32> to vector<1x16xf32>
        tpu.vector_store %arg8[%parallel_loop3A_1944, %parallel_loop3A_1945], %parallel_loop3A_1948 {strides = array<i32>} : memref<128x128xf32, #tpu.memory_space<vmem>>, vector<1x16xf32>,
      } {sc.loop_unroll_factor = 2 : i64, sc.parallel_access}
      %add3A_1811 = arith.constant 1 : i32
      %add3A_1812 = arith.addi %mul3A_1727, %add3A_1811 : i32
      %mul3A_1813 = arith.constant 128 : i32
      %mul3A_1814 = arith.muli %add3A_1812, %mul3A_1813 : i32
      %add3A_1815 = arith.addi %mul3A_2, %mul3A_1814 : i32
      %dma_start3A_1816 = arith.constant 0 : i32
      %dma_start3A_1817 = tpu.memref_slice %arg4[%add3A_1815, %dma_start3A_1816] : memref<819200x128xf32, #tpu.memory_space<hbm>> -> memref<128x128xf32, #tpu.memory_space<hbm>>
      %dma_start3A_1818 = arith.constant 0 : i32
      %dma_start3A_1819 = tpu.memref_slice %arg4[%add3A_1815, %dma_start3A_1818] : memref<819200x128xf32, #tpu.memory_space<hbm>> -> memref<128x128xf32, #tpu.memory_space<hbm>>
      tpu.enqueue_dma source(%arg8 : memref<128x128xf32, #tpu.memory_space<vmem>>) target(%dma_start3A_1819 : memref<128x128xf32, #tpu.memory_space<hbm>>) target_semaphore(%arg18 : memref<!tpu.dma_semaphore, #tpu.memory_space<semaphore_mem>>)
      %dma_wait3A_1820 = tpu.memref_slice %arg5[%mul3A_1758] : memref<25600xi32, #tpu.memory_space<vmem>> -> memref<128xi32, #tpu.memory_space<vmem>>
      %dma_wait3A_1821 = arith.constant 0 : i32
      %dma_wait3A_1822 = arith.constant 0 : i32
      %dma_wait3A_1823 = tpu.memref_slice %arg2[%dma_wait3A_1821, %dma_wait3A_1822] : memref<100000x128xf32, #tpu.memory_space<hbm>> -> memref<100000x128xf32, #tpu.memory_space<hbm>>
      tpu.wait_indirect_dma semaphore(%arg14 : memref<!tpu.dma_semaphore, #tpu.memory_space<semaphore_mem>>) src(%dma_wait3A_1823 : memref<100000x128xf32, #tpu.memory_space<hbm>>) dst(%arg9 : memref<128x128xf32, #tpu.memory_space<vmem>>)
      %parallel_loop3A_1824 = arith.constant 0 : i32
      %parallel_loop3A_1825 = arith.constant 128 : i32
      %parallel_loop3A_1826 = arith.constant 1 : i32
      scf.for %parallel_loop3A_1868 = %parallel_loop3A_1824 to %parallel_loop3A_1825 step %parallel_loop3A_1826  : i32 {
        %parallel_loop3A_1869 = arith.index_cast %parallel_loop3A_1868 : i32 to index
        %parallel_loop3A_1870 = arith.constant 0 : index
        %parallel_loop3A_1871 = tpu.vector_load %arg9[%parallel_loop3A_1869, %parallel_loop3A_1870] {strides = array<i32>} : memref<128x128xf32, #tpu.memory_space<vmem>>, vector<1x16xf32>,
        %parallel_loop3A_1872 = vector.shape_cast %parallel_loop3A_1871 : vector<1x16xf32> to vector<16xf32>
        %parallel_loop3A_1873 = arith.addf %parallel_loop3A_1872, %get3A_1665 : vector<16xf32>
        %parallel_loop3A_1874 = arith.index_cast %parallel_loop3A_1868 : i32 to index
        %parallel_loop3A_1875 = arith.constant 0 : index
        %parallel_loop3A_1876 = tpu.vector_load %arg9[%parallel_loop3A_1874, %parallel_loop3A_1875] {strides = array<i32>} : memref<128x128xf32, #tpu.memory_space<vmem>>, vector<1x16xf32>,
        %parallel_loop3A_1877 = vector.shape_cast %parallel_loop3A_1876 : vector<1x16xf32> to vector<16xf32>
        %parallel_loop3A_1878 = vector.shape_cast %parallel_loop3A_1873 : vector<16xf32> to vector<1x16xf32>
        tpu.vector_store %arg9[%parallel_loop3A_1874, %parallel_loop3A_1875], %parallel_loop3A_1878 {strides = array<i32>} : memref<128x128xf32, #tpu.memory_space<vmem>>, vector<1x16xf32>,
        %parallel_loop3A_1879 = arith.index_cast %parallel_loop3A_1868 : i32 to index
        %parallel_loop3A_1880 = arith.constant 16 : index
        %parallel_loop3A_1881 = tpu.vector_load %arg9[%parallel_loop3A_1879, %parallel_loop3A_1880] {strides = array<i32>} : memref<128x128xf32, #tpu.memory_space<vmem>>, vector<1x16xf32>,
        %parallel_loop3A_1882 = vector.shape_cast %parallel_loop3A_1881 : vector<1x16xf32> to vector<16xf32>
        %parallel_loop3A_1883 = arith.addf %parallel_loop3A_1882, %get3A_1670 : vector<16xf32>
        %parallel_loop3A_1884 = arith.index_cast %parallel_loop3A_1868 : i32 to index
        %parallel_loop3A_1885 = arith.constant 16 : index
        %parallel_loop3A_1886 = tpu.vector_load %arg9[%parallel_loop3A_1884, %parallel_loop3A_1885] {strides = array<i32>} : memref<128x128xf32, #tpu.memory_space<vmem>>, vector<1x16xf32>,
        %parallel_loop3A_1887 = vector.shape_cast %parallel_loop3A_1886 : vector<1x16xf32> to vector<16xf32>
        %parallel_loop3A_1888 = vector.shape_cast %parallel_loop3A_1883 : vector<16xf32> to vector<1x16xf32>
        tpu.vector_store %arg9[%parallel_loop3A_1884, %parallel_loop3A_1885], %parallel_loop3A_1888 {strides = array<i32>} : memref<128x128xf32, #tpu.memory_space<vmem>>, vector<1x16xf32>,
        %parallel_loop3A_1889 = arith.index_cast %parallel_loop3A_1868 : i32 to index
        %parallel_loop3A_1890 = arith.constant 32 : index
        %parallel_loop3A_1891 = tpu.vector_load %arg9[%parallel_loop3A_1889, %parallel_loop3A_1890] {strides = array<i32>} : memref<128x128xf32, #tpu.memory_space<vmem>>, vector<1x16xf32>,
        %parallel_loop3A_1892 = vector.shape_cast %parallel_loop3A_1891 : vector<1x16xf32> to vector<16xf32>
        %parallel_loop3A_1893 = arith.addf %parallel_loop3A_1892, %get3A_1675 : vector<16xf32>
        %parallel_loop3A_1894 = arith.index_cast %parallel_loop3A_1868 : i32 to index
        %parallel_loop3A_1895 = arith.constant 32 : index
        %parallel_loop3A_1896 = tpu.vector_load %arg9[%parallel_loop3A_1894, %parallel_loop3A_1895] {strides = array<i32>} : memref<128x128xf32, #tpu.memory_space<vmem>>, vector<1x16xf32>,
        %parallel_loop3A_1897 = vector.shape_cast %parallel_loop3A_1896 : vector<1x16xf32> to vector<16xf32>
        %parallel_loop3A_1898 = vector.shape_cast %parallel_loop3A_1893 : vector<16xf32> to vector<1x16xf32>
        tpu.vector_store %arg9[%parallel_loop3A_1894, %parallel_loop3A_1895], %parallel_loop3A_1898 {strides = array<i32>} : memref<128x128xf32, #tpu.memory_space<vmem>>, vector<1x16xf32>,
        %parallel_loop3A_1899 = arith.index_cast %parallel_loop3A_1868 : i32 to index
        %parallel_loop3A_1900 = arith.constant 48 : index
        %parallel_loop3A_1901 = tpu.vector_load %arg9[%parallel_loop3A_1899, %parallel_loop3A_1900] {strides = array<i32>} : memref<128x128xf32, #tpu.memory_space<vmem>>, vector<1x16xf32>,
        %parallel_loop3A_1902 = vector.shape_cast %parallel_loop3A_1901 : vector<1x16xf32> to vector<16xf32>
        %parallel_loop3A_1903 = arith.addf %parallel_loop3A_1902, %get3A_1680 : vector<16xf32>
        %parallel_loop3A_1904 = arith.index_cast %parallel_loop3A_1868 : i32 to index
        %parallel_loop3A_1905 = arith.constant 48 : index
        %parallel_loop3A_1906 = tpu.vector_load %arg9[%parallel_loop3A_1904, %parallel_loop3A_1905] {strides = array<i32>} : memref<128x128xf32, #tpu.memory_space<vmem>>, vector<1x16xf32>,
        %parallel_loop3A_1907 = vector.shape_cast %parallel_loop3A_1906 : vector<1x16xf32> to vector<16xf32>
        %parallel_loop3A_1908 = vector.shape_cast %parallel_loop3A_1903 : vector<16xf32> to vector<1x16xf32>
        tpu.vector_store %arg9[%parallel_loop3A_1904, %parallel_loop3A_1905], %parallel_loop3A_1908 {strides = array<i32>} : memref<128x128xf32, #tpu.memory_space<vmem>>, vector<1x16xf32>,
        %parallel_loop3A_1909 = arith.index_cast %parallel_loop3A_1868 : i32 to index
        %parallel_loop3A_1910 = arith.constant 64 : index
        %parallel_loop3A_1911 = tpu.vector_load %arg9[%parallel_loop3A_1909, %parallel_loop3A_1910] {strides = array<i32>} : memref<128x128xf32, #tpu.memory_space<vmem>>, vector<1x16xf32>,
        %parallel_loop3A_1912 = vector.shape_cast %parallel_loop3A_1911 : vector<1x16xf32> to vector<16xf32>
        %parallel_loop3A_1913 = arith.addf %parallel_loop3A_1912, %get3A_1685 : vector<16xf32>
        %parallel_loop3A_1914 = arith.index_cast %parallel_loop3A_1868 : i32 to index
        %parallel_loop3A_1915 = arith.constant 64 : index
        %parallel_loop3A_1916 = tpu.vector_load %arg9[%parallel_loop3A_1914, %parallel_loop3A_1915] {strides = array<i32>} : memref<128x128xf32, #tpu.memory_space<vmem>>, vector<1x16xf32>,
        %parallel_loop3A_1917 = vector.shape_cast %parallel_loop3A_1916 : vector<1x16xf32> to vector<16xf32>
        %parallel_loop3A_1918 = vector.shape_cast %parallel_loop3A_1913 : vector<16xf32> to vector<1x16xf32>
        tpu.vector_store %arg9[%parallel_loop3A_1914, %parallel_loop3A_1915], %parallel_loop3A_1918 {strides = array<i32>} : memref<128x128xf32, #tpu.memory_space<vmem>>, vector<1x16xf32>,
        %parallel_loop3A_1919 = arith.index_cast %parallel_loop3A_1868 : i32 to index
        %parallel_loop3A_1920 = arith.constant 80 : index
        %parallel_loop3A_1921 = tpu.vector_load %arg9[%parallel_loop3A_1919, %parallel_loop3A_1920] {strides = array<i32>} : memref<128x128xf32, #tpu.memory_space<vmem>>, vector<1x16xf32>,
        %parallel_loop3A_1922 = vector.shape_cast %parallel_loop3A_1921 : vector<1x16xf32> to vector<16xf32>
        %parallel_loop3A_1923 = arith.addf %parallel_loop3A_1922, %get3A_1690 : vector<16xf32>
        %parallel_loop3A_1924 = arith.index_cast %parallel_loop3A_1868 : i32 to index
        %parallel_loop3A_1925 = arith.constant 80 : index
        %parallel_loop3A_1926 = tpu.vector_load %arg9[%parallel_loop3A_1924, %parallel_loop3A_1925] {strides = array<i32>} : memref<128x128xf32, #tpu.memory_space<vmem>>, vector<1x16xf32>,
        %parallel_loop3A_1927 = vector.shape_cast %parallel_loop3A_1926 : vector<1x16xf32> to vector<16xf32>
        %parallel_loop3A_1928 = vector.shape_cast %parallel_loop3A_1923 : vector<16xf32> to vector<1x16xf32>
        tpu.vector_store %arg9[%parallel_loop3A_1924, %parallel_loop3A_1925], %parallel_loop3A_1928 {strides = array<i32>} : memref<128x128xf32, #tpu.memory_space<vmem>>, vector<1x16xf32>,
        %parallel_loop3A_1929 = arith.index_cast %parallel_loop3A_1868 : i32 to index
        %parallel_loop3A_1930 = arith.constant 96 : index
        %parallel_loop3A_1931 = tpu.vector_load %arg9[%parallel_loop3A_1929, %parallel_loop3A_1930] {strides = array<i32>} : memref<128x128xf32, #tpu.memory_space<vmem>>, vector<1x16xf32>,
        %parallel_loop3A_1932 = vector.shape_cast %parallel_loop3A_1931 : vector<1x16xf32> to vector<16xf32>
        %parallel_loop3A_1933 = arith.addf %parallel_loop3A_1932, %get3A_1695 : vector<16xf32>
        %parallel_loop3A_1934 = arith.index_cast %parallel_loop3A_1868 : i32 to index
        %parallel_loop3A_1935 = arith.constant 96 : index
        %parallel_loop3A_1936 = tpu.vector_load %arg9[%parallel_loop3A_1934, %parallel_loop3A_1935] {strides = array<i32>} : memref<128x128xf32, #tpu.memory_space<vmem>>, vector<1x16xf32>,
        %parallel_loop3A_1937 = vector.shape_cast %parallel_loop3A_1936 : vector<1x16xf32> to vector<16xf32>
        %parallel_loop3A_1938 = vector.shape_cast %parallel_loop3A_1933 : vector<16xf32> to vector<1x16xf32>
        tpu.vector_store %arg9[%parallel_loop3A_1934, %parallel_loop3A_1935], %parallel_loop3A_1938 {strides = array<i32>} : memref<128x128xf32, #tpu.memory_space<vmem>>, vector<1x16xf32>,
        %parallel_loop3A_1939 = arith.index_cast %parallel_loop3A_1868 : i32 to index
        %parallel_loop3A_1940 = arith.constant 112 : index
        %parallel_loop3A_1941 = tpu.vector_load %arg9[%parallel_loop3A_1939, %parallel_loop3A_1940] {strides = array<i32>} : memref<128x128xf32, #tpu.memory_space<vmem>>, vector<1x16xf32>,
        %parallel_loop3A_1942 = vector.shape_cast %parallel_loop3A_1941 : vector<1x16xf32> to vector<16xf32>
        %parallel_loop3A_1943 = arith.addf %parallel_loop3A_1942, %get3A_1700 : vector<16xf32>
        %parallel_loop3A_1944 = arith.index_cast %parallel_loop3A_1868 : i32 to index
        %parallel_loop3A_1945 = arith.constant 112 : index
        %parallel_loop3A_1946 = tpu.vector_load %arg9[%parallel_loop3A_1944, %parallel_loop3A_1945] {strides = array<i32>} : memref<128x128xf32, #tpu.memory_space<vmem>>, vector<1x16xf32>,
        %parallel_loop3A_1947 = vector.shape_cast %parallel_loop3A_1946 : vector<1x16xf32> to vector<16xf32>
        %parallel_loop3A_1948 = vector.shape_cast %parallel_loop3A_1943 : vector<16xf32> to vector<1x16xf32>
        tpu.vector_store %arg9[%parallel_loop3A_1944, %parallel_loop3A_1945], %parallel_loop3A_1948 {strides = array<i32>} : memref<128x128xf32, #tpu.memory_space<vmem>>, vector<1x16xf32>,
      } {sc.loop_unroll_factor = 2 : i64, sc.parallel_access}
      %add3A_1827 = arith.constant 2 : i32
      %add3A_1828 = arith.addi %mul3A_1727, %add3A_1827 : i32
      %mul3A_1829 = arith.constant 128 : i32
      %mul3A_1830 = arith.muli %add3A_1828, %mul3A_1829 : i32
      %add3A_1831 = arith.addi %mul3A_2, %mul3A_1830 : i32
      %dma_start3A_1832 = arith.constant 0 : i32
      %dma_start3A_1833 = tpu.memref_slice %arg4[%add3A_1831, %dma_start3A_1832] : memref<819200x128xf32, #tpu.memory_space<hbm>> -> memref<128x128xf32, #tpu.memory_space<hbm>>
      %dma_start3A_1834 = arith.constant 0 : i32
      %dma_start3A_1835 = tpu.memref_slice %arg4[%add3A_1831, %dma_start3A_1834] : memref<819200x128xf32, #tpu.memory_space<hbm>> -> memref<128x128xf32, #tpu.memory_space<hbm>>
      tpu.enqueue_dma source(%arg9 : memref<128x128xf32, #tpu.memory_space<vmem>>) target(%dma_start3A_1835 : memref<128x128xf32, #tpu.memory_space<hbm>>) target_semaphore(%arg19 : memref<!tpu.dma_semaphore, #tpu.memory_space<semaphore_mem>>)
      %dma_wait3A_1836 = tpu.memref_slice %arg5[%mul3A_1771] : memref<25600xi32, #tpu.memory_space<vmem>> -> memref<128xi32, #tpu.memory_space<vmem>>
      %dma_wait3A_1837 = arith.constant 0 : i32
      %dma_wait3A_1838 = arith.constant 0 : i32
      %dma_wait3A_1839 = tpu.memref_slice %arg2[%dma_wait3A_1837, %dma_wait3A_1838] : memref<100000x128xf32, #tpu.memory_space<hbm>> -> memref<100000x128xf32, #tpu.memory_space<hbm>>
      tpu.wait_indirect_dma semaphore(%arg15 : memref<!tpu.dma_semaphore, #tpu.memory_space<semaphore_mem>>) src(%dma_wait3A_1839 : memref<100000x128xf32, #tpu.memory_space<hbm>>) dst(%arg10 : memref<128x128xf32, #tpu.memory_space<vmem>>)
      %parallel_loop3A_1840 = arith.constant 0 : i32
      %parallel_loop3A_1841 = arith.constant 128 : i32
      %parallel_loop3A_1842 = arith.constant 1 : i32
      scf.for %parallel_loop3A_1868 = %parallel_loop3A_1840 to %parallel_loop3A_1841 step %parallel_loop3A_1842  : i32 {
        %parallel_loop3A_1869 = arith.index_cast %parallel_loop3A_1868 : i32 to index
        %parallel_loop3A_1870 = arith.constant 0 : index
        %parallel_loop3A_1871 = tpu.vector_load %arg10[%parallel_loop3A_1869, %parallel_loop3A_1870] {strides = array<i32>} : memref<128x128xf32, #tpu.memory_space<vmem>>, vector<1x16xf32>,
        %parallel_loop3A_1872 = vector.shape_cast %parallel_loop3A_1871 : vector<1x16xf32> to vector<16xf32>
        %parallel_loop3A_1873 = arith.addf %parallel_loop3A_1872, %get3A_1665 : vector<16xf32>
        %parallel_loop3A_1874 = arith.index_cast %parallel_loop3A_1868 : i32 to index
        %parallel_loop3A_1875 = arith.constant 0 : index
        %parallel_loop3A_1876 = tpu.vector_load %arg10[%parallel_loop3A_1874, %parallel_loop3A_1875] {strides = array<i32>} : memref<128x128xf32, #tpu.memory_space<vmem>>, vector<1x16xf32>,
        %parallel_loop3A_1877 = vector.shape_cast %parallel_loop3A_1876 : vector<1x16xf32> to vector<16xf32>
        %parallel_loop3A_1878 = vector.shape_cast %parallel_loop3A_1873 : vector<16xf32> to vector<1x16xf32>
        tpu.vector_store %arg10[%parallel_loop3A_1874, %parallel_loop3A_1875], %parallel_loop3A_1878 {strides = array<i32>} : memref<128x128xf32, #tpu.memory_space<vmem>>, vector<1x16xf32>,
        %parallel_loop3A_1879 = arith.index_cast %parallel_loop3A_1868 : i32 to index
        %parallel_loop3A_1880 = arith.constant 16 : index
        %parallel_loop3A_1881 = tpu.vector_load %arg10[%parallel_loop3A_1879, %parallel_loop3A_1880] {strides = array<i32>} : memref<128x128xf32, #tpu.memory_space<vmem>>, vector<1x16xf32>,
        %parallel_loop3A_1882 = vector.shape_cast %parallel_loop3A_1881 : vector<1x16xf32> to vector<16xf32>
        %parallel_loop3A_1883 = arith.addf %parallel_loop3A_1882, %get3A_1670 : vector<16xf32>
        %parallel_loop3A_1884 = arith.index_cast %parallel_loop3A_1868 : i32 to index
        %parallel_loop3A_1885 = arith.constant 16 : index
        %parallel_loop3A_1886 = tpu.vector_load %arg10[%parallel_loop3A_1884, %parallel_loop3A_1885] {strides = array<i32>} : memref<128x128xf32, #tpu.memory_space<vmem>>, vector<1x16xf32>,
        %parallel_loop3A_1887 = vector.shape_cast %parallel_loop3A_1886 : vector<1x16xf32> to vector<16xf32>
        %parallel_loop3A_1888 = vector.shape_cast %parallel_loop3A_1883 : vector<16xf32> to vector<1x16xf32>
        tpu.vector_store %arg10[%parallel_loop3A_1884, %parallel_loop3A_1885], %parallel_loop3A_1888 {strides = array<i32>} : memref<128x128xf32, #tpu.memory_space<vmem>>, vector<1x16xf32>,
        %parallel_loop3A_1889 = arith.index_cast %parallel_loop3A_1868 : i32 to index
        %parallel_loop3A_1890 = arith.constant 32 : index
        %parallel_loop3A_1891 = tpu.vector_load %arg10[%parallel_loop3A_1889, %parallel_loop3A_1890] {strides = array<i32>} : memref<128x128xf32, #tpu.memory_space<vmem>>, vector<1x16xf32>,
        %parallel_loop3A_1892 = vector.shape_cast %parallel_loop3A_1891 : vector<1x16xf32> to vector<16xf32>
        %parallel_loop3A_1893 = arith.addf %parallel_loop3A_1892, %get3A_1675 : vector<16xf32>
        %parallel_loop3A_1894 = arith.index_cast %parallel_loop3A_1868 : i32 to index
        %parallel_loop3A_1895 = arith.constant 32 : index
        %parallel_loop3A_1896 = tpu.vector_load %arg10[%parallel_loop3A_1894, %parallel_loop3A_1895] {strides = array<i32>} : memref<128x128xf32, #tpu.memory_space<vmem>>, vector<1x16xf32>,
        %parallel_loop3A_1897 = vector.shape_cast %parallel_loop3A_1896 : vector<1x16xf32> to vector<16xf32>
        %parallel_loop3A_1898 = vector.shape_cast %parallel_loop3A_1893 : vector<16xf32> to vector<1x16xf32>
        tpu.vector_store %arg10[%parallel_loop3A_1894, %parallel_loop3A_1895], %parallel_loop3A_1898 {strides = array<i32>} : memref<128x128xf32, #tpu.memory_space<vmem>>, vector<1x16xf32>,
        %parallel_loop3A_1899 = arith.index_cast %parallel_loop3A_1868 : i32 to index
        %parallel_loop3A_1900 = arith.constant 48 : index
        %parallel_loop3A_1901 = tpu.vector_load %arg10[%parallel_loop3A_1899, %parallel_loop3A_1900] {strides = array<i32>} : memref<128x128xf32, #tpu.memory_space<vmem>>, vector<1x16xf32>,
        %parallel_loop3A_1902 = vector.shape_cast %parallel_loop3A_1901 : vector<1x16xf32> to vector<16xf32>
        %parallel_loop3A_1903 = arith.addf %parallel_loop3A_1902, %get3A_1680 : vector<16xf32>
        %parallel_loop3A_1904 = arith.index_cast %parallel_loop3A_1868 : i32 to index
        %parallel_loop3A_1905 = arith.constant 48 : index
        %parallel_loop3A_1906 = tpu.vector_load %arg10[%parallel_loop3A_1904, %parallel_loop3A_1905] {strides = array<i32>} : memref<128x128xf32, #tpu.memory_space<vmem>>, vector<1x16xf32>,
        %parallel_loop3A_1907 = vector.shape_cast %parallel_loop3A_1906 : vector<1x16xf32> to vector<16xf32>
        %parallel_loop3A_1908 = vector.shape_cast %parallel_loop3A_1903 : vector<16xf32> to vector<1x16xf32>
        tpu.vector_store %arg10[%parallel_loop3A_1904, %parallel_loop3A_1905], %parallel_loop3A_1908 {strides = array<i32>} : memref<128x128xf32, #tpu.memory_space<vmem>>, vector<1x16xf32>,
        %parallel_loop3A_1909 = arith.index_cast %parallel_loop3A_1868 : i32 to index
        %parallel_loop3A_1910 = arith.constant 64 : index
        %parallel_loop3A_1911 = tpu.vector_load %arg10[%parallel_loop3A_1909, %parallel_loop3A_1910] {strides = array<i32>} : memref<128x128xf32, #tpu.memory_space<vmem>>, vector<1x16xf32>,
        %parallel_loop3A_1912 = vector.shape_cast %parallel_loop3A_1911 : vector<1x16xf32> to vector<16xf32>
        %parallel_loop3A_1913 = arith.addf %parallel_loop3A_1912, %get3A_1685 : vector<16xf32>
        %parallel_loop3A_1914 = arith.index_cast %parallel_loop3A_1868 : i32 to index
        %parallel_loop3A_1915 = arith.constant 64 : index
        %parallel_loop3A_1916 = tpu.vector_load %arg10[%parallel_loop3A_1914, %parallel_loop3A_1915] {strides = array<i32>} : memref<128x128xf32, #tpu.memory_space<vmem>>, vector<1x16xf32>,
        %parallel_loop3A_1917 = vector.shape_cast %parallel_loop3A_1916 : vector<1x16xf32> to vector<16xf32>
        %parallel_loop3A_1918 = vector.shape_cast %parallel_loop3A_1913 : vector<16xf32> to vector<1x16xf32>
        tpu.vector_store %arg10[%parallel_loop3A_1914, %parallel_loop3A_1915], %parallel_loop3A_1918 {strides = array<i32>} : memref<128x128xf32, #tpu.memory_space<vmem>>, vector<1x16xf32>,
        %parallel_loop3A_1919 = arith.index_cast %parallel_loop3A_1868 : i32 to index
        %parallel_loop3A_1920 = arith.constant 80 : index
        %parallel_loop3A_1921 = tpu.vector_load %arg10[%parallel_loop3A_1919, %parallel_loop3A_1920] {strides = array<i32>} : memref<128x128xf32, #tpu.memory_space<vmem>>, vector<1x16xf32>,
        %parallel_loop3A_1922 = vector.shape_cast %parallel_loop3A_1921 : vector<1x16xf32> to vector<16xf32>
        %parallel_loop3A_1923 = arith.addf %parallel_loop3A_1922, %get3A_1690 : vector<16xf32>
        %parallel_loop3A_1924 = arith.index_cast %parallel_loop3A_1868 : i32 to index
        %parallel_loop3A_1925 = arith.constant 80 : index
        %parallel_loop3A_1926 = tpu.vector_load %arg10[%parallel_loop3A_1924, %parallel_loop3A_1925] {strides = array<i32>} : memref<128x128xf32, #tpu.memory_space<vmem>>, vector<1x16xf32>,
        %parallel_loop3A_1927 = vector.shape_cast %parallel_loop3A_1926 : vector<1x16xf32> to vector<16xf32>
        %parallel_loop3A_1928 = vector.shape_cast %parallel_loop3A_1923 : vector<16xf32> to vector<1x16xf32>
        tpu.vector_store %arg10[%parallel_loop3A_1924, %parallel_loop3A_1925], %parallel_loop3A_1928 {strides = array<i32>} : memref<128x128xf32, #tpu.memory_space<vmem>>, vector<1x16xf32>,
        %parallel_loop3A_1929 = arith.index_cast %parallel_loop3A_1868 : i32 to index
        %parallel_loop3A_1930 = arith.constant 96 : index
        %parallel_loop3A_1931 = tpu.vector_load %arg10[%parallel_loop3A_1929, %parallel_loop3A_1930] {strides = array<i32>} : memref<128x128xf32, #tpu.memory_space<vmem>>, vector<1x16xf32>,
        %parallel_loop3A_1932 = vector.shape_cast %parallel_loop3A_1931 : vector<1x16xf32> to vector<16xf32>
        %parallel_loop3A_1933 = arith.addf %parallel_loop3A_1932, %get3A_1695 : vector<16xf32>
        %parallel_loop3A_1934 = arith.index_cast %parallel_loop3A_1868 : i32 to index
        %parallel_loop3A_1935 = arith.constant 96 : index
        %parallel_loop3A_1936 = tpu.vector_load %arg10[%parallel_loop3A_1934, %parallel_loop3A_1935] {strides = array<i32>} : memref<128x128xf32, #tpu.memory_space<vmem>>, vector<1x16xf32>,
        %parallel_loop3A_1937 = vector.shape_cast %parallel_loop3A_1936 : vector<1x16xf32> to vector<16xf32>
        %parallel_loop3A_1938 = vector.shape_cast %parallel_loop3A_1933 : vector<16xf32> to vector<1x16xf32>
        tpu.vector_store %arg10[%parallel_loop3A_1934, %parallel_loop3A_1935], %parallel_loop3A_1938 {strides = array<i32>} : memref<128x128xf32, #tpu.memory_space<vmem>>, vector<1x16xf32>,
        %parallel_loop3A_1939 = arith.index_cast %parallel_loop3A_1868 : i32 to index
        %parallel_loop3A_1940 = arith.constant 112 : index
        %parallel_loop3A_1941 = tpu.vector_load %arg10[%parallel_loop3A_1939, %parallel_loop3A_1940] {strides = array<i32>} : memref<128x128xf32, #tpu.memory_space<vmem>>, vector<1x16xf32>,
        %parallel_loop3A_1942 = vector.shape_cast %parallel_loop3A_1941 : vector<1x16xf32> to vector<16xf32>
        %parallel_loop3A_1943 = arith.addf %parallel_loop3A_1942, %get3A_1700 : vector<16xf32>
        %parallel_loop3A_1944 = arith.index_cast %parallel_loop3A_1868 : i32 to index
        %parallel_loop3A_1945 = arith.constant 112 : index
        %parallel_loop3A_1946 = tpu.vector_load %arg10[%parallel_loop3A_1944, %parallel_loop3A_1945] {strides = array<i32>} : memref<128x128xf32, #tpu.memory_space<vmem>>, vector<1x16xf32>,
        %parallel_loop3A_1947 = vector.shape_cast %parallel_loop3A_1946 : vector<1x16xf32> to vector<16xf32>
        %parallel_loop3A_1948 = vector.shape_cast %parallel_loop3A_1943 : vector<16xf32> to vector<1x16xf32>
        tpu.vector_store %arg10[%parallel_loop3A_1944, %parallel_loop3A_1945], %parallel_loop3A_1948 {strides = array<i32>} : memref<128x128xf32, #tpu.memory_space<vmem>>, vector<1x16xf32>,
      } {sc.loop_unroll_factor = 2 : i64, sc.parallel_access}
      %add3A_1843 = arith.constant 3 : i32
      %add3A_1844 = arith.addi %mul3A_1727, %add3A_1843 : i32
      %mul3A_1845 = arith.constant 128 : i32
      %mul3A_1846 = arith.muli %add3A_1844, %mul3A_1845 : i32
      %add3A_1847 = arith.addi %mul3A_2, %mul3A_1846 : i32
      %dma_start3A_1848 = arith.constant 0 : i32
      %dma_start3A_1849 = tpu.memref_slice %arg4[%add3A_1847, %dma_start3A_1848] : memref<819200x128xf32, #tpu.memory_space<hbm>> -> memref<128x128xf32, #tpu.memory_space<hbm>>
      %dma_start3A_1850 = arith.constant 0 : i32
      %dma_start3A_1851 = tpu.memref_slice %arg4[%add3A_1847, %dma_start3A_1850] : memref<819200x128xf32, #tpu.memory_space<hbm>> -> memref<128x128xf32, #tpu.memory_space<hbm>>
      tpu.enqueue_dma source(%arg10 : memref<128x128xf32, #tpu.memory_space<vmem>>) target(%dma_start3A_1851 : memref<128x128xf32, #tpu.memory_space<hbm>>) target_semaphore(%arg20 : memref<!tpu.dma_semaphore, #tpu.memory_space<semaphore_mem>>)
      %dma_wait3A_1852 = tpu.memref_slice %arg5[%mul3A_1784] : memref<25600xi32, #tpu.memory_space<vmem>> -> memref<128xi32, #tpu.memory_space<vmem>>
      %dma_wait3A_1853 = arith.constant 0 : i32
      %dma_wait3A_1854 = arith.constant 0 : i32
      %dma_wait3A_1855 = tpu.memref_slice %arg2[%dma_wait3A_1853, %dma_wait3A_1854] : memref<100000x128xf32, #tpu.memory_space<hbm>> -> memref<100000x128xf32, #tpu.memory_space<hbm>>
      tpu.wait_indirect_dma semaphore(%arg16 : memref<!tpu.dma_semaphore, #tpu.memory_space<semaphore_mem>>) src(%dma_wait3A_1855 : memref<100000x128xf32, #tpu.memory_space<hbm>>) dst(%arg11 : memref<128x128xf32, #tpu.memory_space<vmem>>)
      %parallel_loop3A_1856 = arith.constant 0 : i32
      %parallel_loop3A_1857 = arith.constant 128 : i32
      %parallel_loop3A_1858 = arith.constant 1 : i32
      scf.for %parallel_loop3A_1868 = %parallel_loop3A_1856 to %parallel_loop3A_1857 step %parallel_loop3A_1858  : i32 {
        %parallel_loop3A_1869 = arith.index_cast %parallel_loop3A_1868 : i32 to index
        %parallel_loop3A_1870 = arith.constant 0 : index
        %parallel_loop3A_1871 = tpu.vector_load %arg11[%parallel_loop3A_1869, %parallel_loop3A_1870] {strides = array<i32>} : memref<128x128xf32, #tpu.memory_space<vmem>>, vector<1x16xf32>,
        %parallel_loop3A_1872 = vector.shape_cast %parallel_loop3A_1871 : vector<1x16xf32> to vector<16xf32>
        %parallel_loop3A_1873 = arith.addf %parallel_loop3A_1872, %get3A_1665 : vector<16xf32>
        %parallel_loop3A_1874 = arith.index_cast %parallel_loop3A_1868 : i32 to index
        %parallel_loop3A_1875 = arith.constant 0 : index
        %parallel_loop3A_1876 = tpu.vector_load %arg11[%parallel_loop3A_1874, %parallel_loop3A_1875] {strides = array<i32>} : memref<128x128xf32, #tpu.memory_space<vmem>>, vector<1x16xf32>,
        %parallel_loop3A_1877 = vector.shape_cast %parallel_loop3A_1876 : vector<1x16xf32> to vector<16xf32>
        %parallel_loop3A_1878 = vector.shape_cast %parallel_loop3A_1873 : vector<16xf32> to vector<1x16xf32>
        tpu.vector_store %arg11[%parallel_loop3A_1874, %parallel_loop3A_1875], %parallel_loop3A_1878 {strides = array<i32>} : memref<128x128xf32, #tpu.memory_space<vmem>>, vector<1x16xf32>,
        %parallel_loop3A_1879 = arith.index_cast %parallel_loop3A_1868 : i32 to index
        %parallel_loop3A_1880 = arith.constant 16 : index
        %parallel_loop3A_1881 = tpu.vector_load %arg11[%parallel_loop3A_1879, %parallel_loop3A_1880] {strides = array<i32>} : memref<128x128xf32, #tpu.memory_space<vmem>>, vector<1x16xf32>,
        %parallel_loop3A_1882 = vector.shape_cast %parallel_loop3A_1881 : vector<1x16xf32> to vector<16xf32>
        %parallel_loop3A_1883 = arith.addf %parallel_loop3A_1882, %get3A_1670 : vector<16xf32>
        %parallel_loop3A_1884 = arith.index_cast %parallel_loop3A_1868 : i32 to index
        %parallel_loop3A_1885 = arith.constant 16 : index
        %parallel_loop3A_1886 = tpu.vector_load %arg11[%parallel_loop3A_1884, %parallel_loop3A_1885] {strides = array<i32>} : memref<128x128xf32, #tpu.memory_space<vmem>>, vector<1x16xf32>,
        %parallel_loop3A_1887 = vector.shape_cast %parallel_loop3A_1886 : vector<1x16xf32> to vector<16xf32>
        %parallel_loop3A_1888 = vector.shape_cast %parallel_loop3A_1883 : vector<16xf32> to vector<1x16xf32>
        tpu.vector_store %arg11[%parallel_loop3A_1884, %parallel_loop3A_1885], %parallel_loop3A_1888 {strides = array<i32>} : memref<128x128xf32, #tpu.memory_space<vmem>>, vector<1x16xf32>,
        %parallel_loop3A_1889 = arith.index_cast %parallel_loop3A_1868 : i32 to index
        %parallel_loop3A_1890 = arith.constant 32 : index
        %parallel_loop3A_1891 = tpu.vector_load %arg11[%parallel_loop3A_1889, %parallel_loop3A_1890] {strides = array<i32>} : memref<128x128xf32, #tpu.memory_space<vmem>>, vector<1x16xf32>,
        %parallel_loop3A_1892 = vector.shape_cast %parallel_loop3A_1891 : vector<1x16xf32> to vector<16xf32>
        %parallel_loop3A_1893 = arith.addf %parallel_loop3A_1892, %get3A_1675 : vector<16xf32>
        %parallel_loop3A_1894 = arith.index_cast %parallel_loop3A_1868 : i32 to index
        %parallel_loop3A_1895 = arith.constant 32 : index
        %parallel_loop3A_1896 = tpu.vector_load %arg11[%parallel_loop3A_1894, %parallel_loop3A_1895] {strides = array<i32>} : memref<128x128xf32, #tpu.memory_space<vmem>>, vector<1x16xf32>,
        %parallel_loop3A_1897 = vector.shape_cast %parallel_loop3A_1896 : vector<1x16xf32> to vector<16xf32>
        %parallel_loop3A_1898 = vector.shape_cast %parallel_loop3A_1893 : vector<16xf32> to vector<1x16xf32>
        tpu.vector_store %arg11[%parallel_loop3A_1894, %parallel_loop3A_1895], %parallel_loop3A_1898 {strides = array<i32>} : memref<128x128xf32, #tpu.memory_space<vmem>>, vector<1x16xf32>,
        %parallel_loop3A_1899 = arith.index_cast %parallel_loop3A_1868 : i32 to index
        %parallel_loop3A_1900 = arith.constant 48 : index
        %parallel_loop3A_1901 = tpu.vector_load %arg11[%parallel_loop3A_1899, %parallel_loop3A_1900] {strides = array<i32>} : memref<128x128xf32, #tpu.memory_space<vmem>>, vector<1x16xf32>,
        %parallel_loop3A_1902 = vector.shape_cast %parallel_loop3A_1901 : vector<1x16xf32> to vector<16xf32>
        %parallel_loop3A_1903 = arith.addf %parallel_loop3A_1902, %get3A_1680 : vector<16xf32>
        %parallel_loop3A_1904 = arith.index_cast %parallel_loop3A_1868 : i32 to index
        %parallel_loop3A_1905 = arith.constant 48 : index
        %parallel_loop3A_1906 = tpu.vector_load %arg11[%parallel_loop3A_1904, %parallel_loop3A_1905] {strides = array<i32>} : memref<128x128xf32, #tpu.memory_space<vmem>>, vector<1x16xf32>,
        %parallel_loop3A_1907 = vector.shape_cast %parallel_loop3A_1906 : vector<1x16xf32> to vector<16xf32>
        %parallel_loop3A_1908 = vector.shape_cast %parallel_loop3A_1903 : vector<16xf32> to vector<1x16xf32>
        tpu.vector_store %arg11[%parallel_loop3A_1904, %parallel_loop3A_1905], %parallel_loop3A_1908 {strides = array<i32>} : memref<128x128xf32, #tpu.memory_space<vmem>>, vector<1x16xf32>,
        %parallel_loop3A_1909 = arith.index_cast %parallel_loop3A_1868 : i32 to index
        %parallel_loop3A_1910 = arith.constant 64 : index
        %parallel_loop3A_1911 = tpu.vector_load %arg11[%parallel_loop3A_1909, %parallel_loop3A_1910] {strides = array<i32>} : memref<128x128xf32, #tpu.memory_space<vmem>>, vector<1x16xf32>,
        %parallel_loop3A_1912 = vector.shape_cast %parallel_loop3A_1911 : vector<1x16xf32> to vector<16xf32>
        %parallel_loop3A_1913 = arith.addf %parallel_loop3A_1912, %get3A_1685 : vector<16xf32>
        %parallel_loop3A_1914 = arith.index_cast %parallel_loop3A_1868 : i32 to index
        %parallel_loop3A_1915 = arith.constant 64 : index
        %parallel_loop3A_1916 = tpu.vector_load %arg11[%parallel_loop3A_1914, %parallel_loop3A_1915] {strides = array<i32>} : memref<128x128xf32, #tpu.memory_space<vmem>>, vector<1x16xf32>,
        %parallel_loop3A_1917 = vector.shape_cast %parallel_loop3A_1916 : vector<1x16xf32> to vector<16xf32>
        %parallel_loop3A_1918 = vector.shape_cast %parallel_loop3A_1913 : vector<16xf32> to vector<1x16xf32>
        tpu.vector_store %arg11[%parallel_loop3A_1914, %parallel_loop3A_1915], %parallel_loop3A_1918 {strides = array<i32>} : memref<128x128xf32, #tpu.memory_space<vmem>>, vector<1x16xf32>,
        %parallel_loop3A_1919 = arith.index_cast %parallel_loop3A_1868 : i32 to index
        %parallel_loop3A_1920 = arith.constant 80 : index
        %parallel_loop3A_1921 = tpu.vector_load %arg11[%parallel_loop3A_1919, %parallel_loop3A_1920] {strides = array<i32>} : memref<128x128xf32, #tpu.memory_space<vmem>>, vector<1x16xf32>,
        %parallel_loop3A_1922 = vector.shape_cast %parallel_loop3A_1921 : vector<1x16xf32> to vector<16xf32>
        %parallel_loop3A_1923 = arith.addf %parallel_loop3A_1922, %get3A_1690 : vector<16xf32>
        %parallel_loop3A_1924 = arith.index_cast %parallel_loop3A_1868 : i32 to index
        %parallel_loop3A_1925 = arith.constant 80 : index
        %parallel_loop3A_1926 = tpu.vector_load %arg11[%parallel_loop3A_1924, %parallel_loop3A_1925] {strides = array<i32>} : memref<128x128xf32, #tpu.memory_space<vmem>>, vector<1x16xf32>,
        %parallel_loop3A_1927 = vector.shape_cast %parallel_loop3A_1926 : vector<1x16xf32> to vector<16xf32>
        %parallel_loop3A_1928 = vector.shape_cast %parallel_loop3A_1923 : vector<16xf32> to vector<1x16xf32>
        tpu.vector_store %arg11[%parallel_loop3A_1924, %parallel_loop3A_1925], %parallel_loop3A_1928 {strides = array<i32>} : memref<128x128xf32, #tpu.memory_space<vmem>>, vector<1x16xf32>,
        %parallel_loop3A_1929 = arith.index_cast %parallel_loop3A_1868 : i32 to index
        %parallel_loop3A_1930 = arith.constant 96 : index
        %parallel_loop3A_1931 = tpu.vector_load %arg11[%parallel_loop3A_1929, %parallel_loop3A_1930] {strides = array<i32>} : memref<128x128xf32, #tpu.memory_space<vmem>>, vector<1x16xf32>,
        %parallel_loop3A_1932 = vector.shape_cast %parallel_loop3A_1931 : vector<1x16xf32> to vector<16xf32>
        %parallel_loop3A_1933 = arith.addf %parallel_loop3A_1932, %get3A_1695 : vector<16xf32>
        %parallel_loop3A_1934 = arith.index_cast %parallel_loop3A_1868 : i32 to index
        %parallel_loop3A_1935 = arith.constant 96 : index
        %parallel_loop3A_1936 = tpu.vector_load %arg11[%parallel_loop3A_1934, %parallel_loop3A_1935] {strides = array<i32>} : memref<128x128xf32, #tpu.memory_space<vmem>>, vector<1x16xf32>,
        %parallel_loop3A_1937 = vector.shape_cast %parallel_loop3A_1936 : vector<1x16xf32> to vector<16xf32>
        %parallel_loop3A_1938 = vector.shape_cast %parallel_loop3A_1933 : vector<16xf32> to vector<1x16xf32>
        tpu.vector_store %arg11[%parallel_loop3A_1934, %parallel_loop3A_1935], %parallel_loop3A_1938 {strides = array<i32>} : memref<128x128xf32, #tpu.memory_space<vmem>>, vector<1x16xf32>,
        %parallel_loop3A_1939 = arith.index_cast %parallel_loop3A_1868 : i32 to index
        %parallel_loop3A_1940 = arith.constant 112 : index
        %parallel_loop3A_1941 = tpu.vector_load %arg11[%parallel_loop3A_1939, %parallel_loop3A_1940] {strides = array<i32>} : memref<128x128xf32, #tpu.memory_space<vmem>>, vector<1x16xf32>,
        %parallel_loop3A_1942 = vector.shape_cast %parallel_loop3A_1941 : vector<1x16xf32> to vector<16xf32>
        %parallel_loop3A_1943 = arith.addf %parallel_loop3A_1942, %get3A_1700 : vector<16xf32>
        %parallel_loop3A_1944 = arith.index_cast %parallel_loop3A_1868 : i32 to index
        %parallel_loop3A_1945 = arith.constant 112 : index
        %parallel_loop3A_1946 = tpu.vector_load %arg11[%parallel_loop3A_1944, %parallel_loop3A_1945] {strides = array<i32>} : memref<128x128xf32, #tpu.memory_space<vmem>>, vector<1x16xf32>,
        %parallel_loop3A_1947 = vector.shape_cast %parallel_loop3A_1946 : vector<1x16xf32> to vector<16xf32>
        %parallel_loop3A_1948 = vector.shape_cast %parallel_loop3A_1943 : vector<16xf32> to vector<1x16xf32>
        tpu.vector_store %arg11[%parallel_loop3A_1944, %parallel_loop3A_1945], %parallel_loop3A_1948 {strides = array<i32>} : memref<128x128xf32, #tpu.memory_space<vmem>>, vector<1x16xf32>,
      } {sc.loop_unroll_factor = 2 : i64, sc.parallel_access}
      %add3A_1859 = arith.constant 4 : i32
      %add3A_1860 = arith.addi %mul3A_1727, %add3A_1859 : i32
      %mul3A_1861 = arith.constant 128 : i32
      %mul3A_1862 = arith.muli %add3A_1860, %mul3A_1861 : i32
      %add3A_1863 = arith.addi %mul3A_2, %mul3A_1862 : i32
      %dma_start3A_1864 = arith.constant 0 : i32
      %dma_start3A_1865 = tpu.memref_slice %arg4[%add3A_1863, %dma_start3A_1864] : memref<819200x128xf32, #tpu.memory_space<hbm>> -> memref<128x128xf32, #tpu.memory_space<hbm>>
      %dma_start3A_1866 = arith.constant 0 : i32
      %dma_start3A_1867 = tpu.memref_slice %arg4[%add3A_1863, %dma_start3A_1866] : memref<819200x128xf32, #tpu.memory_space<hbm>> -> memref<128x128xf32, #tpu.memory_space<hbm>>
      tpu.enqueue_dma source(%arg11 : memref<128x128xf32, #tpu.memory_space<vmem>>) target(%dma_start3A_1867 : memref<128x128xf32, #tpu.memory_space<hbm>>) target_semaphore(%arg21 : memref<!tpu.dma_semaphore, #tpu.memory_space<semaphore_mem>>)
    }
    %scan3A_1705 = arith.constant 40 : i32
    %dma_wait3A = arith.constant 0 : i32
    %dma_wait3A_1706 = tpu.memref_slice %arg4[%mul3A_2, %dma_wait3A] : memref<819200x128xf32, #tpu.memory_space<hbm>> -> memref<128x128xf32, #tpu.memory_space<hbm>>
    %dma_wait3A_1707 = arith.constant 0 : i32
    %dma_wait3A_1708 = tpu.memref_slice %arg4[%mul3A_2, %dma_wait3A_1707] : memref<819200x128xf32, #tpu.memory_space<hbm>> -> memref<128x128xf32, #tpu.memory_space<hbm>>
    tpu.wait_dma2 semaphore(%arg17 : memref<!tpu.dma_semaphore, #tpu.memory_space<semaphore_mem>>) src(%arg7 : memref<128x128xf32, #tpu.memory_space<vmem>>) dst(%dma_wait3A_1708 : memref<128x128xf32, #tpu.memory_space<hbm>>)
    %dma_wait3A_1709 = arith.constant 0 : i32
    %dma_wait3A_1710 = tpu.memref_slice %arg4[%mul3A_2, %dma_wait3A_1709] : memref<819200x128xf32, #tpu.memory_space<hbm>> -> memref<128x128xf32, #tpu.memory_space<hbm>>
    %dma_wait3A_1711 = arith.constant 0 : i32
    %dma_wait3A_1712 = tpu.memref_slice %arg4[%mul3A_2, %dma_wait3A_1711] : memref<819200x128xf32, #tpu.memory_space<hbm>> -> memref<128x128xf32, #tpu.memory_space<hbm>>
    tpu.wait_dma2 semaphore(%arg18 : memref<!tpu.dma_semaphore, #tpu.memory_space<semaphore_mem>>) src(%arg8 : memref<128x128xf32, #tpu.memory_space<vmem>>) dst(%dma_wait3A_1712 : memref<128x128xf32, #tpu.memory_space<hbm>>)
    %dma_wait3A_1713 = arith.constant 0 : i32
    %dma_wait3A_1714 = tpu.memref_slice %arg4[%mul3A_2, %dma_wait3A_1713] : memref<819200x128xf32, #tpu.memory_space<hbm>> -> memref<128x128xf32, #tpu.memory_space<hbm>>
    %dma_wait3A_1715 = arith.constant 0 : i32
    %dma_wait3A_1716 = tpu.memref_slice %arg4[%mul3A_2, %dma_wait3A_1715] : memref<819200x128xf32, #tpu.memory_space<hbm>> -> memref<128x128xf32, #tpu.memory_space<hbm>>
    tpu.wait_dma2 semaphore(%arg19 : memref<!tpu.dma_semaphore, #tpu.memory_space<semaphore_mem>>) src(%arg9 : memref<128x128xf32, #tpu.memory_space<vmem>>) dst(%dma_wait3A_1716 : memref<128x128xf32, #tpu.memory_space<hbm>>)
    %dma_wait3A_1717 = arith.constant 0 : i32
    %dma_wait3A_1718 = tpu.memref_slice %arg4[%mul3A_2, %dma_wait3A_1717] : memref<819200x128xf32, #tpu.memory_space<hbm>> -> memref<128x128xf32, #tpu.memory_space<hbm>>
    %dma_wait3A_1719 = arith.constant 0 : i32
    %dma_wait3A_1720 = tpu.memref_slice %arg4[%mul3A_2, %dma_wait3A_1719] : memref<819200x128xf32, #tpu.memory_space<hbm>> -> memref<128x128xf32, #tpu.memory_space<hbm>>
    tpu.wait_dma2 semaphore(%arg20 : memref<!tpu.dma_semaphore, #tpu.memory_space<semaphore_mem>>) src(%arg10 : memref<128x128xf32, #tpu.memory_space<vmem>>) dst(%dma_wait3A_1720 : memref<128x128xf32, #tpu.memory_space<hbm>>)
    %dma_wait3A_1721 = arith.constant 0 : i32
    %dma_wait3A_1722 = tpu.memref_slice %arg4[%mul3A_2, %dma_wait3A_1721] : memref<819200x128xf32, #tpu.memory_space<hbm>> -> memref<128x128xf32, #tpu.memory_space<hbm>>
    %dma_wait3A_1723 = arith.constant 0 : i32
    %dma_wait3A_1724 = tpu.memref_slice %arg4[%mul3A_2, %dma_wait3A_1723] : memref<819200x128xf32, #tpu.memory_space<hbm>> -> memref<128x128xf32, #tpu.memory_space<hbm>>
    tpu.wait_dma2 semaphore(%arg21 : memref<!tpu.dma_semaphore, #tpu.memory_space<semaphore_mem>>) src(%arg11 : memref<128x128xf32, #tpu.memory_space<vmem>>) dst(%dma_wait3A_1724 : memref<128x128xf32, #tpu.memory_space<hbm>>)
    return
  }
}

</mosaic_0001>

<sc_bundles>
// kernel: kernel.3.cloned.1.call-start
scs
__scs_entry_jumppad:
0x0: {  	(pc) =	sbr.rel $0x88, $3  }
0x1: {  	(tag) =	ssettag $0x0;
	lr =	simm.s32 $0x1  }
0x2: {  	[smem:$0x3F9F] =	sst lr;
	_ =	strace $0xD0000000  }
0x3: {  	_ = 	snop  }
0x4: {  	_ = 	snop  }
0x5: {  	_ = 	snop  }
0x6: {  	_ = 	snop  }
0x7: {  	_ = 	snop  }
__scs_overlays_trampoline_lowered:
0x8: {  	[smem:$0x3FAE] =	sst s0  }
0x9: {  	[smem:$0x3FAF] =	sst s1  }
0xa: {  	[smem:$0x3FB0] =	sst s2  }
0xb: {  	[smem:$0x3FB1] =	sst s3  }
0xc: {  	[smem:$0x3FB2] =	sst s4  }
0xd: {  	[smem:$0x3FB3] =	sst s5  }
0xe: {  	[smem:$0x3FB4] =	sst s6  }
0xf: {  	[smem:$0x3FB5] =	sst s7  }
0x10: {  	[smem:$0x3FB6] =	sst s8  }
0x11: {  	[smem:$0x3FB7] =	sst s9;
	s0 =	simm.s32 @!p0 $0x0  }
0x12: {  	s1 =	sld [smem:$0x3F9D];
	s0 =	simm.s32 @p0 $0x1  }
0x13: {  	[smem:$0x3FB8] =	sst s0;
	s0 =	simm.s32 @!p1 $0x0  }
0x14: {  	s2 =	sld [smem:$0x3F9C];
	s0 =	simm.s32 @p1 $0x1  }
0x15: {  	[smem:$0x3FB9] =	sst s0;
	s0 =	simm.s32 @!p2 $0x0  }
0x16: {  	s3 =	sld [smem:$0x3FDB];
	s0 =	simm.s32 @p2 $0x1  }
0x17: {  	s4 =	simm.s32 $0x1BF5;
	[smem:$0x3FBB] =	sst s0  }
0x18: {  	s0 =	sld [smem:$0x3F9E];
	_ =	swait.ge [sflag:s4], $0x0  }
0x19: {  	s7 =	sld [smem:$0x3F9F]  }
0x1a: {  	s8 =	sadd.s32 $0xFFFFE003, lr  }
0x1b: {  	s9 =	sadd.s32 $0xFFFFFEF7, lr;
	s5 =	simm.s32 $0xFFFFFFFF;
	p2 =	slt.u32 s8, $0xFFFFF086  }
0x1c: {  	p1 =	slt.u32 s9, $0xF7A;
	s5 =	simm.s32 @!p2 $0x0  }
0x1d: {  	s5 =	simm.s32 @p1 $0x1;
	p0 =	seq.s32 s7, s2  }
0x1e: {  	s7 =	smul.u32 @!p0 $0xF7A, s2;
	p2 =	seq.s32 @!p0 s5, $0x0  }
0x1f: {  	s9 =	smul.u32 $0xF7A, s1;
	s8 =	simm.s32 @!p0 $0x1BF5;
	p2 =	por !p2, p0  }
0x20: {  	[sflag:s8] =	ssyncset.s32 @!p0 $0xFFFFF086;
	s6 =	sadd.s32 @!p0 s3, s7;
	s7 =	simm.s32 @!p0 $0x108  }
0x21: {  	s3 =	sadd.s32 s3, s9;
	s6 =	sadd.s32 @!p0 $0x88, s6;
	s7 =	simm.s32 @p2 $0x1082  }
0x22: {  	[simem:s7], [sflag:s8] =	dma.local @!p0 [hbm:s6], $0xF7A  }
0x23: {  	s9 =	sor.u32 $0xD0000000, s2;
	s6 =	simm.s32 $0x108;
	_ =	swait.ge @!p0 [sflag:s8], $0x0  }
0x24: {  	s3 =	sadd.s32 $0x88, s3;
	s6 =	simm.s32 @!p1 $0x1082;
	[sflag:s4] =	ssyncset.s32 $0xFFFFF086  }
0x25: {  	[simem:s6], [sflag:s4] =	dma.local [hbm:s3], $0xF7A  }
0x26: {  	[smem:$0x3F9F] =	sst s1;
	(tag) =	ssettag s2;
	_ =	strace s9  }
0x27: {  	s1 =	sld [smem:$0x3FAF]  }
0x28: {  	s2 =	sld [smem:$0x3FB0]  }
0x29: {  	s4 =	sld [smem:$0x3FB2]  }
0x2a: {  	p0 =	seq.s32 s5, $0x0;
	s5 =	sld [smem:$0x3FB3]  }
0x2b: {  	s6 =	sld [smem:$0x3FB4]  }
0x2c: {  	s7 =	sld [smem:$0x3FB5]  }
0x2d: {  	s3 =	simm.s32 $0x108;
	s8 =	sld [smem:$0x3FB6]  }
0x2e: {  	s3 =	simm.s32 @!p0 $0x1082;
	s9 =	sld [smem:$0x3FB7]  }
0x2f: {  	lr =	sadd.s32 s0, s3;
	s0 =	sld [smem:$0x3FAE]  }
0x30: {  	s3 =	sld [smem:$0x3FB1]  }
0x31: {  	[smem:$0x3FBA] =	sst s10  }
0x32: {  	s10 =	sld [smem:$0x3FB8];
	_ =	sdelay $0x3  }
0x33: {  	p0 =	seq.s32 s10, $0x1;
	s10 =	sld [smem:$0x3FBA];
	_ =	sdelay $0x3  }
0x34: {  	[smem:$0x3FBA] =	sst s10  }
0x35: {  	s10 =	sld [smem:$0x3FB9];
	_ =	sdelay $0x3  }
0x36: {  	p1 =	seq.s32 s10, $0x1;
	s10 =	sld [smem:$0x3FBA];
	_ =	sdelay $0x3  }
0x37: {  	[smem:$0x3FBA] =	sst s10  }
0x38: {  	s10 =	sld [smem:$0x3FBB]  }
0x39: {  	_ = 	snop;
	(pc) =	sbr.ind lr, $3  }
0x3a: {  	_ = 	snop  }
0x3b: {  	_ = 	snop  }
0x3c: {  	p2 =	seq.s32 s10, $0x1;
	s10 =	sld [smem:$0x3FBA]  }
0x3d: {  	_ =	shalt  }
0x3e: {  	_ =	shalt  }
0x3f: {  	_ =	shalt  }
0x40: {  	_ =	shalt  }
0x41: {  	_ =	shalt  }
0x42: {  	_ =	shalt  }
0x43: {  	_ =	shalt  }
0x44: {  	_ =	shalt  }
0x45: {  	_ =	shalt  }
0x46: {  	_ =	shalt  }
0x47: {  	_ =	shalt  }
0x48: {  	_ =	shalt  }
0x49: {  	_ =	shalt  }
0x4a: {  	_ =	shalt  }
0x4b: {  	_ =	shalt  }
0x4c: {  	_ =	shalt  }
0x4d: {  	_ =	shalt  }
0x4e: {  	_ =	shalt  }
0x4f: {  	_ =	shalt  }
0x50: {  	_ =	shalt  }
0x51: {  	_ =	shalt  }
0x52: {  	_ =	shalt  }
0x53: {  	_ =	shalt  }
0x54: {  	_ =	shalt  }
0x55: {  	_ =	shalt  }
0x56: {  	_ =	shalt  }
0x57: {  	_ =	shalt  }
0x58: {  	_ =	shalt  }
0x59: {  	_ =	shalt  }
0x5a: {  	_ =	shalt  }
0x5b: {  	_ =	shalt  }
0x5c: {  	_ =	shalt  }
0x5d: {  	_ =	shalt  }
0x5e: {  	_ =	shalt  }
0x5f: {  	_ =	shalt  }
0x60: {  	_ =	shalt  }
0x61: {  	_ =	shalt  }
0x62: {  	_ =	shalt  }
0x63: {  	_ =	shalt  }
0x64: {  	_ =	shalt  }
0x65: {  	_ =	shalt  }
0x66: {  	_ =	shalt  }
0x67: {  	_ =	shalt  }
0x68: {  	_ =	shalt  }
0x69: {  	_ =	shalt  }
0x6a: {  	_ =	shalt  }
0x6b: {  	_ =	shalt  }
0x6c: {  	_ =	shalt  }
0x6d: {  	_ =	shalt  }
0x6e: {  	_ =	shalt  }
0x6f: {  	_ =	shalt  }
0x70: {  	_ =	shalt  }
0x71: {  	_ =	shalt  }
0x72: {  	_ =	shalt  }
0x73: {  	_ =	shalt  }
0x74: {  	_ =	shalt  }
0x75: {  	_ =	shalt  }
0x76: {  	_ =	shalt  }
0x77: {  	_ =	shalt  }
0x78: {  	_ =	shalt  }
0x79: {  	_ =	shalt  }
0x7a: {  	_ =	shalt  }
0x7b: {  	_ =	shalt  }
0x7c: {  	_ =	shalt  }
0x7d: {  	_ =	shalt  }
0x7e: {  	_ =	shalt  }
0x7f: {  	_ =	shalt  }
0x80: {  	_ =	shalt  }
0x81: {  	_ =	shalt  }
0x82: {  	_ =	shalt  }
0x83: {  	_ =	shalt  }
0x84: {  	_ =	shalt  }
0x85: {  	_ =	shalt  }
0x86: {  	_ =	shalt  }
0x87: {  	_ =	shalt  }
.Lfunc_end0:
.L_simem_size_0:
called_computation_lowered:
.L_overlay_start_0:
0x88: {  	s2 =	sld [smem:$0x3FD9]  }
0x89: {  	s3 =	sld [smem:$0x3FFE];
	_ =	sdelay $0x1  }
0x8a: {  	s1 =	srdreg.scid  }
0x8b: {  	s0 =	sand.u32 $0x1, s1  }
0x8c: {  	s17 =	sshll.u32 s0, $0xA;
	s2 =	sadd.s32 s3, s2  }
0x8d: {  	s2 =	sadd.s32 s2, s17  }
0x8e: {  	[smem:$0x3FC6] =	sst s2  }
0x8f: {  	_ = 	snop  }
0x90: {  	s2 =	sld [smem:$0x3FC8]  }
0x91: {  	s18 =	sld [smem:$0x3FD0];
	(tm) =	ssettm $0x1  }
0x92: {  	s4 =	sld [smem:$0x3FFB];
	_ =	sdelay $0x3  }
0x93: {  	_ =	strace s4  }
0x94: {  	s4 =	sld [smem:$0x3FFC];
	_ =	sdelay $0x3  }
0x95: {  	_ =	strace s4  }
0x96: {  	s4 =	sld [smem:$0x3FFD];
	_ =	sdelay $0x3  }
0x97: {  	_ =	strace s4  }
0x98: {  	_ =	strace $0x8FFFFFFF  }
0x99: {  	s19 =	sld [smem:$0x3FDB];
	_ =	sdelay $0x1  }
0x9a: {  	s5 =	simm.s32 $_scs_section_size  }
0x9b: {  	s6 =	simm.s32 $_size__tile_overlayer_lowered;
	s7 =	simm.s32 $_tile_overlayer_lowered  }
0x9c: {  	s22 =	simm.s32 $0x1BFF;
	s21 =	sshll.u32 s7, $0x1;
	s4 =	sadd.s32 s5, s19  }
0x9d: {  	s8 =	simm.s32 $0x0;
	s20 =	sshll.u32 s6, $0x1;
	s6 =	sadd.s32 s21, s4  }
0x9e: {  	[timem:s8], [sflag:s22] =	dma.local [hbm:s6], s20  }
0x9f: {  	_ =	swait.ge [sflag:s22], s20  }
0xa0: {  	s5 =	ssub.s32 $0x0, s20;
	[sflag:s22] =	ssyncset.done $0x0  }
0xa1: {  	[sflag:s22] =	ssyncadd.s32 s5;
	_ =	sdelay $0x1  }
0xa2: {  	s23 =	simm.s32 $0x1B8B  }
0xa3: {  	_ =	swait.ge [sflag:s23], $0x1  }
0xa4: {  	[sflag:s23] =	ssyncset.done $0x0  }
0xa5: {  	s25 =	simm.s32 $0x1B8E;
	s24 =	sld [smem:$0x3FFE];
	[sflag:s23] =	ssyncadd.s32 $0xFFFFFFFF  }
0xa6: {  	s26 =	simm.s32 $execute0_lowered;
	[smem:$0x3FD2] =	sst s25  }
0xa7: {  	s6 =	sshll.u32 s26, $0x1;
	_ =	strace $0x80000046;
	[dreg:$0x1] =	wrdreg $0xFFFFFFFF  }
0xa8: {  	s28 =	simm.s32 $_size_execute0_lowered;
	s4 =	sadd.s32 s4, s6;
	[dreg:$0x0] =	wrdreg $0x0  }
0xa9: {  	s6 =	sshll.u32 s28, $0x1;
	[dreg:$0x2] =	wrdreg s4  }
0xaa: {  	[dreg:$0x3] =	wrdreg s6  }
0xab: {  	[dreg:$0x4] =	wrdreg $0xC0  }
0xac: {  	_ =	task [dreg:s8], $0x5FFFF  }
0xad: {  	[dreg:$0x1] =	wrdreg $0xFFFFFFFF  }
0xae: {  	[dreg:$0x0] =	wrdreg $0x60  }
0xaf: {  	[dreg:$0x2] =	wrdreg s2  }
0xb0: {  	[dreg:$0x3] =	wrdreg s24  }
0xb1: {  	[dreg:$0x4] =	wrdreg s18  }
0xb2: {  	[dreg:$0x5] =	wrdreg $0x9  }
0xb3: {  	_ =	task.clear_ibuf [dreg:s8], $0x6FFFF;
	_ =	strace $0x90000046  }
0xb4: {  	s29 =	simm.s32 $0x9;
	_ =	strace $0x80000048  }
0xb5: {  	_ =	swait.ge [sflag:s29], $0x1  }
0xb6: {  	[sflag:s29] =	ssyncadd.s32 $0xFFFFFFFF  }
0xb7: {  	_ =	strace $0x90000048  }
0xb8: {  	_ =	sfence  }
0xb9: {  	s30 =	sld [smem:$0x0];
	_ =	sdelay $0x2  }
0xba: {  	s31 =	sshll.u32 s1, $0xD;
	s1 =	sshrl.u32 s1, $0x2  }
0xbb: {  	s3 =	sand.u32 $0x4000, s31;
	s1 =	sadd.s32 s1, s30  }
0xbc: {  	s0 =	sor.u32 s3, s0;
	s1 =	sshll.u32 s1, $0x11  }
0xbd: {  	s0 =	sor.u32 s1, s0  }
0xbe: {  	s0 =	sadd.s32 $0x8F2B, s0  }
0xbf: {  	[sflag:s0] =	ssyncadd.remote.s32 $0x1  }
0xc0: {  	_ =	sfence.sel $0xFFFF  }
0xc1: {  	[dreg:$0x0] =	wrdreg $0xFFFFFFFF;
	(pc) =	sbr.abs _section_cstart, $3  }
0xc2: {  	[dreg:$0x1] =	wrdreg $0xFFFFFFFF  }
0xc3: {  	_ =	task.clear_ibuf [dreg:s8], $0x2FFFF;
	_ =	strace $0x9FFFFFFF  }
0xc4: {  	(tm) =	ssettm $0x7FFFFFFF  }
0xc5: {  	_ =	shalt  }
tec
execute0_lowered:
.L_overlay_start_1:
0x0: {  	(tag) =	ssettag $0x1  }
0x1: {  	s1 =	rddreg [dreg:$0x0]  }
0x2: {  	s0 =	srdreg.scid;
	s6 =	rddreg [dreg:$0x1]  }
0x3: {  	s2 =	stileid.u32;
	s3 =	rddreg [dreg:$0x2]  }
0x4: {  	s5 =	simm.s32 $0x0;
	s9 =	simm.s32 $0xB;
	s11 =	simm.s32 $0x80  }
0x5: {  	s12 =	simm.s32 $0x16480;
	s13 =	simm.s32 $0x1;
	s14 =	simm.s32 $0x6480  }
0x6: {  	s15 =	simm.s32 $0x2;
	s16 =	simm.s32 $0xA480;
	s17 =	simm.s32 $0x3  }
0x7: {  	s18 =	simm.s32 $0xE480;
	s19 =	simm.s32 $0x4;
	s20 =	simm.s32 $0x12480  }
0x8: {  	s21 =	simm.s32 $0x5;
	s0 =	sand.u32 $0x1, s0;
	s2 =	sshll.u32 s2, $0x1  }
0x9: {  	s22 =	simm.s32 $0x6;
	s23 =	simm.s32 $0x7;
	s2 =	sor.u32 s0, s2  }
0xa: {  	s24 =	simm.s32 $0x8;
	s0 =	ssub.s32 $0x2, s0;
	s4 =	smul.u32 $0x6400, s2  }
0xb: {  	[smem:$0x7FF] =	sst s5;
	s31 =	sadd.s32 $0x10, s1;
	s30 =	sshrl.u32 s0, $0x1  }
0xc: {  	_ =	strace $0x80000047;
	s0 =	ssub.s32 s0, s30;
	s2 =	sshrl.u32 s4, $0x3  }
0xd: {  	[dreg:$0x5] =	wrdreg s31;
	s0 =	smax.u32 s0, $0x1;
	s2 =	sadd.s32 s2, s6  }
0xe: {  	s25 =	simm.s32 $0x9;
	[dreg:$0x6] =	wrdreg s0;
	s2 =	sadd.s32 $0x400, s2  }
0xf: {  	v0 =	vlaneseq.u32;
	s26 =	simm.s32 $0xA;
	s28 =	simm.s32 $0x0;
	[dreg:$0x4] =	wrdreg s2  }
.LBB2_1:
0x10: {  	s0 =	rddreg [dreg:$0x4]  }
0x11: {  	[tilespmem:s5], [sflag:$0xB] =	stream.linear.gather [hbm4b:s0+s5], $0x6400, $0x38;
	[tilespmem:$0x1A480] =	vst v63  }
0x12: {  	_ =	swait.ge [sflag:s9], $0x6400  }
0x13: {  	[sflag:s9] =	ssyncset.done $0x0  }
0x14: {  	s2 =	simm.s32 $0x6400;
	s31 =	rddreg [dreg:$0x5];
	[sflag:s9] =	ssyncadd.s32 $0xFFFF9C00  }
0x15: {  	[tilespmem:s2], [sflag:$0xB] =	stream.linear.gather [hbm4b:s31+s5], $0x80, $0x38;
	[tilespmem:$0x1A480] =	vst v63  }
0x16: {  	_ =	swait.ge [sflag:s9], $0x80  }
0x17: {  	[sflag:s9] =	ssyncset.done $0x0  }
0x18: {  	[sflag:s9] =	ssyncadd.s32 $0xFFFFFF80  }
0x19: {  	v1 =	vld [tilespmem:$0x0]  }
0x1a: {  	v2 =	vld [tilespmem:$0xC0]  }
0x1b: {  	v3 =	vld [tilespmem:$0x190]  }
0x1c: {  	v4 =	vld [tilespmem:$0x250]  }
0x1d: {  	v5 =	vld [tilespmem:$0x320]  }
0x1e: {  	v6 =	vld [tilespmem:$0x3E0]  }
0x1f: {  	vm0 =	veq.s32 v0, $0x0;
	v7 =	vld [tilespmem:$0x4B0]  }
0x20: {  	vm1 =	veq.s32 v0, $0x8;
	v8 =	vld [tilespmem:$0x570];
	v1 =	vsel vm0, $0x1, v1  }
0x21: {  	v9 =	vld [tilespmem:$0x6330];
	[tilespmem:$0x0] =	vst v1;
	v1 =	vsel vm1, $0x1, v2  }
0x22: {  	v2 =	vld [tilespmem:$0x640];
	[tilespmem:$0xC0] =	vst v1;
	v1 =	vsel vm0, $0x1, v3  }
0x23: {  	v3 =	vld [tilespmem:$0x700];
	[tilespmem:$0x190] =	vst v1;
	v1 =	vsel vm1, $0x1, v4  }
0x24: {  	v4 =	vld [tilespmem:$0x7D0];
	[tilespmem:$0x250] =	vst v1;
	v1 =	vsel vm0, $0x1, v5  }
0x25: {  	v5 =	vld [tilespmem:$0x890];
	[tilespmem:$0x320] =	vst v1;
	v1 =	vsel vm1, $0x1, v6  }
0x26: {  	v6 =	vld [tilespmem:$0x960];
	[tilespmem:$0x3E0] =	vst v1;
	v1 =	vsel vm0, $0x1, v7  }
0x27: {  	v7 =	vld [tilespmem:$0xA20];
	[tilespmem:$0x4B0] =	vst v1;
	v1 =	vsel vm1, $0x1, v8  }
0x28: {  	v8 =	vld [tilespmem:$0xAF0];
	[tilespmem:$0x570] =	vst v1;
	v1 =	vsel vm0, $0x1, v2  }
0x29: {  	v2 =	vld [tilespmem:$0xBB0];
	[tilespmem:$0x640] =	vst v1;
	v1 =	vsel vm1, $0x1, v3  }
0x2a: {  	v3 =	vld [tilespmem:$0xC80];
	[tilespmem:$0x700] =	vst v1;
	v1 =	vsel vm0, $0x1, v4  }
0x2b: {  	v4 =	vld [tilespmem:$0xD40];
	[tilespmem:$0x7D0] =	vst v1;
	v1 =	vsel vm1, $0x1, v5  }
0x2c: {  	v5 =	vld [tilespmem:$0xE10];
	[tilespmem:$0x890] =	vst v1;
	v1 =	vsel vm0, $0x1, v6  }
0x2d: {  	v6 =	vld [tilespmem:$0xED0];
	[tilespmem:$0x960] =	vst v1;
	v1 =	vsel vm1, $0x1, v7  }
0x2e: {  	v7 =	vld [tilespmem:$0xFA0];
	[tilespmem:$0xA20] =	vst v1;
	v1 =	vsel vm0, $0x1, v8  }
0x2f: {  	v8 =	vld [tilespmem:$0x1060];
	[tilespmem:$0xAF0] =	vst v1;
	v1 =	vsel vm1, $0x1, v2  }
0x30: {  	v2 =	vld [tilespmem:$0x1130];
	[tilespmem:$0xBB0] =	vst v1;
	v1 =	vsel vm0, $0x1, v3  }
0x31: {  	v3 =	vld [tilespmem:$0x11F0];
	[tilespmem:$0xC80] =	vst v1;
	v1 =	vsel vm1, $0x1, v4  }
0x32: {  	v4 =	vld [tilespmem:$0x12C0];
	[tilespmem:$0xD40] =	vst v1;
	v1 =	vsel vm0, $0x1, v5  }
0x33: {  	v5 =	vld [tilespmem:$0x1380];
	[tilespmem:$0xE10] =	vst v1;
	v1 =	vsel vm1, $0x1, v6  }
0x34: {  	v6 =	vld [tilespmem:$0x1450];
	[tilespmem:$0xED0] =	vst v1;
	v1 =	vsel vm0, $0x1, v7  }
0x35: {  	v7 =	vld [tilespmem:$0x1510];
	[tilespmem:$0xFA0] =	vst v1;
	v1 =	vsel vm1, $0x1, v8  }
0x36: {  	v8 =	vld [tilespmem:$0x15E0];
	[tilespmem:$0x1060] =	vst v1;
	v1 =	vsel vm0, $0x1, v2  }
0x37: {  	v2 =	vld [tilespmem:$0x16A0];
	[tilespmem:$0x1130] =	vst v1;
	v1 =	vsel vm1, $0x1, v3  }
0x38: {  	v3 =	vld [tilespmem:$0x1770];
	[tilespmem:$0x11F0] =	vst v1;
	v1 =	vsel vm0, $0x1, v4  }
0x39: {  	v4 =	vld [tilespmem:$0x1830];
	[tilespmem:$0x12C0] =	vst v1;
	v1 =	vsel vm1, $0x1, v5  }
0x3a: {  	v5 =	vld [tilespmem:$0x1900];
	[tilespmem:$0x1380] =	vst v1;
	v1 =	vsel vm0, $0x1, v6  }
0x3b: {  	v6 =	vld [tilespmem:$0x19C0];
	[tilespmem:$0x1450] =	vst v1;
	v1 =	vsel vm1, $0x1, v7  }
0x3c: {  	v7 =	vld [tilespmem:$0x1A90];
	[tilespmem:$0x1510] =	vst v1;
	v1 =	vsel vm0, $0x1, v8  }
0x3d: {  	v8 =	vld [tilespmem:$0x1B50];
	[tilespmem:$0x15E0] =	vst v1;
	v1 =	vsel vm1, $0x1, v2  }
0x3e: {  	v2 =	vld [tilespmem:$0x1C20];
	[tilespmem:$0x16A0] =	vst v1;
	v1 =	vsel vm0, $0x1, v3  }
0x3f: {  	v3 =	vld [tilespmem:$0x1CE0];
	[tilespmem:$0x1770] =	vst v1;
	v1 =	vsel vm1, $0x1, v4  }
0x40: {  	v4 =	vld [tilespmem:$0x1DB0];
	[tilespmem:$0x1830] =	vst v1;
	v1 =	vsel vm0, $0x1, v5  }
0x41: {  	v5 =	vld [tilespmem:$0x1E70];
	[tilespmem:$0x1900] =	vst v1;
	v1 =	vsel vm1, $0x1, v6  }
0x42: {  	v6 =	vld [tilespmem:$0x1F40];
	[tilespmem:$0x19C0] =	vst v1;
	v1 =	vsel vm0, $0x1, v7  }
0x43: {  	v7 =	vld [tilespmem:$0x2000];
	[tilespmem:$0x1A90] =	vst v1;
	v1 =	vsel vm1, $0x1, v8  }
0x44: {  	v8 =	vld [tilespmem:$0x20D0];
	[tilespmem:$0x1B50] =	vst v1;
	v1 =	vsel vm0, $0x1, v2  }
0x45: {  	v2 =	vld [tilespmem:$0x2190];
	[tilespmem:$0x1C20] =	vst v1;
	v1 =	vsel vm1, $0x1, v3  }
0x46: {  	v3 =	vld [tilespmem:$0x2260];
	[tilespmem:$0x1CE0] =	vst v1;
	v1 =	vsel vm0, $0x1, v4  }
0x47: {  	v4 =	vld [tilespmem:$0x2320];
	[tilespmem:$0x1DB0] =	vst v1;
	v1 =	vsel vm1, $0x1, v5  }
0x48: {  	v5 =	vld [tilespmem:$0x23F0];
	[tilespmem:$0x1E70] =	vst v1;
	v1 =	vsel vm0, $0x1, v6  }
0x49: {  	v6 =	vld [tilespmem:$0x24B0];
	[tilespmem:$0x1F40] =	vst v1;
	v1 =	vsel vm1, $0x1, v7  }
0x4a: {  	v7 =	vld [tilespmem:$0x2580];
	[tilespmem:$0x2000] =	vst v1;
	v1 =	vsel vm0, $0x1, v8  }
0x4b: {  	v8 =	vld [tilespmem:$0x2640];
	[tilespmem:$0x20D0] =	vst v1;
	v1 =	vsel vm1, $0x1, v2  }
0x4c: {  	v2 =	vld [tilespmem:$0x2710];
	[tilespmem:$0x2190] =	vst v1;
	v1 =	vsel vm0, $0x1, v3  }
0x4d: {  	v3 =	vld [tilespmem:$0x27D0];
	[tilespmem:$0x2260] =	vst v1;
	v1 =	vsel vm1, $0x1, v4  }
0x4e: {  	v4 =	vld [tilespmem:$0x28A0];
	[tilespmem:$0x2320] =	vst v1;
	v1 =	vsel vm0, $0x1, v5  }
0x4f: {  	v5 =	vld [tilespmem:$0x2960];
	[tilespmem:$0x23F0] =	vst v1;
	v1 =	vsel vm1, $0x1, v6  }
0x50: {  	v6 =	vld [tilespmem:$0x2A30];
	[tilespmem:$0x24B0] =	vst v1;
	v1 =	vsel vm0, $0x1, v7  }
0x51: {  	v7 =	vld [tilespmem:$0x2AF0];
	[tilespmem:$0x2580] =	vst v1;
	v1 =	vsel vm1, $0x1, v8  }
0x52: {  	v8 =	vld [tilespmem:$0x2BC0];
	[tilespmem:$0x2640] =	vst v1;
	v1 =	vsel vm0, $0x1, v2  }
0x53: {  	v2 =	vld [tilespmem:$0x2C80];
	[tilespmem:$0x2710] =	vst v1;
	v1 =	vsel vm1, $0x1, v3  }
0x54: {  	v3 =	vld [tilespmem:$0x2D50];
	[tilespmem:$0x27D0] =	vst v1;
	v1 =	vsel vm0, $0x1, v4  }
0x55: {  	v4 =	vld [tilespmem:$0x2E10];
	[tilespmem:$0x28A0] =	vst v1;
	v1 =	vsel vm1, $0x1, v5  }
0x56: {  	v5 =	vld [tilespmem:$0x2EE0];
	[tilespmem:$0x2960] =	vst v1;
	v1 =	vsel vm0, $0x1, v6  }
0x57: {  	v6 =	vld [tilespmem:$0x2FA0];
	[tilespmem:$0x2A30] =	vst v1;
	v1 =	vsel vm1, $0x1, v7  }
0x58: {  	v7 =	vld [tilespmem:$0x3070];
	[tilespmem:$0x2AF0] =	vst v1;
	v1 =	vsel vm0, $0x1, v8  }
0x59: {  	v8 =	vld [tilespmem:$0x3130];
	[tilespmem:$0x2BC0] =	vst v1;
	v1 =	vsel vm1, $0x1, v2  }
0x5a: {  	v2 =	vld [tilespmem:$0x3200];
	[tilespmem:$0x2C80] =	vst v1;
	v1 =	vsel vm0, $0x1, v3  }
0x5b: {  	v3 =	vld [tilespmem:$0x32C0];
	[tilespmem:$0x2D50] =	vst v1;
	v1 =	vsel vm1, $0x1, v4  }
0x5c: {  	v4 =	vld [tilespmem:$0x3390];
	[tilespmem:$0x2E10] =	vst v1;
	v1 =	vsel vm0, $0x1, v5  }
0x5d: {  	v5 =	vld [tilespmem:$0x3450];
	[tilespmem:$0x2EE0] =	vst v1;
	v1 =	vsel vm1, $0x1, v6  }
0x5e: {  	v6 =	vld [tilespmem:$0x3520];
	[tilespmem:$0x2FA0] =	vst v1;
	v1 =	vsel vm0, $0x1, v7  }
0x5f: {  	v7 =	vld [tilespmem:$0x35E0];
	[tilespmem:$0x3070] =	vst v1;
	v1 =	vsel vm1, $0x1, v8  }
0x60: {  	v8 =	vld [tilespmem:$0x36B0];
	[tilespmem:$0x3130] =	vst v1;
	v1 =	vsel vm0, $0x1, v2  }
0x61: {  	v2 =	vld [tilespmem:$0x3770];
	[tilespmem:$0x3200] =	vst v1;
	v1 =	vsel vm1, $0x1, v3  }
0x62: {  	v3 =	vld [tilespmem:$0x3840];
	[tilespmem:$0x32C0] =	vst v1;
	v1 =	vsel vm0, $0x1, v4  }
0x63: {  	v4 =	vld [tilespmem:$0x3900];
	[tilespmem:$0x3390] =	vst v1;
	v1 =	vsel vm1, $0x1, v5  }
0x64: {  	v5 =	vld [tilespmem:$0x39D0];
	[tilespmem:$0x3450] =	vst v1;
	v1 =	vsel vm0, $0x1, v6  }
0x65: {  	v6 =	vld [tilespmem:$0x3A90];
	[tilespmem:$0x3520] =	vst v1;
	v1 =	vsel vm1, $0x1, v7  }
0x66: {  	v7 =	vld [tilespmem:$0x3B60];
	[tilespmem:$0x35E0] =	vst v1;
	v1 =	vsel vm0, $0x1, v8  }
0x67: {  	v8 =	vld [tilespmem:$0x3C20];
	[tilespmem:$0x36B0] =	vst v1;
	v1 =	vsel vm1, $0x1, v2  }
0x68: {  	v2 =	vld [tilespmem:$0x3CF0];
	[tilespmem:$0x3770] =	vst v1;
	v1 =	vsel vm0, $0x1, v3  }
0x69: {  	v3 =	vld [tilespmem:$0x3DB0];
	[tilespmem:$0x3840] =	vst v1;
	v1 =	vsel vm1, $0x1, v4  }
0x6a: {  	v4 =	vld [tilespmem:$0x3E80];
	[tilespmem:$0x3900] =	vst v1;
	v1 =	vsel vm0, $0x1, v5  }
0x6b: {  	v5 =	vld [tilespmem:$0x3F40];
	[tilespmem:$0x39D0] =	vst v1;
	v1 =	vsel vm1, $0x1, v6  }
0x6c: {  	v6 =	vld [tilespmem:$0x4010];
	[tilespmem:$0x3A90] =	vst v1;
	v1 =	vsel vm0, $0x1, v7  }
0x6d: {  	v7 =	vld [tilespmem:$0x40D0];
	[tilespmem:$0x3B60] =	vst v1;
	v1 =	vsel vm1, $0x1, v8  }
0x6e: {  	v8 =	vld [tilespmem:$0x41A0];
	[tilespmem:$0x3C20] =	vst v1;
	v1 =	vsel vm0, $0x1, v2  }
0x6f: {  	v2 =	vld [tilespmem:$0x4260];
	[tilespmem:$0x3CF0] =	vst v1;
	v1 =	vsel vm1, $0x1, v3  }
0x70: {  	v3 =	vld [tilespmem:$0x4330];
	[tilespmem:$0x3DB0] =	vst v1;
	v1 =	vsel vm0, $0x1, v4  }
0x71: {  	v4 =	vld [tilespmem:$0x43F0];
	[tilespmem:$0x3E80] =	vst v1;
	v1 =	vsel vm1, $0x1, v5  }
0x72: {  	v5 =	vld [tilespmem:$0x44C0];
	[tilespmem:$0x3F40] =	vst v1;
	v1 =	vsel vm0, $0x1, v6  }
0x73: {  	v6 =	vld [tilespmem:$0x4580];
	[tilespmem:$0x4010] =	vst v1;
	v1 =	vsel vm1, $0x1, v7  }
0x74: {  	v7 =	vld [tilespmem:$0x4650];
	[tilespmem:$0x40D0] =	vst v1;
	v1 =	vsel vm0, $0x1, v8  }
0x75: {  	v8 =	vld [tilespmem:$0x4710];
	[tilespmem:$0x41A0] =	vst v1;
	v1 =	vsel vm1, $0x1, v2  }
0x76: {  	v2 =	vld [tilespmem:$0x47E0];
	[tilespmem:$0x4260] =	vst v1;
	v1 =	vsel vm0, $0x1, v3  }
0x77: {  	v3 =	vld [tilespmem:$0x48A0];
	[tilespmem:$0x4330] =	vst v1;
	v1 =	vsel vm1, $0x1, v4  }
0x78: {  	v4 =	vld [tilespmem:$0x4970];
	[tilespmem:$0x43F0] =	vst v1;
	v1 =	vsel vm0, $0x1, v5  }
0x79: {  	v5 =	vld [tilespmem:$0x4A30];
	[tilespmem:$0x44C0] =	vst v1;
	v1 =	vsel vm1, $0x1, v6  }
0x7a: {  	v6 =	vld [tilespmem:$0x4B00];
	[tilespmem:$0x4580] =	vst v1;
	v1 =	vsel vm0, $0x1, v7  }
0x7b: {  	v7 =	vld [tilespmem:$0x4BC0];
	[tilespmem:$0x4650] =	vst v1;
	v1 =	vsel vm1, $0x1, v8  }
0x7c: {  	v8 =	vld [tilespmem:$0x4C90];
	[tilespmem:$0x4710] =	vst v1;
	v1 =	vsel vm0, $0x1, v2  }
0x7d: {  	v2 =	vld [tilespmem:$0x4D50];
	[tilespmem:$0x47E0] =	vst v1;
	v1 =	vsel vm1, $0x1, v3  }
0x7e: {  	v3 =	vld [tilespmem:$0x4E20];
	[tilespmem:$0x48A0] =	vst v1;
	v1 =	vsel vm0, $0x1, v4  }
0x7f: {  	v4 =	vld [tilespmem:$0x4EE0];
	[tilespmem:$0x4970] =	vst v1;
	v1 =	vsel vm1, $0x1, v5  }
0x80: {  	v5 =	vld [tilespmem:$0x4FB0];
	[tilespmem:$0x4A30] =	vst v1;
	v1 =	vsel vm0, $0x1, v6  }
0x81: {  	v6 =	vld [tilespmem:$0x5070];
	[tilespmem:$0x4B00] =	vst v1;
	v1 =	vsel vm1, $0x1, v7  }
0x82: {  	v7 =	vld [tilespmem:$0x5140];
	[tilespmem:$0x4BC0] =	vst v1;
	v1 =	vsel vm0, $0x1, v8  }
0x83: {  	v8 =	vld [tilespmem:$0x5200];
	[tilespmem:$0x4C90] =	vst v1;
	v1 =	vsel vm1, $0x1, v2  }
0x84: {  	v2 =	vld [tilespmem:$0x52D0];
	[tilespmem:$0x4D50] =	vst v1;
	v1 =	vsel vm0, $0x1, v3  }
0x85: {  	v3 =	vld [tilespmem:$0x5390];
	[tilespmem:$0x4E20] =	vst v1;
	v1 =	vsel vm1, $0x1, v4  }
0x86: {  	v4 =	vld [tilespmem:$0x5460];
	[tilespmem:$0x4EE0] =	vst v1;
	v1 =	vsel vm0, $0x1, v5  }
0x87: {  	v5 =	vld [tilespmem:$0x5520];
	[tilespmem:$0x4FB0] =	vst v1;
	v1 =	vsel vm1, $0x1, v6  }
0x88: {  	v6 =	vld [tilespmem:$0x55F0];
	[tilespmem:$0x5070] =	vst v1;
	v1 =	vsel vm0, $0x1, v7  }
0x89: {  	v7 =	vld [tilespmem:$0x56B0];
	[tilespmem:$0x5140] =	vst v1;
	v1 =	vsel vm1, $0x1, v8  }
0x8a: {  	v8 =	vld [tilespmem:$0x5780];
	[tilespmem:$0x5200] =	vst v1;
	v1 =	vsel vm0, $0x1, v2  }
0x8b: {  	v2 =	vld [tilespmem:$0x5840];
	[tilespmem:$0x52D0] =	vst v1;
	v1 =	vsel vm1, $0x1, v3  }
0x8c: {  	v3 =	vld [tilespmem:$0x5910];
	[tilespmem:$0x5390] =	vst v1;
	v1 =	vsel vm0, $0x1, v4  }
0x8d: {  	v4 =	vld [tilespmem:$0x59D0];
	[tilespmem:$0x5460] =	vst v1;
	v1 =	vsel vm1, $0x1, v5  }
0x8e: {  	v5 =	vld [tilespmem:$0x5AA0];
	[tilespmem:$0x5520] =	vst v1;
	v1 =	vsel vm0, $0x1, v6  }
0x8f: {  	v6 =	vld [tilespmem:$0x5B60];
	[tilespmem:$0x55F0] =	vst v1;
	v1 =	vsel vm1, $0x1, v7  }
0x90: {  	v7 =	vld [tilespmem:$0x5C30];
	[tilespmem:$0x56B0] =	vst v1;
	v1 =	vsel vm0, $0x1, v8  }
0x91: {  	v8 =	vld [tilespmem:$0x5CF0];
	[tilespmem:$0x5780] =	vst v1;
	v1 =	vsel vm1, $0x1, v2  }
0x92: {  	v2 =	vld [tilespmem:$0x5DC0];
	[tilespmem:$0x5840] =	vst v1;
	v1 =	vsel vm0, $0x1, v3  }
0x93: {  	v3 =	vld [tilespmem:$0x5E80];
	[tilespmem:$0x5910] =	vst v1;
	v1 =	vsel vm1, $0x1, v4  }
0x94: {  	v4 =	vld [tilespmem:$0x5F50];
	[tilespmem:$0x59D0] =	vst v1;
	v1 =	vsel vm0, $0x1, v5  }
0x95: {  	v5 =	vld [tilespmem:$0x6010];
	[tilespmem:$0x5AA0] =	vst v1;
	v1 =	vsel vm1, $0x1, v6  }
0x96: {  	v6 =	vld [tilespmem:$0x60E0];
	[tilespmem:$0x5B60] =	vst v1;
	v1 =	vsel vm0, $0x1, v7  }
0x97: {  	v7 =	vld [tilespmem:$0x61A0];
	[tilespmem:$0x5C30] =	vst v1;
	v1 =	vsel vm1, $0x1, v8  }
0x98: {  	v8 =	vld [tilespmem:$0x6270];
	[tilespmem:$0x5CF0] =	vst v1;
	v1 =	vsel vm0, $0x1, v2  }
0x99: {  	v2 =	vsel vm1, $0x1, v3;
	[tilespmem:$0x5DC0] =	vst v1;
	v1 =	vld [tilespmem:$0x6400]  }
0x9a: {  	v3 =	vsel vm0, $0x1, v4;
	[tilespmem:$0x5E80] =	vst v2;
	v2 =	vld [tilespmem:$0x6410]  }
0x9b: {  	[tilespmem:$0x5F50] =	vst v3;
	v4 =	vsel vm1, $0x1, v5;
	v3 =	vld [tilespmem:$0x6420]  }
0x9c: {  	[tilespmem:$0x6010] =	vst v4;
	v5 =	vsel vm0, $0x1, v6;
	v4 =	vld [tilespmem:$0x6430]  }
0x9d: {  	[tilespmem:$0x60E0] =	vst v5;
	v6 =	vsel vm1, $0x1, v7;
	v5 =	vld [tilespmem:$0x6440]  }
0x9e: {  	[tilespmem:$0x61A0] =	vst v6;
	v7 =	vsel vm0, $0x1, v8;
	v6 =	vld [tilespmem:$0x6450]  }
0x9f: {  	v8 =	vsel vm1, $0x1, v9;
	[tilespmem:$0x6270] =	vst v7;
	v7 =	vld [tilespmem:$0x6460]  }
0xa0: {  	s29 =	simm.s32 $0x0;
	[tilespmem:$0x6330] =	vst v8;
	v8 =	vld [tilespmem:$0x6470]  }
.LBB2_2:
0xa1: {  	p0 =	sne.s32 s29, $0x0  }
0xa2: {  	s0 =	simm.s32 @p0 $0x6  }
0xa3: {  	_ =	swait.ge @p0 [sflag:s0], $0x4000  }
0xa4: {  	s10 =	smul.u32 @p0 $0x280, s29;
	[sflag:s0] =	ssyncset.done @p0 $0x0  }
0xa5: {  	s6 =	simm.s32 @p0 $0x80;
	[sflag:s0] =	ssyncadd.s32 @p0 $0xFFFFC000;
	s0 =	simm.s32 @p0 $0x6480  }
0xa6: {  	[tilespmem:s0], [sflag:$0x1] =	stream.indirect.gather @p0 [hbm4b:s1+s6], $0x80, s10, s6, $0xb8;
	[tilespmem:$0x1A480] =	vst v63  }
0xa7: {  	s0 =	simm.s32 @p0 $0x7  }
0xa8: {  	_ =	swait.ge @p0 [sflag:s0], $0x4000  }
0xa9: {  	[sflag:s0] =	ssyncset.done @p0 $0x0  }
0xaa: {  	s2 =	simm.s32 @p0 $0xA480;
	[sflag:s0] =	ssyncadd.s32 @p0 $0xFFFFC000;
	s0 =	sadd.s32 @p0 $0x80, s10  }
0xab: {  	[tilespmem:s2], [sflag:$0x2] =	stream.indirect.gather @p0 [hbm4b:s1+s6], $0x80, s0, s6, $0xb8;
	[tilespmem:$0x1A480] =	vst v63  }
0xac: {  	s2 =	simm.s32 @p0 $0x8  }
0xad: {  	_ =	swait.ge @p0 [sflag:s2], $0x4000  }
0xae: {  	[sflag:s2] =	ssyncset.done @p0 $0x0  }
0xaf: {  	s7 =	simm.s32 @p0 $0xE480;
	[sflag:s2] =	ssyncadd.s32 @p0 $0xFFFFC000;
	s2 =	sadd.s32 @p0 $0x100, s10  }
0xb0: {  	[tilespmem:s7], [sflag:$0x3] =	stream.indirect.gather @p0 [hbm4b:s1+s6], $0x80, s2, s6, $0xb8;
	[tilespmem:$0x1A480] =	vst v63  }
0xb1: {  	s7 =	simm.s32 @p0 $0x9  }
0xb2: {  	_ =	swait.ge @p0 [sflag:s7], $0x4000  }
0xb3: {  	[sflag:s7] =	ssyncset.done @p0 $0x0  }
0xb4: {  	s31 =	sadd.s32 @p0 $0x180, s10;
	[sflag:s7] =	ssyncadd.s32 @p0 $0xFFFFC000;
	s7 =	simm.s32 @p0 $0x12480  }
0xb5: {  	[tilespmem:s7], [sflag:$0x4] =	stream.indirect.gather @p0 [hbm4b:s1+s6], $0x80, s31, s6, $0xb8;
	[tilespmem:$0x1A480] =	vst v63  }
0xb6: {  	s6 =	simm.s32 @p0 $0xA  }
0xb7: {  	_ =	swait.ge @p0 [sflag:s6], $0x4000  }
0xb8: {  	s8 =	simm.s32 @!p0 $0x6480;
	[sflag:s6] =	ssyncset.done @p0 $0x0  }
0xb9: {  	s7 =	simm.s32 @!p0 $0x0;
	[sflag:s6] =	ssyncadd.s32 @p0 $0xFFFFC000;
	s6 =	simm.s32 @!p0 $0x80  }
0xba: {  	[tilespmem:s8], [sflag:$0x1] =	stream.indirect.gather @!p0 [hbm4b:s1+s6], $0x80, s7, s6, $0xb8;
	[tilespmem:$0x1A480] =	vst v63  }
0xbb: {  	s7 =	simm.s32 @!p0 $0xA480  }
0xbc: {  	[tilespmem:s7], [sflag:$0x2] =	stream.indirect.gather @!p0 [hbm4b:s1+s6], $0x80, s6, s6, $0xb8;
	[tilespmem:$0x1A480] =	vst v63  }
0xbd: {  	s8 =	simm.s32 @!p0 $0xE480;
	s7 =	simm.s32 @!p0 $0x100  }
0xbe: {  	[tilespmem:s8], [sflag:$0x3] =	stream.indirect.gather @!p0 [hbm4b:s1+s6], $0x80, s7, s6, $0xb8;
	[tilespmem:$0x1A480] =	vst v63  }
0xbf: {  	s10 =	simm.s32 @!p0 $0x0;
	s7 =	simm.s32 @!p0 $0x180;
	s8 =	simm.s32 @!p0 $0x12480  }
0xc0: {  	[tilespmem:s8], [sflag:$0x4] =	stream.indirect.gather @!p0 [hbm4b:s1+s6], $0x80, s7, s6, $0xb8;
	[tilespmem:$0x1A480] =	vst v63  }
0xc1: {  	s30 =	sadd.s32 $0x200, s10  }
0xc2: {  	[tilespmem:s12], [sflag:$0x5] =	stream.indirect.gather [hbm4b:s1+s11], $0x80, s30, s11, $0xb8;
	[tilespmem:$0x1A480] =	vst v63  }
0xc3: {  	_ =	swait.ge [sflag:s13], $0x4000  }
0xc4: {  	[sflag:s13] =	ssyncset.done $0x0  }
0xc5: {  	s6 =	simm.s32 $0x6500;
	[sflag:s13] =	ssyncadd.s32 $0xFFFFC000  }
0xc6: {  	v9 =	vld [tilespmem:s6+$0x70]  }
0xc7: {  	v10 =	vld [tilespmem:s6+$0xFFFFFF90]  }
0xc8: {  	v11 =	vld [tilespmem:s6+$0xFFFFFFA0]  }
0xc9: {  	v12 =	vld [tilespmem:s6+$0xFFFFFFB0]  }
0xca: {  	v13 =	vld [tilespmem:s6+$0xFFFFFFC0]  }
0xcb: {  	v14 =	vld [tilespmem:s6+$0xFFFFFFD0];
	v9 =	vadd.f32 v9, v8  }
0xcc: {  	v15 =	vld [tilespmem:s6+$0xFFFFFFE0];
	v10 =	vadd.f32 v10, v2  }
0xcd: {  	v16 =	vld [tilespmem:s6+$0xFFFFFFF0];
	v11 =	vadd.f32 v11, v3;
	[tilespmem:s6+$0x70] =	vst v9  }
0xce: {  	[tilespmem:s6+$0xFFFFFF90] =	vst v10;
	v9 =	vadd.f32 v12, v4;
	v12 =	vld [tilespmem:s6+$0x0]  }
0xcf: {  	[tilespmem:s6+$0xFFFFFFA0] =	vst v11;
	v10 =	vadd.f32 v13, v5;
	v13 =	vld [tilespmem:s6+$0x10]  }
0xd0: {  	v17 =	vld [tilespmem:s6+$0x20];
	v11 =	vadd.f32 v14, v6;
	[tilespmem:s6+$0xFFFFFFB0] =	vst v9  }
0xd1: {  	v14 =	vadd.f32 v15, v7;
	[tilespmem:s6+$0xFFFFFFC0] =	vst v10;
	v9 =	vld [tilespmem:s6+$0x30]  }
0xd2: {  	v15 =	vadd.f32 v16, v8;
	[tilespmem:s6+$0xFFFFFFD0] =	vst v11;
	v10 =	vld [tilespmem:s6+$0x40]  }
0xd3: {  	[tilespmem:s6+$0xFFFFFFE0] =	vst v14;
	v11 =	vld [tilespmem:s6+$0x50];
	v16 =	vadd.f32 v12, v1  }
0xd4: {  	s0 =	simm.s32 @!p0 $0x80;
	s2 =	simm.s32 @!p0 $0x100;
	[tilespmem:s6+$0xFFFFFFF0] =	vst v15;
	v12 =	vld [tilespmem:s6+$0x60];
	v14 =	vadd.f32 v13, v2  }
0xd5: {  	s31 =	simm.s32 @!p0 $0x180;
	s7 =	simm.s32 $0x0;
	s8 =	simm.s32 $0x6600;
	v15 =	vadd.f32 v17, v3;
	v13 =	vld [tilespmem:s6+$0xFFFFFF80];
	[tilespmem:s6+$0x0] =	vst v16  }
.LBB2_3:
0xd6: {  	v16 =	vld [tilespmem:s8+$0x70];
	s7 =	sadd.s32 $0x2, s7;
	[tilespmem:s6+$0x10] =	vst v14;
	v9 =	vadd.f32 v9, v4  }
0xd7: {  	v14 =	vld [tilespmem:s8+$0xFFFFFF90];
	p0 =	slt.u32 s7, $0x7E;
	[tilespmem:s6+$0x20] =	vst v15;
	v10 =	vadd.f32 v10, v5  }
0xd8: {  	v15 =	vld [tilespmem:s8+$0xFFFFFFA0];
	[tilespmem:s6+$0x30] =	vst v9;
	v9 =	vadd.f32 v11, v6  }
0xd9: {  	v11 =	vld [tilespmem:s8+$0xFFFFFFB0];
	[tilespmem:s6+$0x40] =	vst v10;
	v10 =	vadd.f32 v12, v7  }
0xda: {  	v12 =	vld [tilespmem:s8+$0xFFFFFFC0];
	v13 =	vadd.f32 v13, v1;
	[tilespmem:s6+$0x50] =	vst v9  }
0xdb: {  	v9 =	vld [tilespmem:s8+$0xFFFFFFD0];
	v16 =	vadd.f32 v16, v8;
	[tilespmem:s6+$0x60] =	vst v10  }
0xdc: {  	v10 =	vadd.f32 v14, v2;
	v14 =	vld [tilespmem:s8+$0xFFFFFFE0];
	[tilespmem:s6+$0xFFFFFF80] =	vst v13;
	s6 =	smov.u32 s8  }
0xdd: {  	v13 =	vadd.f32 v15, v3;
	v15 =	vld [tilespmem:s8+$0xFFFFFFF0];
	[tilespmem:s8+$0x70] =	vst v16  }
0xde: {  	[tilespmem:s8+$0xFFFFFF90] =	vst v10;
	v10 =	vadd.f32 v11, v4;
	v11 =	vld [tilespmem:s8+$0x0]  }
0xdf: {  	[tilespmem:s8+$0xFFFFFFA0] =	vst v13;
	v12 =	vadd.f32 v12, v5;
	v13 =	vld [tilespmem:s8+$0x10]  }
0xe0: {  	[tilespmem:s8+$0xFFFFFFB0] =	vst v10;
	v10 =	vadd.f32 v9, v6;
	v16 =	vld [tilespmem:s8+$0x20]  }
.Ltmp0:
0xe1: {  	[tilespmem:s8+$0xFFFFFFC0] =	vst v12;
	v12 =	vadd.f32 v14, v7;
	v9 =	vld [tilespmem:s8+$0x30];
	(pc) =	sbr.rel @p0 .LBB2_3-.Ltmp0, $4  }
0xe2: {  	[tilespmem:s8+$0xFFFFFFD0] =	vst v10;
	v14 =	vadd.f32 v15, v8;
	v10 =	vld [tilespmem:s8+$0x40]  }
0xe3: {  	[tilespmem:s8+$0xFFFFFFE0] =	vst v12;
	v15 =	vadd.f32 v11, v1;
	v11 =	vld [tilespmem:s8+$0x50]  }
0xe4: {  	[tilespmem:s8+$0xFFFFFFF0] =	vst v14;
	v14 =	vadd.f32 v13, v2;
	v12 =	vld [tilespmem:s8+$0x60]  }
0xe5: {  	s8 =	sadd.s32 $0x100, s8;
	v13 =	vld [tilespmem:s6+$0xFFFFFF80];
	[tilespmem:s6+$0x0] =	vst v15;
	v15 =	vadd.f32 v16, v3  }
0xe6: {  	[tilespmem:s6+$0x10] =	vst v14;
	v9 =	vadd.f32 v9, v4  }
0xe7: {  	[tilespmem:s6+$0x20] =	vst v15;
	v10 =	vadd.f32 v10, v5  }
0xe8: {  	[tilespmem:s6+$0x30] =	vst v9;
	v9 =	vadd.f32 v11, v6  }
0xe9: {  	[tilespmem:s6+$0x40] =	vst v10;
	v10 =	vadd.f32 v12, v7  }
0xea: {  	s7 =	sadd.s32 s4, s10;
	v11 =	vadd.f32 v13, v1;
	[tilespmem:s6+$0x50] =	vst v9  }
0xeb: {  	s7 =	sshll.u32 s7, $0x4;
	[tilespmem:s6+$0x60] =	vst v10  }
0xec: {  	s10 =	sadd.s32 s3, s7;
	[tilespmem:s6+$0xFFFFFF80] =	vst v11  }
0xed: {  	[hbm4b:s10+s5] =	stream.linear.scatter [tilespmem:s14], [sflag:$0x6], $0x4000, $0x38;
	[tilespmem:$0x1A480] =	vst v63  }
0xee: {  	_ =	swait.ge [sflag:s15], $0x4000  }
0xef: {  	[sflag:s15] =	ssyncset.done $0x0  }
0xf0: {  	s6 =	simm.s32 $0xA500;
	[sflag:s15] =	ssyncadd.s32 $0xFFFFC000  }
0xf1: {  	v9 =	vld [tilespmem:s6+$0x70]  }
0xf2: {  	v10 =	vld [tilespmem:s6+$0xFFFFFF90]  }
0xf3: {  	v11 =	vld [tilespmem:s6+$0xFFFFFFA0]  }
0xf4: {  	v12 =	vld [tilespmem:s6+$0xFFFFFFB0]  }
0xf5: {  	v13 =	vld [tilespmem:s6+$0xFFFFFFC0]  }
0xf6: {  	v14 =	vld [tilespmem:s6+$0xFFFFFFD0];
	v9 =	vadd.f32 v9, v8  }
0xf7: {  	v15 =	vld [tilespmem:s6+$0xFFFFFFE0];
	v10 =	vadd.f32 v10, v2  }
0xf8: {  	v16 =	vld [tilespmem:s6+$0xFFFFFFF0];
	v11 =	vadd.f32 v11, v3;
	[tilespmem:s6+$0x70] =	vst v9  }
0xf9: {  	[tilespmem:s6+$0xFFFFFF90] =	vst v10;
	v9 =	vadd.f32 v12, v4;
	v12 =	vld [tilespmem:s6+$0x0]  }
0xfa: {  	[tilespmem:s6+$0xFFFFFFA0] =	vst v11;
	v10 =	vadd.f32 v13, v5;
	v13 =	vld [tilespmem:s6+$0x10]  }
0xfb: {  	v17 =	vld [tilespmem:s6+$0x20];
	v11 =	vadd.f32 v14, v6;
	[tilespmem:s6+$0xFFFFFFB0] =	vst v9  }
0xfc: {  	v14 =	vadd.f32 v15, v7;
	[tilespmem:s6+$0xFFFFFFC0] =	vst v10;
	v9 =	vld [tilespmem:s6+$0x30]  }
0xfd: {  	v15 =	vadd.f32 v16, v8;
	[tilespmem:s6+$0xFFFFFFD0] =	vst v11;
	v10 =	vld [tilespmem:s6+$0x40]  }
0xfe: {  	[tilespmem:s6+$0xFFFFFFE0] =	vst v14;
	v11 =	vld [tilespmem:s6+$0x50];
	v16 =	vadd.f32 v12, v1  }
0xff: {  	[tilespmem:s6+$0xFFFFFFF0] =	vst v15;
	v12 =	vld [tilespmem:s6+$0x60];
	v14 =	vadd.f32 v13, v2  }
0x100: {  	s8 =	simm.s32 $0xA600;
	s7 =	simm.s32 $0x0;
	v15 =	vadd.f32 v17, v3;
	v13 =	vld [tilespmem:s6+$0xFFFFFF80];
	[tilespmem:s6+$0x0] =	vst v16  }
.LBB2_5:
0x101: {  	v16 =	vld [tilespmem:s8+$0x70];
	s7 =	sadd.s32 $0x2, s7;
	[tilespmem:s6+$0x10] =	vst v14;
	v9 =	vadd.f32 v9, v4  }
0x102: {  	v14 =	vld [tilespmem:s8+$0xFFFFFF90];
	p0 =	slt.u32 s7, $0x7E;
	[tilespmem:s6+$0x20] =	vst v15;
	v10 =	vadd.f32 v10, v5  }
0x103: {  	v15 =	vld [tilespmem:s8+$0xFFFFFFA0];
	[tilespmem:s6+$0x30] =	vst v9;
	v9 =	vadd.f32 v11, v6  }
0x104: {  	v11 =	vld [tilespmem:s8+$0xFFFFFFB0];
	[tilespmem:s6+$0x40] =	vst v10;
	v10 =	vadd.f32 v12, v7  }
0x105: {  	v12 =	vld [tilespmem:s8+$0xFFFFFFC0];
	v13 =	vadd.f32 v13, v1;
	[tilespmem:s6+$0x50] =	vst v9  }
0x106: {  	v9 =	vld [tilespmem:s8+$0xFFFFFFD0];
	v16 =	vadd.f32 v16, v8;
	[tilespmem:s6+$0x60] =	vst v10  }
0x107: {  	v10 =	vadd.f32 v14, v2;
	v14 =	vld [tilespmem:s8+$0xFFFFFFE0];
	[tilespmem:s6+$0xFFFFFF80] =	vst v13;
	s6 =	smov.u32 s8  }
0x108: {  	v13 =	vadd.f32 v15, v3;
	v15 =	vld [tilespmem:s8+$0xFFFFFFF0];
	[tilespmem:s8+$0x70] =	vst v16  }
0x109: {  	[tilespmem:s8+$0xFFFFFF90] =	vst v10;
	v10 =	vadd.f32 v11, v4;
	v11 =	vld [tilespmem:s8+$0x0]  }
0x10a: {  	[tilespmem:s8+$0xFFFFFFA0] =	vst v13;
	v12 =	vadd.f32 v12, v5;
	v13 =	vld [tilespmem:s8+$0x10]  }
0x10b: {  	[tilespmem:s8+$0xFFFFFFB0] =	vst v10;
	v10 =	vadd.f32 v9, v6;
	v16 =	vld [tilespmem:s8+$0x20]  }
.Ltmp1:
0x10c: {  	[tilespmem:s8+$0xFFFFFFC0] =	vst v12;
	v12 =	vadd.f32 v14, v7;
	v9 =	vld [tilespmem:s8+$0x30];
	(pc) =	sbr.rel @p0 .LBB2_5-.Ltmp1, $4  }
0x10d: {  	[tilespmem:s8+$0xFFFFFFD0] =	vst v10;
	v14 =	vadd.f32 v15, v8;
	v10 =	vld [tilespmem:s8+$0x40]  }
0x10e: {  	[tilespmem:s8+$0xFFFFFFE0] =	vst v12;
	v15 =	vadd.f32 v11, v1;
	v11 =	vld [tilespmem:s8+$0x50]  }
0x10f: {  	[tilespmem:s8+$0xFFFFFFF0] =	vst v14;
	v14 =	vadd.f32 v13, v2;
	v12 =	vld [tilespmem:s8+$0x60]  }
0x110: {  	s8 =	sadd.s32 $0x100, s8;
	v13 =	vld [tilespmem:s6+$0xFFFFFF80];
	[tilespmem:s6+$0x0] =	vst v15;
	v15 =	vadd.f32 v16, v3  }
0x111: {  	[tilespmem:s6+$0x10] =	vst v14;
	v9 =	vadd.f32 v9, v4  }
0x112: {  	[tilespmem:s6+$0x20] =	vst v15;
	v10 =	vadd.f32 v10, v5  }
0x113: {  	[tilespmem:s6+$0x30] =	vst v9;
	v9 =	vadd.f32 v11, v6  }
0x114: {  	[tilespmem:s6+$0x40] =	vst v10;
	v10 =	vadd.f32 v12, v7  }
0x115: {  	s0 =	sadd.s32 s4, s0;
	v11 =	vadd.f32 v13, v1;
	[tilespmem:s6+$0x50] =	vst v9  }
0x116: {  	s0 =	sshll.u32 s0, $0x4;
	[tilespmem:s6+$0x60] =	vst v10  }
0x117: {  	s0 =	sadd.s32 s3, s0;
	[tilespmem:s6+$0xFFFFFF80] =	vst v11  }
0x118: {  	[hbm4b:s0+s5] =	stream.linear.scatter [tilespmem:s16], [sflag:$0x7], $0x4000, $0x38;
	[tilespmem:$0x1A480] =	vst v63  }
0x119: {  	_ =	swait.ge [sflag:s17], $0x4000  }
0x11a: {  	[sflag:s17] =	ssyncset.done $0x0  }
0x11b: {  	s0 =	simm.s32 $0xE500;
	[sflag:s17] =	ssyncadd.s32 $0xFFFFC000  }
0x11c: {  	v9 =	vld [tilespmem:s0+$0x70]  }
0x11d: {  	v10 =	vld [tilespmem:s0+$0xFFFFFF90]  }
0x11e: {  	v11 =	vld [tilespmem:s0+$0xFFFFFFA0]  }
0x11f: {  	v12 =	vld [tilespmem:s0+$0xFFFFFFB0]  }
0x120: {  	v13 =	vld [tilespmem:s0+$0xFFFFFFC0]  }
0x121: {  	v14 =	vld [tilespmem:s0+$0xFFFFFFD0];
	v9 =	vadd.f32 v9, v8  }
0x122: {  	v15 =	vld [tilespmem:s0+$0xFFFFFFE0];
	v10 =	vadd.f32 v10, v2  }
0x123: {  	v16 =	vld [tilespmem:s0+$0xFFFFFFF0];
	v11 =	vadd.f32 v11, v3;
	[tilespmem:s0+$0x70] =	vst v9  }
0x124: {  	[tilespmem:s0+$0xFFFFFF90] =	vst v10;
	v9 =	vadd.f32 v12, v4;
	v12 =	vld [tilespmem:s0+$0x0]  }
0x125: {  	[tilespmem:s0+$0xFFFFFFA0] =	vst v11;
	v10 =	vadd.f32 v13, v5;
	v13 =	vld [tilespmem:s0+$0x10]  }
0x126: {  	v17 =	vld [tilespmem:s0+$0x20];
	v11 =	vadd.f32 v14, v6;
	[tilespmem:s0+$0xFFFFFFB0] =	vst v9  }
0x127: {  	v14 =	vadd.f32 v15, v7;
	[tilespmem:s0+$0xFFFFFFC0] =	vst v10;
	v9 =	vld [tilespmem:s0+$0x30]  }
0x128: {  	v15 =	vadd.f32 v16, v8;
	[tilespmem:s0+$0xFFFFFFD0] =	vst v11;
	v10 =	vld [tilespmem:s0+$0x40]  }
0x129: {  	[tilespmem:s0+$0xFFFFFFE0] =	vst v14;
	v11 =	vld [tilespmem:s0+$0x50];
	v16 =	vadd.f32 v12, v1  }
0x12a: {  	[tilespmem:s0+$0xFFFFFFF0] =	vst v15;
	v12 =	vld [tilespmem:s0+$0x60];
	v14 =	vadd.f32 v13, v2  }
0x12b: {  	s7 =	simm.s32 $0xE600;
	s6 =	simm.s32 $0x0;
	v15 =	vadd.f32 v17, v3;
	v13 =	vld [tilespmem:s0+$0xFFFFFF80];
	[tilespmem:s0+$0x0] =	vst v16  }
.LBB2_7:
0x12c: {  	v16 =	vld [tilespmem:s7+$0x70];
	s6 =	sadd.s32 $0x2, s6;
	[tilespmem:s0+$0x10] =	vst v14;
	v9 =	vadd.f32 v9, v4  }
0x12d: {  	v14 =	vld [tilespmem:s7+$0xFFFFFF90];
	p0 =	slt.u32 s6, $0x7E;
	[tilespmem:s0+$0x20] =	vst v15;
	v10 =	vadd.f32 v10, v5  }
0x12e: {  	v15 =	vld [tilespmem:s7+$0xFFFFFFA0];
	[tilespmem:s0+$0x30] =	vst v9;
	v9 =	vadd.f32 v11, v6  }
0x12f: {  	v11 =	vld [tilespmem:s7+$0xFFFFFFB0];
	[tilespmem:s0+$0x40] =	vst v10;
	v10 =	vadd.f32 v12, v7  }
0x130: {  	v12 =	vld [tilespmem:s7+$0xFFFFFFC0];
	v13 =	vadd.f32 v13, v1;
	[tilespmem:s0+$0x50] =	vst v9  }
0x131: {  	v9 =	vld [tilespmem:s7+$0xFFFFFFD0];
	v16 =	vadd.f32 v16, v8;
	[tilespmem:s0+$0x60] =	vst v10  }
0x132: {  	v10 =	vadd.f32 v14, v2;
	v14 =	vld [tilespmem:s7+$0xFFFFFFE0];
	[tilespmem:s0+$0xFFFFFF80] =	vst v13;
	s0 =	smov.u32 s7  }
0x133: {  	v13 =	vadd.f32 v15, v3;
	v15 =	vld [tilespmem:s7+$0xFFFFFFF0];
	[tilespmem:s7+$0x70] =	vst v16  }
0x134: {  	[tilespmem:s7+$0xFFFFFF90] =	vst v10;
	v10 =	vadd.f32 v11, v4;
	v11 =	vld [tilespmem:s7+$0x0]  }
0x135: {  	[tilespmem:s7+$0xFFFFFFA0] =	vst v13;
	v12 =	vadd.f32 v12, v5;
	v13 =	vld [tilespmem:s7+$0x10]  }
0x136: {  	[tilespmem:s7+$0xFFFFFFB0] =	vst v10;
	v10 =	vadd.f32 v9, v6;
	v16 =	vld [tilespmem:s7+$0x20]  }
.Ltmp2:
0x137: {  	[tilespmem:s7+$0xFFFFFFC0] =	vst v12;
	v12 =	vadd.f32 v14, v7;
	v9 =	vld [tilespmem:s7+$0x30];
	(pc) =	sbr.rel @p0 .LBB2_7-.Ltmp2, $4  }
0x138: {  	[tilespmem:s7+$0xFFFFFFD0] =	vst v10;
	v14 =	vadd.f32 v15, v8;
	v10 =	vld [tilespmem:s7+$0x40]  }
0x139: {  	[tilespmem:s7+$0xFFFFFFE0] =	vst v12;
	v15 =	vadd.f32 v11, v1;
	v11 =	vld [tilespmem:s7+$0x50]  }
0x13a: {  	[tilespmem:s7+$0xFFFFFFF0] =	vst v14;
	v14 =	vadd.f32 v13, v2;
	v12 =	vld [tilespmem:s7+$0x60]  }
0x13b: {  	s7 =	sadd.s32 $0x100, s7;
	v13 =	vld [tilespmem:s0+$0xFFFFFF80];
	[tilespmem:s0+$0x0] =	vst v15;
	v15 =	vadd.f32 v16, v3  }
0x13c: {  	[tilespmem:s0+$0x10] =	vst v14;
	v9 =	vadd.f32 v9, v4  }
0x13d: {  	[tilespmem:s0+$0x20] =	vst v15;
	v10 =	vadd.f32 v10, v5  }
0x13e: {  	[tilespmem:s0+$0x30] =	vst v9;
	v9 =	vadd.f32 v11, v6  }
0x13f: {  	[tilespmem:s0+$0x40] =	vst v10;
	v10 =	vadd.f32 v12, v7  }
0x140: {  	s2 =	sadd.s32 s4, s2;
	v11 =	vadd.f32 v13, v1;
	[tilespmem:s0+$0x50] =	vst v9  }
0x141: {  	s2 =	sshll.u32 s2, $0x4;
	[tilespmem:s0+$0x60] =	vst v10  }
0x142: {  	s10 =	sadd.s32 s3, s2;
	[tilespmem:s0+$0xFFFFFF80] =	vst v11  }
0x143: {  	[hbm4b:s10+s5] =	stream.linear.scatter [tilespmem:s18], [sflag:$0x8], $0x4000, $0x38;
	[tilespmem:$0x1A480] =	vst v63  }
0x144: {  	_ =	swait.ge [sflag:s19], $0x4000  }
0x145: {  	[sflag:s19] =	ssyncset.done $0x0  }
0x146: {  	s0 =	simm.s32 $0x12500;
	[sflag:s19] =	ssyncadd.s32 $0xFFFFC000  }
0x147: {  	v9 =	vld [tilespmem:s0+$0x70]  }
0x148: {  	v10 =	vld [tilespmem:s0+$0xFFFFFF90]  }
0x149: {  	v11 =	vld [tilespmem:s0+$0xFFFFFFA0]  }
0x14a: {  	v12 =	vld [tilespmem:s0+$0xFFFFFFB0]  }
0x14b: {  	v13 =	vld [tilespmem:s0+$0xFFFFFFC0]  }
0x14c: {  	v14 =	vld [tilespmem:s0+$0xFFFFFFD0];
	v9 =	vadd.f32 v9, v8  }
0x14d: {  	v15 =	vld [tilespmem:s0+$0xFFFFFFE0];
	v10 =	vadd.f32 v10, v2  }
0x14e: {  	v16 =	vld [tilespmem:s0+$0xFFFFFFF0];
	v11 =	vadd.f32 v11, v3;
	[tilespmem:s0+$0x70] =	vst v9  }
0x14f: {  	[tilespmem:s0+$0xFFFFFF90] =	vst v10;
	v9 =	vadd.f32 v12, v4;
	v12 =	vld [tilespmem:s0+$0x0]  }
0x150: {  	[tilespmem:s0+$0xFFFFFFA0] =	vst v11;
	v10 =	vadd.f32 v13, v5;
	v13 =	vld [tilespmem:s0+$0x10]  }
0x151: {  	v17 =	vld [tilespmem:s0+$0x20];
	v11 =	vadd.f32 v14, v6;
	[tilespmem:s0+$0xFFFFFFB0] =	vst v9  }
0x152: {  	v14 =	vadd.f32 v15, v7;
	[tilespmem:s0+$0xFFFFFFC0] =	vst v10;
	v9 =	vld [tilespmem:s0+$0x30]  }
0x153: {  	v15 =	vadd.f32 v16, v8;
	[tilespmem:s0+$0xFFFFFFD0] =	vst v11;
	v10 =	vld [tilespmem:s0+$0x40]  }
0x154: {  	[tilespmem:s0+$0xFFFFFFE0] =	vst v14;
	v11 =	vld [tilespmem:s0+$0x50];
	v16 =	vadd.f32 v12, v1  }
0x155: {  	[tilespmem:s0+$0xFFFFFFF0] =	vst v15;
	v12 =	vld [tilespmem:s0+$0x60];
	v14 =	vadd.f32 v13, v2  }
0x156: {  	s6 =	simm.s32 $0x12600;
	s2 =	simm.s32 $0x0;
	v15 =	vadd.f32 v17, v3;
	v13 =	vld [tilespmem:s0+$0xFFFFFF80];
	[tilespmem:s0+$0x0] =	vst v16  }
.LBB2_9:
0x157: {  	v16 =	vld [tilespmem:s6+$0x70];
	s2 =	sadd.s32 $0x2, s2;
	[tilespmem:s0+$0x10] =	vst v14;
	v9 =	vadd.f32 v9, v4  }
0x158: {  	v14 =	vld [tilespmem:s6+$0xFFFFFF90];
	p0 =	slt.u32 s2, $0x7E;
	[tilespmem:s0+$0x20] =	vst v15;
	v10 =	vadd.f32 v10, v5  }
0x159: {  	v15 =	vld [tilespmem:s6+$0xFFFFFFA0];
	[tilespmem:s0+$0x30] =	vst v9;
	v9 =	vadd.f32 v11, v6  }
0x15a: {  	v11 =	vld [tilespmem:s6+$0xFFFFFFB0];
	[tilespmem:s0+$0x40] =	vst v10;
	v10 =	vadd.f32 v12, v7  }
0x15b: {  	v12 =	vld [tilespmem:s6+$0xFFFFFFC0];
	v13 =	vadd.f32 v13, v1;
	[tilespmem:s0+$0x50] =	vst v9  }
0x15c: {  	v9 =	vld [tilespmem:s6+$0xFFFFFFD0];
	v16 =	vadd.f32 v16, v8;
	[tilespmem:s0+$0x60] =	vst v10  }
0x15d: {  	v10 =	vadd.f32 v14, v2;
	v14 =	vld [tilespmem:s6+$0xFFFFFFE0];
	[tilespmem:s0+$0xFFFFFF80] =	vst v13;
	s0 =	smov.u32 s6  }
0x15e: {  	v13 =	vadd.f32 v15, v3;
	v15 =	vld [tilespmem:s6+$0xFFFFFFF0];
	[tilespmem:s6+$0x70] =	vst v16  }
0x15f: {  	[tilespmem:s6+$0xFFFFFF90] =	vst v10;
	v10 =	vadd.f32 v11, v4;
	v11 =	vld [tilespmem:s6+$0x0]  }
0x160: {  	[tilespmem:s6+$0xFFFFFFA0] =	vst v13;
	v12 =	vadd.f32 v12, v5;
	v13 =	vld [tilespmem:s6+$0x10]  }
0x161: {  	[tilespmem:s6+$0xFFFFFFB0] =	vst v10;
	v10 =	vadd.f32 v9, v6;
	v16 =	vld [tilespmem:s6+$0x20]  }
.Ltmp3:
0x162: {  	[tilespmem:s6+$0xFFFFFFC0] =	vst v12;
	v12 =	vadd.f32 v14, v7;
	v9 =	vld [tilespmem:s6+$0x30];
	(pc) =	sbr.rel @p0 .LBB2_9-.Ltmp3, $4  }
0x163: {  	[tilespmem:s6+$0xFFFFFFD0] =	vst v10;
	v14 =	vadd.f32 v15, v8;
	v10 =	vld [tilespmem:s6+$0x40]  }
0x164: {  	[tilespmem:s6+$0xFFFFFFE0] =	vst v12;
	v15 =	vadd.f32 v11, v1;
	v11 =	vld [tilespmem:s6+$0x50]  }
0x165: {  	[tilespmem:s6+$0xFFFFFFF0] =	vst v14;
	v14 =	vadd.f32 v13, v2;
	v12 =	vld [tilespmem:s6+$0x60]  }
0x166: {  	s6 =	sadd.s32 $0x100, s6;
	v13 =	vld [tilespmem:s0+$0xFFFFFF80];
	[tilespmem:s0+$0x0] =	vst v15;
	v15 =	vadd.f32 v16, v3  }
0x167: {  	[tilespmem:s0+$0x10] =	vst v14;
	v9 =	vadd.f32 v9, v4  }
0x168: {  	[tilespmem:s0+$0x20] =	vst v15;
	v10 =	vadd.f32 v10, v5  }
0x169: {  	[tilespmem:s0+$0x30] =	vst v9;
	v9 =	vadd.f32 v11, v6  }
0x16a: {  	[tilespmem:s0+$0x40] =	vst v10;
	v10 =	vadd.f32 v12, v7  }
0x16b: {  	s2 =	sadd.s32 s4, s31;
	v11 =	vadd.f32 v13, v1;
	[tilespmem:s0+$0x50] =	vst v9  }
0x16c: {  	s2 =	sshll.u32 s2, $0x4;
	[tilespmem:s0+$0x60] =	vst v10  }
0x16d: {  	s31 =	sadd.s32 s3, s2;
	[tilespmem:s0+$0xFFFFFF80] =	vst v11  }
0x16e: {  	[hbm4b:s31+s5] =	stream.linear.scatter [tilespmem:s20], [sflag:$0x9], $0x4000, $0x38;
	[tilespmem:$0x1A480] =	vst v63  }
0x16f: {  	_ =	swait.ge [sflag:s21], $0x4000  }
0x170: {  	[sflag:s21] =	ssyncset.done $0x0  }
0x171: {  	s0 =	simm.s32 $0x16500;
	[sflag:s21] =	ssyncadd.s32 $0xFFFFC000  }
0x172: {  	v9 =	vld [tilespmem:s0+$0x70]  }
0x173: {  	v10 =	vld [tilespmem:s0+$0xFFFFFF90]  }
0x174: {  	v11 =	vld [tilespmem:s0+$0xFFFFFFA0]  }
0x175: {  	v12 =	vld [tilespmem:s0+$0xFFFFFFB0]  }
0x176: {  	v13 =	vld [tilespmem:s0+$0xFFFFFFC0]  }
0x177: {  	v14 =	vld [tilespmem:s0+$0xFFFFFFD0];
	v9 =	vadd.f32 v9, v8  }
0x178: {  	v15 =	vld [tilespmem:s0+$0xFFFFFFE0];
	v10 =	vadd.f32 v10, v2  }
0x179: {  	v16 =	vld [tilespmem:s0+$0xFFFFFFF0];
	v11 =	vadd.f32 v11, v3;
	[tilespmem:s0+$0x70] =	vst v9  }
0x17a: {  	[tilespmem:s0+$0xFFFFFF90] =	vst v10;
	v9 =	vadd.f32 v12, v4;
	v12 =	vld [tilespmem:s0+$0x0]  }
0x17b: {  	[tilespmem:s0+$0xFFFFFFA0] =	vst v11;
	v10 =	vadd.f32 v13, v5;
	v13 =	vld [tilespmem:s0+$0x10]  }
0x17c: {  	v17 =	vld [tilespmem:s0+$0x20];
	v11 =	vadd.f32 v14, v6;
	[tilespmem:s0+$0xFFFFFFB0] =	vst v9  }
0x17d: {  	v14 =	vadd.f32 v15, v7;
	[tilespmem:s0+$0xFFFFFFC0] =	vst v10;
	v9 =	vld [tilespmem:s0+$0x30]  }
0x17e: {  	v15 =	vadd.f32 v16, v8;
	[tilespmem:s0+$0xFFFFFFD0] =	vst v11;
	v10 =	vld [tilespmem:s0+$0x40]  }
0x17f: {  	[tilespmem:s0+$0xFFFFFFE0] =	vst v14;
	v11 =	vld [tilespmem:s0+$0x50];
	v16 =	vadd.f32 v12, v1  }
0x180: {  	[tilespmem:s0+$0xFFFFFFF0] =	vst v15;
	v12 =	vld [tilespmem:s0+$0x60];
	v14 =	vadd.f32 v13, v2  }
0x181: {  	s6 =	simm.s32 $0x16600;
	s2 =	simm.s32 $0x0;
	v15 =	vadd.f32 v17, v3;
	v13 =	vld [tilespmem:s0+$0xFFFFFF80];
	[tilespmem:s0+$0x0] =	vst v16  }
.LBB2_11:
0x182: {  	v16 =	vld [tilespmem:s6+$0x70];
	s2 =	sadd.s32 $0x2, s2;
	[tilespmem:s0+$0x10] =	vst v14;
	v9 =	vadd.f32 v9, v4  }
0x183: {  	v14 =	vld [tilespmem:s6+$0xFFFFFF90];
	p0 =	slt.u32 s2, $0x7E;
	[tilespmem:s0+$0x20] =	vst v15;
	v10 =	vadd.f32 v10, v5  }
0x184: {  	v15 =	vld [tilespmem:s6+$0xFFFFFFA0];
	[tilespmem:s0+$0x30] =	vst v9;
	v9 =	vadd.f32 v11, v6  }
0x185: {  	v11 =	vld [tilespmem:s6+$0xFFFFFFB0];
	[tilespmem:s0+$0x40] =	vst v10;
	v10 =	vadd.f32 v12, v7  }
0x186: {  	v12 =	vld [tilespmem:s6+$0xFFFFFFC0];
	v13 =	vadd.f32 v13, v1;
	[tilespmem:s0+$0x50] =	vst v9  }
0x187: {  	v9 =	vld [tilespmem:s6+$0xFFFFFFD0];
	v16 =	vadd.f32 v16, v8;
	[tilespmem:s0+$0x60] =	vst v10  }
0x188: {  	v10 =	vadd.f32 v14, v2;
	v14 =	vld [tilespmem:s6+$0xFFFFFFE0];
	[tilespmem:s0+$0xFFFFFF80] =	vst v13;
	s0 =	smov.u32 s6  }
0x189: {  	v13 =	vadd.f32 v15, v3;
	v15 =	vld [tilespmem:s6+$0xFFFFFFF0];
	[tilespmem:s6+$0x70] =	vst v16  }
0x18a: {  	[tilespmem:s6+$0xFFFFFF90] =	vst v10;
	v10 =	vadd.f32 v11, v4;
	v11 =	vld [tilespmem:s6+$0x0]  }
0x18b: {  	[tilespmem:s6+$0xFFFFFFA0] =	vst v13;
	v12 =	vadd.f32 v12, v5;
	v13 =	vld [tilespmem:s6+$0x10]  }
0x18c: {  	[tilespmem:s6+$0xFFFFFFB0] =	vst v10;
	v10 =	vadd.f32 v9, v6;
	v16 =	vld [tilespmem:s6+$0x20]  }
.Ltmp4:
0x18d: {  	[tilespmem:s6+$0xFFFFFFC0] =	vst v12;
	v12 =	vadd.f32 v14, v7;
	v9 =	vld [tilespmem:s6+$0x30];
	(pc) =	sbr.rel @p0 .LBB2_11-.Ltmp4, $4  }
0x18e: {  	[tilespmem:s6+$0xFFFFFFD0] =	vst v10;
	v14 =	vadd.f32 v15, v8;
	v10 =	vld [tilespmem:s6+$0x40]  }
0x18f: {  	[tilespmem:s6+$0xFFFFFFE0] =	vst v12;
	v15 =	vadd.f32 v11, v1;
	v11 =	vld [tilespmem:s6+$0x50]  }
0x190: {  	[tilespmem:s6+$0xFFFFFFF0] =	vst v14;
	v14 =	vadd.f32 v13, v2;
	v12 =	vld [tilespmem:s6+$0x60]  }
0x191: {  	s6 =	sadd.s32 $0x100, s6;
	v13 =	vld [tilespmem:s0+$0xFFFFFF80];
	[tilespmem:s0+$0x0] =	vst v15;
	v15 =	vadd.f32 v16, v3  }
0x192: {  	[tilespmem:s0+$0x10] =	vst v14;
	v9 =	vadd.f32 v9, v4  }
0x193: {  	s29 =	sadd.s32 $0x1, s29;
	[tilespmem:s0+$0x20] =	vst v15;
	v10 =	vadd.f32 v10, v5  }
0x194: {  	p0 =	sne.s32 s29, $0x28;
	[tilespmem:s0+$0x30] =	vst v9;
	v9 =	vadd.f32 v11, v6  }
.Ltmp5:
0x195: {  	[tilespmem:s0+$0x40] =	vst v10;
	v10 =	vadd.f32 v12, v7;
	(pc) =	sbr.rel @p0 .LBB2_2-.Ltmp5, $4  }
0x196: {  	s2 =	sadd.s32 s4, s30;
	v11 =	vadd.f32 v13, v1;
	[tilespmem:s0+$0x50] =	vst v9  }
0x197: {  	s2 =	sshll.u32 s2, $0x4;
	[tilespmem:s0+$0x60] =	vst v10  }
0x198: {  	s31 =	sadd.s32 s3, s2;
	[tilespmem:s0+$0xFFFFFF80] =	vst v11  }
0x199: {  	[hbm4b:s31+s5] =	stream.linear.scatter [tilespmem:s12], [sflag:$0xA], $0x4000, $0x38;
	[tilespmem:$0x1A480] =	vst v63  }
0x19a: {  	_ =	swait.ge [sflag:s22], $0x4000  }
0x19b: {  	[sflag:s22] =	ssyncset.done $0x0  }
0x19c: {  	[sflag:s22] =	ssyncadd.s32 $0xFFFFC000  }
0x19d: {  	_ =	swait.ge [sflag:s23], $0x4000  }
0x19e: {  	[sflag:s23] =	ssyncset.done $0x0  }
0x19f: {  	[sflag:s23] =	ssyncadd.s32 $0xFFFFC000  }
0x1a0: {  	_ =	swait.ge [sflag:s24], $0x4000  }
0x1a1: {  	[sflag:s24] =	ssyncset.done $0x0  }
0x1a2: {  	[sflag:s24] =	ssyncadd.s32 $0xFFFFC000  }
0x1a3: {  	_ =	swait.ge [sflag:s25], $0x4000  }
0x1a4: {  	[sflag:s25] =	ssyncset.done $0x0  }
0x1a5: {  	[sflag:s25] =	ssyncadd.s32 $0xFFFFC000  }
0x1a6: {  	_ =	swait.ge [sflag:s26], $0x4000  }
0x1a7: {  	s28 =	sadd.s32 $0x1, s28;
	s0 =	rddreg [dreg:$0x6]  }
0x1a8: {  	p0 =	sne.s32 s28, s0  }
.Ltmp6:
0x1a9: {  	_ = 	snop;
	(pc) =	sbr.rel @p0 .LBB2_1-.Ltmp6, $3  }
0x1aa: {  	_ =	sdelay $0x1  }
0x1ab: {  	[sflag:s26] =	ssyncset.done $0x0  }
0x1ac: {  	[sflag:s26] =	ssyncadd.s32 $0xFFFFC000  }
0x1ad: {  	_ =	sfence.sel $0x180000  }
0x1ae: {  	[bflag:$0x0] =	sbarrier.arrive $0xFFFF  }
0x1af: {  	_ =	strace $0x90000047  }
0x1b0: {  	s0 =	stileid.u32;
	[bflag:$0x2] =	sbarrier.arrive $0xFFFF  }
0x1b1: {  	p0 =	sne.s32 s0, $0x0;
	s0 =	rddreg [dreg:$0x3]  }
0x1b2: {  	s0 =	sadd.s32 @!p0 $0x100000, s0  }
0x1b3: {  	[sflag:s0] =	ssyncadd.tile.s32 @!p0 $0x1;
	_ =	shalt  }
.Lfunc_end2:
_tile_overlayer_lowered:
.L_overlay_start_2:
0x1b4: {  	(tag) =	ssettag $0x2  }
0x1b5: {  	s0 =	rddreg [dreg:$0x0];
	s2 =	stileid.u32  }
0x1b6: {  	s1 =	rddreg [dreg:$0x1];
	p0 =	sne.s32 s2, $0x0  }
0x1b7: {  	s3 =	rddreg [dreg:$0x2];
	[bflag:$0x3] =	sbarrier.arrive $0xFFFF;
	s2 =	simm.s32 @!p0 $0x1C0B  }
0x1b8: {  	[timem:s3], [sflag:s2] =	dma.local @!p0 [hbm:s0], s1  }
0x1b9: {  	s0 =	simm.s32 @!p0 $0xB  }
0x1ba: {  	_ =	swait.ge @!p0 [sflag:s0], s1  }
0x1bb: {  	s1 =	ssub.s32 @!p0 $0x0, s1;
	[sflag:s0] =	ssyncset.done @!p0 $0x0  }
0x1bc: {  	[sflag:s0] =	ssyncadd.s32 @!p0 s1  }
0x1bd: {  	[bflag:$0x3] =	sbarrier.arrive $0xFFFF  }
0x1be: {  	_ =	shalt  }

</sc_bundles>
